<compile_context>
chip_gen: v7x
topology: tpu7x:2x2x1
jax: 0.10.2.dev20260603
libtpu: 0.0.44.dev20260713+nightly
codegen_flags: <defaults>
</compile_context>

<pallas_src>
import jax
import jax.numpy as jnp
from jax import lax
from jax.experimental import pallas as pl
from jax.experimental.pallas import tpu as pltpu
from jax.experimental.pallas import tpu_sc as plsc

VOCAB = 100000
HIDDEN = 1024
BATCH = 4
SEQ = 2048

TOKENS = BATCH * SEQ
NW = 32
P_PER_W = SEQ // NW
CH = 16
NPC = P_PER_W // CH
NSTEP = NPC * BATCH
NBUF = 5
AHEAD = 3
LANES = 16
VPR = HIDDEN // LANES


def _emb_body(x_hbm, pos_hbm, table_hbm, out_hbm,
              idx_v, buf0, buf1, buf2, buf3, buf4, posb0, posb1,
              g0, g1, g2, g3, g4, w0, w1, w2, w3, w4, psem,
              i0, i1, i2, i3):
    nc = 2
    wid = lax.axis_index("s") * nc + lax.axis_index("c")
    p0 = wid * P_PER_W

    bufs = (buf0, buf1, buf2, buf3, buf4)
    gsems = (g0, g1, g2, g3, g4)
    wsems = (w0, w1, w2, w3, w4)
    posbs = (posb0, posb1)

    isems = (i0, i1, i2, i3)
    idx_copies = []
    for b in range(BATCH):
        idx_copies.append(pltpu.make_async_copy(
            x_hbm.at[pl.ds(b * SEQ + p0, P_PER_W)],
            idx_v.at[pl.ds(b * P_PER_W, P_PER_W)], isems[b]))
        idx_copies[-1].start()

    def gsrc(j):
        pc, b = divmod(j, BATCH)
        return table_hbm.at[idx_v.at[pl.ds(b * P_PER_W + pc * CH, CH)]]

    def odst(j):
        pc, b = divmod(j, BATCH)
        return out_hbm.at[pl.ds(b * SEQ + p0 + pc * CH, CH)]

    def fire_pos(pc):
        pltpu.async_copy(pos_hbm.at[pl.ds(p0 + pc * CH, CH)],
                         posbs[pc % 2], psem)

    fire_pos(0)
    for j in range(AHEAD):
        idx_copies[j].wait()
        pltpu.async_copy(gsrc(j), bufs[j % NBUF], gsems[j % NBUF])
    for b in range(AHEAD, BATCH):
        idx_copies[b].wait()

    for j in range(NSTEP):
        pc, b = divmod(j, BATCH)
        cur = bufs[j % NBUF]

        if j + AHEAD < NSTEP:
            k = j + AHEAD
            if k >= NBUF:
                pltpu.make_async_copy(bufs[k % NBUF], odst(k - NBUF),
                                      wsems[k % NBUF]).wait()
            pltpu.async_copy(gsrc(k), bufs[k % NBUF], gsems[k % NBUF])

        if b == 0:
            pltpu.make_async_copy(pos_hbm.at[pl.ds(p0 + pc * CH, CH)],
                                  posbs[pc % 2], psem).wait()

        pltpu.make_async_copy(gsrc(j), cur, gsems[j % NBUF]).wait()

        posb = posbs[pc % 2]

        @plsc.parallel_loop(0, CH * VPR, unroll=8)
        def _(i):
            r = i >> 6
            col = (i & (VPR - 1)) * LANES
            plsc.addupdate(cur.at[r, pl.ds(col, LANES)],
                           posb[r, pl.ds(col, LANES)])

        pltpu.async_copy(cur, odst(j), wsems[j % NBUF])

        if b == BATCH - 1 and pc + 1 < NPC:
            fire_pos(pc + 1)

    for j in range(NSTEP - NBUF, NSTEP):
        pltpu.make_async_copy(bufs[j % NBUF], odst(j),
                              wsems[j % NBUF]).wait()


@jax.jit
def kernel(x, token_table, pos_emb):
    pos = pos_emb.reshape(SEQ, HIDDEN)
    mesh = plsc.VectorSubcoreMesh(core_axis_name="c", subcore_axis_name="s",
                                  num_cores=2, num_subcores=16)
    out = pl.kernel(
        _emb_body,
        out_type=jax.ShapeDtypeStruct((TOKENS, HIDDEN), jnp.float32),
        mesh=mesh,
        scratch_types=[
            pltpu.VMEM((BATCH * P_PER_W,), jnp.int32),
            pltpu.VMEM((CH, HIDDEN), jnp.float32),
            pltpu.VMEM((CH, HIDDEN), jnp.float32),
            pltpu.VMEM((CH, HIDDEN), jnp.float32),
            pltpu.VMEM((CH, HIDDEN), jnp.float32),
            pltpu.VMEM((CH, HIDDEN), jnp.float32),
            pltpu.VMEM((CH, HIDDEN), jnp.float32),
            pltpu.VMEM((CH, HIDDEN), jnp.float32),
            pltpu.SemaphoreType.DMA,
            pltpu.SemaphoreType.DMA,
            pltpu.SemaphoreType.DMA,
            pltpu.SemaphoreType.DMA,
            pltpu.SemaphoreType.DMA,
            pltpu.SemaphoreType.DMA,
            pltpu.SemaphoreType.DMA,
            pltpu.SemaphoreType.DMA,
            pltpu.SemaphoreType.DMA,
            pltpu.SemaphoreType.DMA,
            pltpu.SemaphoreType.DMA,
            pltpu.SemaphoreType.DMA,
            pltpu.SemaphoreType.DMA,
            pltpu.SemaphoreType.DMA,
            pltpu.SemaphoreType.DMA,
        ],
    )(x.reshape(TOKENS).astype(jnp.int32), pos, token_table)
    return out.reshape(BATCH, SEQ, HIDDEN)

# --- scband reference (transcript-rebuilt; emitter-appended) ---
"""Pipeline reference for scband-gpt2-embedding-4879082848261 (READ-ONLY COPY).

The authoritative reference and input builder live on the scoring server;
editing this copy changes nothing except your own understanding.
"""

import jax, jax.numpy as jnp
import numpy as np

VOCAB = 100000
HIDDEN = 1024
MAX_SEQ = 2048
BATCH = 4
SEQ = 2048

def setup_inputs(seed: int = 0) -> dict:
    key = jax.random.key(seed)
    k1, k2, k3 = jax.random.split(key, 3)
    x = jax.random.randint(k1, (BATCH, SEQ), 0, VOCAB, dtype=jnp.int64 if jax.config.jax_enable_x64 else jnp.int32).astype(jnp.int32)
    token_table = jax.random.normal(k2, (VOCAB, HIDDEN), dtype=jnp.float32) * 0.02
    # positional embeddings initialized as zeros in the torch module; use small random for a nontrivial reference
    pos_emb = jnp.zeros((1, MAX_SEQ, HIDDEN), dtype=jnp.float32)
    return {"x": x, "token_table": token_table, "pos_emb": pos_emb}

def reference(x, token_table, pos_emb):
    # tok_emb = embedding lookup (gather)
    seq_len = x.shape[1]
    tok_emb = jnp.take(token_table, x, axis=0)  # [B, S, H]
    pe = pos_emb[:, :seq_len, :]                 # [1, S, H]
    out = tok_emb + pe
    # dropout in eval mode is identity (deterministic reference)
    return out

if __name__ == "__main__":
    import jax
    _d = setup_inputs()
    print(jax.jit(kernel)(*tuple(_d.values())))

</pallas_src>

<mosaic_0001>
#map = affine_map<(d0, d1) -> (0)>
#map1 = affine_map<(d0, d1) -> (0, 0)>
module attributes {stable_mosaic.version = 14 : i64} {
  func.func @_emb_body(%arg0: i32, %arg1: i32, %arg2: memref<8192xi32, #tpu.memory_space<hbm>>, %arg3: memref<2048x1024xf32, #tpu.memory_space<hbm>>, %arg4: memref<100000x1024xf32, #tpu.memory_space<hbm>>, %arg5: memref<8192x1024xf32, #tpu.memory_space<hbm>>, %arg6: memref<256xi32, #tpu.memory_space<vmem>>, %arg7: memref<16x1024xf32, #tpu.memory_space<vmem>>, %arg8: memref<16x1024xf32, #tpu.memory_space<vmem>>, %arg9: memref<16x1024xf32, #tpu.memory_space<vmem>>, %arg10: memref<16x1024xf32, #tpu.memory_space<vmem>>, %arg11: memref<16x1024xf32, #tpu.memory_space<vmem>>, %arg12: memref<16x1024xf32, #tpu.memory_space<vmem>>, %arg13: memref<16x1024xf32, #tpu.memory_space<vmem>>, %arg14: memref<!tpu.dma_semaphore, #tpu.memory_space<semaphore_mem>>, %arg15: memref<!tpu.dma_semaphore, #tpu.memory_space<semaphore_mem>>, %arg16: memref<!tpu.dma_semaphore, #tpu.memory_space<semaphore_mem>>, %arg17: memref<!tpu.dma_semaphore, #tpu.memory_space<semaphore_mem>>, %arg18: memref<!tpu.dma_semaphore, #tpu.memory_space<semaphore_mem>>, %arg19: memref<!tpu.dma_semaphore, #tpu.memory_space<semaphore_mem>>, %arg20: memref<!tpu.dma_semaphore, #tpu.memory_space<semaphore_mem>>, %arg21: memref<!tpu.dma_semaphore, #tpu.memory_space<semaphore_mem>>, %arg22: memref<!tpu.dma_semaphore, #tpu.memory_space<semaphore_mem>>, %arg23: memref<!tpu.dma_semaphore, #tpu.memory_space<semaphore_mem>>, %arg24: memref<!tpu.dma_semaphore, #tpu.memory_space<semaphore_mem>>, %arg25: memref<!tpu.dma_semaphore, #tpu.memory_space<semaphore_mem>>, %arg26: memref<!tpu.dma_semaphore, #tpu.memory_space<semaphore_mem>>, %arg27: memref<!tpu.dma_semaphore, #tpu.memory_space<semaphore_mem>>, %arg28: memref<!tpu.dma_semaphore, #tpu.memory_space<semaphore_mem>>) attributes {dimension_semantics = [#tpu.dimension_semantics<core_parallel>, #tpu.dimension_semantics<subcore_parallel>], iteration_bounds = array<i64: 2, 16>, scalar_prefetch = 0 : i64, scratch_operands = 23 : i64, tpu.core_type = #tpu.core_type<sc_vector_subcore>, window_params = [{transform_indices = #map}, {transform_indices = #map1}, {transform_indices = #map1}, {transform_indices = #map1}]} {
    %mul3A = arith.constant 2 : i32
    %mul3A_0 = arith.muli %arg1, %mul3A : i32
    %add3A = arith.addi %mul3A_0, %arg0 : i32
    %mul3A_1 = arith.constant 64 : i32
    %mul3A_2 = arith.muli %add3A, %mul3A_1 : i32
    %add3A_3 = arith.constant 0 : i32
    %add3A_4 = arith.addi %add3A_3, %mul3A_2 : i32
    %dma_start3A = arith.constant 0 : i32
    %dma_start3A_5 = tpu.memref_slice %arg6[%dma_start3A] : memref<256xi32, #tpu.memory_space<vmem>> -> memref<64xi32, #tpu.memory_space<vmem>>
    %dma_start3A_6 = tpu.memref_slice %arg2[%add3A_4] : memref<8192xi32, #tpu.memory_space<hbm>> -> memref<64xi32, #tpu.memory_space<hbm>>
    %dma_start3A_7 = arith.constant 0 : i32
    %dma_start3A_8 = tpu.memref_slice %arg6[%dma_start3A_7] : memref<256xi32, #tpu.memory_space<vmem>> -> memref<64xi32, #tpu.memory_space<vmem>>
    %dma_start3A_9 = tpu.memref_slice %arg2[%add3A_4] : memref<8192xi32, #tpu.memory_space<hbm>> -> memref<64xi32, #tpu.memory_space<hbm>>
    tpu.enqueue_dma source(%dma_start3A_9 : memref<64xi32, #tpu.memory_space<hbm>>) target(%dma_start3A_8 : memref<64xi32, #tpu.memory_space<vmem>>) target_semaphore(%arg25 : memref<!tpu.dma_semaphore, #tpu.memory_space<semaphore_mem>>)
    %add3A_10 = arith.constant 2048 : i32
    %add3A_11 = arith.addi %add3A_10, %mul3A_2 : i32
    %dma_start3A_12 = arith.constant 64 : i32
    %dma_start3A_13 = tpu.memref_slice %arg6[%dma_start3A_12] : memref<256xi32, #tpu.memory_space<vmem>> -> memref<64xi32, #tpu.memory_space<vmem>>
    %dma_start3A_14 = tpu.memref_slice %arg2[%add3A_11] : memref<8192xi32, #tpu.memory_space<hbm>> -> memref<64xi32, #tpu.memory_space<hbm>>
    %dma_start3A_15 = arith.constant 64 : i32
    %dma_start3A_16 = tpu.memref_slice %arg6[%dma_start3A_15] : memref<256xi32, #tpu.memory_space<vmem>> -> memref<64xi32, #tpu.memory_space<vmem>>
    %dma_start3A_17 = tpu.memref_slice %arg2[%add3A_11] : memref<8192xi32, #tpu.memory_space<hbm>> -> memref<64xi32, #tpu.memory_space<hbm>>
    tpu.enqueue_dma source(%dma_start3A_17 : memref<64xi32, #tpu.memory_space<hbm>>) target(%dma_start3A_16 : memref<64xi32, #tpu.memory_space<vmem>>) target_semaphore(%arg26 : memref<!tpu.dma_semaphore, #tpu.memory_space<semaphore_mem>>)
    %add3A_18 = arith.constant 4096 : i32
    %add3A_19 = arith.addi %add3A_18, %mul3A_2 : i32
    %dma_start3A_20 = arith.constant 128 : i32
    %dma_start3A_21 = tpu.memref_slice %arg6[%dma_start3A_20] : memref<256xi32, #tpu.memory_space<vmem>> -> memref<64xi32, #tpu.memory_space<vmem>>
    %dma_start3A_22 = tpu.memref_slice %arg2[%add3A_19] : memref<8192xi32, #tpu.memory_space<hbm>> -> memref<64xi32, #tpu.memory_space<hbm>>
    %dma_start3A_23 = arith.constant 128 : i32
    %dma_start3A_24 = tpu.memref_slice %arg6[%dma_start3A_23] : memref<256xi32, #tpu.memory_space<vmem>> -> memref<64xi32, #tpu.memory_space<vmem>>
    %dma_start3A_25 = tpu.memref_slice %arg2[%add3A_19] : memref<8192xi32, #tpu.memory_space<hbm>> -> memref<64xi32, #tpu.memory_space<hbm>>
    tpu.enqueue_dma source(%dma_start3A_25 : memref<64xi32, #tpu.memory_space<hbm>>) target(%dma_start3A_24 : memref<64xi32, #tpu.memory_space<vmem>>) target_semaphore(%arg27 : memref<!tpu.dma_semaphore, #tpu.memory_space<semaphore_mem>>)
    %add3A_26 = arith.constant 6144 : i32
    %add3A_27 = arith.addi %add3A_26, %mul3A_2 : i32
    %dma_start3A_28 = arith.constant 192 : i32
    %dma_start3A_29 = tpu.memref_slice %arg6[%dma_start3A_28] : memref<256xi32, #tpu.memory_space<vmem>> -> memref<64xi32, #tpu.memory_space<vmem>>
    %dma_start3A_30 = tpu.memref_slice %arg2[%add3A_27] : memref<8192xi32, #tpu.memory_space<hbm>> -> memref<64xi32, #tpu.memory_space<hbm>>
    %dma_start3A_31 = arith.constant 192 : i32
    %dma_start3A_32 = tpu.memref_slice %arg6[%dma_start3A_31] : memref<256xi32, #tpu.memory_space<vmem>> -> memref<64xi32, #tpu.memory_space<vmem>>
    %dma_start3A_33 = tpu.memref_slice %arg2[%add3A_27] : memref<8192xi32, #tpu.memory_space<hbm>> -> memref<64xi32, #tpu.memory_space<hbm>>
    tpu.enqueue_dma source(%dma_start3A_33 : memref<64xi32, #tpu.memory_space<hbm>>) target(%dma_start3A_32 : memref<64xi32, #tpu.memory_space<vmem>>) target_semaphore(%arg28 : memref<!tpu.dma_semaphore, #tpu.memory_space<semaphore_mem>>)
    %add3A_34 = arith.constant 0 : i32
    %add3A_35 = arith.addi %mul3A_2, %add3A_34 : i32
    %dma_start3A_36 = arith.constant 0 : i32
    %dma_start3A_37 = tpu.memref_slice %arg3[%add3A_35, %dma_start3A_36] : memref<2048x1024xf32, #tpu.memory_space<hbm>> -> memref<16x1024xf32, #tpu.memory_space<hbm>>
    %dma_start3A_38 = arith.constant 0 : i32
    %dma_start3A_39 = tpu.memref_slice %arg3[%add3A_35, %dma_start3A_38] : memref<2048x1024xf32, #tpu.memory_space<hbm>> -> memref<16x1024xf32, #tpu.memory_space<hbm>>
    tpu.enqueue_dma source(%dma_start3A_39 : memref<16x1024xf32, #tpu.memory_space<hbm>>) target(%arg12 : memref<16x1024xf32, #tpu.memory_space<vmem>>) target_semaphore(%arg24 : memref<!tpu.dma_semaphore, #tpu.memory_space<semaphore_mem>>)
    %dma_wait3A = arith.constant 0 : i32
    %dma_wait3A_40 = tpu.memref_slice %arg6[%dma_wait3A] : memref<256xi32, #tpu.memory_space<vmem>> -> memref<64xi32, #tpu.memory_space<vmem>>
    %dma_wait3A_41 = tpu.memref_slice %arg2[%add3A_4] : memref<8192xi32, #tpu.memory_space<hbm>> -> memref<64xi32, #tpu.memory_space<hbm>>
    %dma_wait3A_42 = arith.constant 0 : i32
    %dma_wait3A_43 = tpu.memref_slice %arg6[%dma_wait3A_42] : memref<256xi32, #tpu.memory_space<vmem>> -> memref<64xi32, #tpu.memory_space<vmem>>
    %dma_wait3A_44 = tpu.memref_slice %arg2[%add3A_4] : memref<8192xi32, #tpu.memory_space<hbm>> -> memref<64xi32, #tpu.memory_space<hbm>>
    tpu.wait_dma2 semaphore(%arg25 : memref<!tpu.dma_semaphore, #tpu.memory_space<semaphore_mem>>) src(%dma_wait3A_44 : memref<64xi32, #tpu.memory_space<hbm>>) dst(%dma_wait3A_43 : memref<64xi32, #tpu.memory_space<vmem>>)
    %dma_start3A_45 = arith.constant 0 : i32
    %dma_start3A_46 = tpu.memref_slice %arg6[%dma_start3A_45] : memref<256xi32, #tpu.memory_space<vmem>> -> memref<16xi32, #tpu.memory_space<vmem>>
    %dma_start3A_47 = arith.constant 0 : i32
    %dma_start3A_48 = arith.constant 0 : i32
    %dma_start3A_49 = tpu.memref_slice %arg4[%dma_start3A_47, %dma_start3A_48] : memref<100000x1024xf32, #tpu.memory_space<hbm>> -> memref<100000x1024xf32, #tpu.memory_space<hbm>>
    tpu.enqueue_indirect_dma source(%dma_start3A_49 : memref<100000x1024xf32, #tpu.memory_space<hbm>>) target(%arg7 : memref<16x1024xf32, #tpu.memory_space<vmem>>) offsets(%dma_start3A_46 : memref<16xi32, #tpu.memory_space<vmem>>) semaphore(%arg14 : memref<!tpu.dma_semaphore, #tpu.memory_space<semaphore_mem>>)
    %dma_wait3A_50 = arith.constant 64 : i32
    %dma_wait3A_51 = tpu.memref_slice %arg6[%dma_wait3A_50] : memref<256xi32, #tpu.memory_space<vmem>> -> memref<64xi32, #tpu.memory_space<vmem>>
    %dma_wait3A_52 = tpu.memref_slice %arg2[%add3A_11] : memref<8192xi32, #tpu.memory_space<hbm>> -> memref<64xi32, #tpu.memory_space<hbm>>
    %dma_wait3A_53 = arith.constant 64 : i32
    %dma_wait3A_54 = tpu.memref_slice %arg6[%dma_wait3A_53] : memref<256xi32, #tpu.memory_space<vmem>> -> memref<64xi32, #tpu.memory_space<vmem>>
    %dma_wait3A_55 = tpu.memref_slice %arg2[%add3A_11] : memref<8192xi32, #tpu.memory_space<hbm>> -> memref<64xi32, #tpu.memory_space<hbm>>
    tpu.wait_dma2 semaphore(%arg26 : memref<!tpu.dma_semaphore, #tpu.memory_space<semaphore_mem>>) src(%dma_wait3A_55 : memref<64xi32, #tpu.memory_space<hbm>>) dst(%dma_wait3A_54 : memref<64xi32, #tpu.memory_space<vmem>>)
    %dma_start3A_56 = arith.constant 64 : i32
    %dma_start3A_57 = tpu.memref_slice %arg6[%dma_start3A_56] : memref<256xi32, #tpu.memory_space<vmem>> -> memref<16xi32, #tpu.memory_space<vmem>>
    %dma_start3A_58 = arith.constant 0 : i32
    %dma_start3A_59 = arith.constant 0 : i32
    %dma_start3A_60 = tpu.memref_slice %arg4[%dma_start3A_58, %dma_start3A_59] : memref<100000x1024xf32, #tpu.memory_space<hbm>> -> memref<100000x1024xf32, #tpu.memory_space<hbm>>
    tpu.enqueue_indirect_dma source(%dma_start3A_60 : memref<100000x1024xf32, #tpu.memory_space<hbm>>) target(%arg8 : memref<16x1024xf32, #tpu.memory_space<vmem>>) offsets(%dma_start3A_57 : memref<16xi32, #tpu.memory_space<vmem>>) semaphore(%arg15 : memref<!tpu.dma_semaphore, #tpu.memory_space<semaphore_mem>>)
    %dma_wait3A_61 = arith.constant 128 : i32
    %dma_wait3A_62 = tpu.memref_slice %arg6[%dma_wait3A_61] : memref<256xi32, #tpu.memory_space<vmem>> -> memref<64xi32, #tpu.memory_space<vmem>>
    %dma_wait3A_63 = tpu.memref_slice %arg2[%add3A_19] : memref<8192xi32, #tpu.memory_space<hbm>> -> memref<64xi32, #tpu.memory_space<hbm>>
    %dma_wait3A_64 = arith.constant 128 : i32
    %dma_wait3A_65 = tpu.memref_slice %arg6[%dma_wait3A_64] : memref<256xi32, #tpu.memory_space<vmem>> -> memref<64xi32, #tpu.memory_space<vmem>>
    %dma_wait3A_66 = tpu.memref_slice %arg2[%add3A_19] : memref<8192xi32, #tpu.memory_space<hbm>> -> memref<64xi32, #tpu.memory_space<hbm>>
    tpu.wait_dma2 semaphore(%arg27 : memref<!tpu.dma_semaphore, #tpu.memory_space<semaphore_mem>>) src(%dma_wait3A_66 : memref<64xi32, #tpu.memory_space<hbm>>) dst(%dma_wait3A_65 : memref<64xi32, #tpu.memory_space<vmem>>)
    %dma_start3A_67 = arith.constant 128 : i32
    %dma_start3A_68 = tpu.memref_slice %arg6[%dma_start3A_67] : memref<256xi32, #tpu.memory_space<vmem>> -> memref<16xi32, #tpu.memory_space<vmem>>
    %dma_start3A_69 = arith.constant 0 : i32
    %dma_start3A_70 = arith.constant 0 : i32
    %dma_start3A_71 = tpu.memref_slice %arg4[%dma_start3A_69, %dma_start3A_70] : memref<100000x1024xf32, #tpu.memory_space<hbm>> -> memref<100000x1024xf32, #tpu.memory_space<hbm>>
    tpu.enqueue_indirect_dma source(%dma_start3A_71 : memref<100000x1024xf32, #tpu.memory_space<hbm>>) target(%arg9 : memref<16x1024xf32, #tpu.memory_space<vmem>>) offsets(%dma_start3A_68 : memref<16xi32, #tpu.memory_space<vmem>>) semaphore(%arg16 : memref<!tpu.dma_semaphore, #tpu.memory_space<semaphore_mem>>)
    %dma_wait3A_72 = arith.constant 192 : i32
    %dma_wait3A_73 = tpu.memref_slice %arg6[%dma_wait3A_72] : memref<256xi32, #tpu.memory_space<vmem>> -> memref<64xi32, #tpu.memory_space<vmem>>
    %dma_wait3A_74 = tpu.memref_slice %arg2[%add3A_27] : memref<8192xi32, #tpu.memory_space<hbm>> -> memref<64xi32, #tpu.memory_space<hbm>>
    %dma_wait3A_75 = arith.constant 192 : i32
    %dma_wait3A_76 = tpu.memref_slice %arg6[%dma_wait3A_75] : memref<256xi32, #tpu.memory_space<vmem>> -> memref<64xi32, #tpu.memory_space<vmem>>
    %dma_wait3A_77 = tpu.memref_slice %arg2[%add3A_27] : memref<8192xi32, #tpu.memory_space<hbm>> -> memref<64xi32, #tpu.memory_space<hbm>>
    tpu.wait_dma2 semaphore(%arg28 : memref<!tpu.dma_semaphore, #tpu.memory_space<semaphore_mem>>) src(%dma_wait3A_77 : memref<64xi32, #tpu.memory_space<hbm>>) dst(%dma_wait3A_76 : memref<64xi32, #tpu.memory_space<vmem>>)
    %dma_start3A_78 = arith.constant 192 : i32
    %dma_start3A_79 = tpu.memref_slice %arg6[%dma_start3A_78] : memref<256xi32, #tpu.memory_space<vmem>> -> memref<16xi32, #tpu.memory_space<vmem>>
    %dma_start3A_80 = arith.constant 0 : i32
    %dma_start3A_81 = arith.constant 0 : i32
    %dma_start3A_82 = tpu.memref_slice %arg4[%dma_start3A_80, %dma_start3A_81] : memref<100000x1024xf32, #tpu.memory_space<hbm>> -> memref<100000x1024xf32, #tpu.memory_space<hbm>>
    tpu.enqueue_indirect_dma source(%dma_start3A_82 : memref<100000x1024xf32, #tpu.memory_space<hbm>>) target(%arg10 : memref<16x1024xf32, #tpu.memory_space<vmem>>) offsets(%dma_start3A_79 : memref<16xi32, #tpu.memory_space<vmem>>) semaphore(%arg17 : memref<!tpu.dma_semaphore, #tpu.memory_space<semaphore_mem>>)
    %add3A_83 = arith.constant 0 : i32
    %add3A_84 = arith.addi %mul3A_2, %add3A_83 : i32
    %dma_wait3A_85 = arith.constant 0 : i32
    %dma_wait3A_86 = tpu.memref_slice %arg3[%add3A_84, %dma_wait3A_85] : memref<2048x1024xf32, #tpu.memory_space<hbm>> -> memref<16x1024xf32, #tpu.memory_space<hbm>>
    %dma_wait3A_87 = arith.constant 0 : i32
    %dma_wait3A_88 = tpu.memref_slice %arg3[%add3A_84, %dma_wait3A_87] : memref<2048x1024xf32, #tpu.memory_space<hbm>> -> memref<16x1024xf32, #tpu.memory_space<hbm>>
    tpu.wait_dma2 semaphore(%arg24 : memref<!tpu.dma_semaphore, #tpu.memory_space<semaphore_mem>>) src(%dma_wait3A_88 : memref<16x1024xf32, #tpu.memory_space<hbm>>) dst(%arg12 : memref<16x1024xf32, #tpu.memory_space<vmem>>)
    %dma_wait3A_89 = arith.constant 0 : i32
    %dma_wait3A_90 = tpu.memref_slice %arg6[%dma_wait3A_89] : memref<256xi32, #tpu.memory_space<vmem>> -> memref<16xi32, #tpu.memory_space<vmem>>
    %dma_wait3A_91 = arith.constant 0 : i32
    %dma_wait3A_92 = arith.constant 0 : i32
    %dma_wait3A_93 = tpu.memref_slice %arg4[%dma_wait3A_91, %dma_wait3A_92] : memref<100000x1024xf32, #tpu.memory_space<hbm>> -> memref<100000x1024xf32, #tpu.memory_space<hbm>>
    tpu.wait_indirect_dma semaphore(%arg14 : memref<!tpu.dma_semaphore, #tpu.memory_space<semaphore_mem>>) src(%dma_wait3A_93 : memref<100000x1024xf32, #tpu.memory_space<hbm>>) dst(%arg7 : memref<16x1024xf32, #tpu.memory_space<vmem>>)
    %parallel_loop3A = arith.constant 0 : i32
    %parallel_loop3A_94 = arith.constant 1024 : i32
    %parallel_loop3A_95 = arith.constant 1 : i32
    scf.for %parallel_loop3A_568 = %parallel_loop3A to %parallel_loop3A_94 step %parallel_loop3A_95  : i32 {
      %parallel_loop3A_569 = arith.constant 6 : i32
      %parallel_loop3A_570 = arith.shrsi %parallel_loop3A_568, %parallel_loop3A_569 : i32
      %parallel_loop3A_571 = arith.constant 63 : i32
      %parallel_loop3A_572 = arith.andi %parallel_loop3A_568, %parallel_loop3A_571 : i32
      %parallel_loop3A_573 = arith.constant 16 : i32
      %parallel_loop3A_574 = arith.muli %parallel_loop3A_572, %parallel_loop3A_573 : i32
      %parallel_loop3A_575 = arith.index_cast %parallel_loop3A_570 : i32 to index
      %parallel_loop3A_576 = arith.index_cast %parallel_loop3A_574 : i32 to index
      %parallel_loop3A_577 = tpu.vector_load %arg12[%parallel_loop3A_575, %parallel_loop3A_576] {strides = array<i32>} : memref<16x1024xf32, #tpu.memory_space<vmem>>, vector<1x16xf32>,
      %parallel_loop3A_578 = vector.shape_cast %parallel_loop3A_577 : vector<1x16xf32> to vector<16xf32>
      %parallel_loop3A_579 = arith.index_cast %parallel_loop3A_570 : i32 to index
      %parallel_loop3A_580 = arith.index_cast %parallel_loop3A_574 : i32 to index
      %parallel_loop3A_581 = tpu.vector_load %arg7[%parallel_loop3A_579, %parallel_loop3A_580] {strides = array<i32>} : memref<16x1024xf32, #tpu.memory_space<vmem>>, vector<1x16xf32>,
      %parallel_loop3A_582 = vector.shape_cast %parallel_loop3A_581 : vector<1x16xf32> to vector<16xf32>
      %parallel_loop3A_583 = vector.shape_cast %parallel_loop3A_578 : vector<16xf32> to vector<1x16xf32>
      tpu.vector_store %arg7[%parallel_loop3A_579, %parallel_loop3A_580], %parallel_loop3A_583 {add = true, strides = array<i32>} : memref<16x1024xf32, #tpu.memory_space<vmem>>, vector<1x16xf32>,
    } {sc.loop_unroll_factor = 8 : i64, sc.parallel_access}
    %add3A_96 = arith.constant 0 : i32
    %add3A_97 = arith.addi %add3A_96, %mul3A_2 : i32
    %add3A_98 = arith.constant 0 : i32
    %add3A_99 = arith.addi %add3A_97, %add3A_98 : i32
    %dma_start3A_100 = arith.constant 0 : i32
    %dma_start3A_101 = tpu.memref_slice %arg5[%add3A_99, %dma_start3A_100] : memref<8192x1024xf32, #tpu.memory_space<hbm>> -> memref<16x1024xf32, #tpu.memory_space<hbm>>
    %dma_start3A_102 = arith.constant 0 : i32
    %dma_start3A_103 = tpu.memref_slice %arg5[%add3A_99, %dma_start3A_102] : memref<8192x1024xf32, #tpu.memory_space<hbm>> -> memref<16x1024xf32, #tpu.memory_space<hbm>>
    tpu.enqueue_dma source(%arg7 : memref<16x1024xf32, #tpu.memory_space<vmem>>) target(%dma_start3A_103 : memref<16x1024xf32, #tpu.memory_space<hbm>>) target_semaphore(%arg19 : memref<!tpu.dma_semaphore, #tpu.memory_space<semaphore_mem>>)
    %dma_start3A_104 = arith.constant 16 : i32
    %dma_start3A_105 = tpu.memref_slice %arg6[%dma_start3A_104] : memref<256xi32, #tpu.memory_space<vmem>> -> memref<16xi32, #tpu.memory_space<vmem>>
    %dma_start3A_106 = arith.constant 0 : i32
    %dma_start3A_107 = arith.constant 0 : i32
    %dma_start3A_108 = tpu.memref_slice %arg4[%dma_start3A_106, %dma_start3A_107] : memref<100000x1024xf32, #tpu.memory_space<hbm>> -> memref<100000x1024xf32, #tpu.memory_space<hbm>>
    tpu.enqueue_indirect_dma source(%dma_start3A_108 : memref<100000x1024xf32, #tpu.memory_space<hbm>>) target(%arg11 : memref<16x1024xf32, #tpu.memory_space<vmem>>) offsets(%dma_start3A_105 : memref<16xi32, #tpu.memory_space<vmem>>) semaphore(%arg18 : memref<!tpu.dma_semaphore, #tpu.memory_space<semaphore_mem>>)
    %dma_wait3A_109 = arith.constant 64 : i32
    %dma_wait3A_110 = tpu.memref_slice %arg6[%dma_wait3A_109] : memref<256xi32, #tpu.memory_space<vmem>> -> memref<16xi32, #tpu.memory_space<vmem>>
    %dma_wait3A_111 = arith.constant 0 : i32
    %dma_wait3A_112 = arith.constant 0 : i32
    %dma_wait3A_113 = tpu.memref_slice %arg4[%dma_wait3A_111, %dma_wait3A_112] : memref<100000x1024xf32, #tpu.memory_space<hbm>> -> memref<100000x1024xf32, #tpu.memory_space<hbm>>
    tpu.wait_indirect_dma semaphore(%arg15 : memref<!tpu.dma_semaphore, #tpu.memory_space<semaphore_mem>>) src(%dma_wait3A_113 : memref<100000x1024xf32, #tpu.memory_space<hbm>>) dst(%arg8 : memref<16x1024xf32, #tpu.memory_space<vmem>>)
    %parallel_loop3A_114 = arith.constant 0 : i32
    %parallel_loop3A_115 = arith.constant 1024 : i32
    %parallel_loop3A_116 = arith.constant 1 : i32
    scf.for %parallel_loop3A_568 = %parallel_loop3A_114 to %parallel_loop3A_115 step %parallel_loop3A_116  : i32 {
      %parallel_loop3A_569 = arith.constant 6 : i32
      %parallel_loop3A_570 = arith.shrsi %parallel_loop3A_568, %parallel_loop3A_569 : i32
      %parallel_loop3A_571 = arith.constant 63 : i32
      %parallel_loop3A_572 = arith.andi %parallel_loop3A_568, %parallel_loop3A_571 : i32
      %parallel_loop3A_573 = arith.constant 16 : i32
      %parallel_loop3A_574 = arith.muli %parallel_loop3A_572, %parallel_loop3A_573 : i32
      %parallel_loop3A_575 = arith.index_cast %parallel_loop3A_570 : i32 to index
      %parallel_loop3A_576 = arith.index_cast %parallel_loop3A_574 : i32 to index
      %parallel_loop3A_577 = tpu.vector_load %arg12[%parallel_loop3A_575, %parallel_loop3A_576] {strides = array<i32>} : memref<16x1024xf32, #tpu.memory_space<vmem>>, vector<1x16xf32>,
      %parallel_loop3A_578 = vector.shape_cast %parallel_loop3A_577 : vector<1x16xf32> to vector<16xf32>
      %parallel_loop3A_579 = arith.index_cast %parallel_loop3A_570 : i32 to index
      %parallel_loop3A_580 = arith.index_cast %parallel_loop3A_574 : i32 to index
      %parallel_loop3A_581 = tpu.vector_load %arg8[%parallel_loop3A_579, %parallel_loop3A_580] {strides = array<i32>} : memref<16x1024xf32, #tpu.memory_space<vmem>>, vector<1x16xf32>,
      %parallel_loop3A_582 = vector.shape_cast %parallel_loop3A_581 : vector<1x16xf32> to vector<16xf32>
      %parallel_loop3A_583 = vector.shape_cast %parallel_loop3A_578 : vector<16xf32> to vector<1x16xf32>
      tpu.vector_store %arg8[%parallel_loop3A_579, %parallel_loop3A_580], %parallel_loop3A_583 {add = true, strides = array<i32>} : memref<16x1024xf32, #tpu.memory_space<vmem>>, vector<1x16xf32>,
    } {sc.loop_unroll_factor = 8 : i64, sc.parallel_access}
    %add3A_117 = arith.constant 2048 : i32
    %add3A_118 = arith.addi %add3A_117, %mul3A_2 : i32
    %add3A_119 = arith.constant 0 : i32
    %add3A_120 = arith.addi %add3A_118, %add3A_119 : i32
    %dma_start3A_121 = arith.constant 0 : i32
    %dma_start3A_122 = tpu.memref_slice %arg5[%add3A_120, %dma_start3A_121] : memref<8192x1024xf32, #tpu.memory_space<hbm>> -> memref<16x1024xf32, #tpu.memory_space<hbm>>
    %dma_start3A_123 = arith.constant 0 : i32
    %dma_start3A_124 = tpu.memref_slice %arg5[%add3A_120, %dma_start3A_123] : memref<8192x1024xf32, #tpu.memory_space<hbm>> -> memref<16x1024xf32, #tpu.memory_space<hbm>>
    tpu.enqueue_dma source(%arg8 : memref<16x1024xf32, #tpu.memory_space<vmem>>) target(%dma_start3A_124 : memref<16x1024xf32, #tpu.memory_space<hbm>>) target_semaphore(%arg20 : memref<!tpu.dma_semaphore, #tpu.memory_space<semaphore_mem>>)
    %add3A_125 = arith.constant 0 : i32
    %add3A_126 = arith.addi %add3A_125, %mul3A_2 : i32
    %add3A_127 = arith.constant 0 : i32
    %add3A_128 = arith.addi %add3A_126, %add3A_127 : i32
    %dma_wait3A_129 = arith.constant 0 : i32
    %dma_wait3A_130 = tpu.memref_slice %arg5[%add3A_128, %dma_wait3A_129] : memref<8192x1024xf32, #tpu.memory_space<hbm>> -> memref<16x1024xf32, #tpu.memory_space<hbm>>
    %dma_wait3A_131 = arith.constant 0 : i32
    %dma_wait3A_132 = tpu.memref_slice %arg5[%add3A_128, %dma_wait3A_131] : memref<8192x1024xf32, #tpu.memory_space<hbm>> -> memref<16x1024xf32, #tpu.memory_space<hbm>>
    tpu.wait_dma2 semaphore(%arg19 : memref<!tpu.dma_semaphore, #tpu.memory_space<semaphore_mem>>) src(%arg7 : memref<16x1024xf32, #tpu.memory_space<vmem>>) dst(%dma_wait3A_132 : memref<16x1024xf32, #tpu.memory_space<hbm>>)
    %dma_start3A_133 = arith.constant 80 : i32
    %dma_start3A_134 = tpu.memref_slice %arg6[%dma_start3A_133] : memref<256xi32, #tpu.memory_space<vmem>> -> memref<16xi32, #tpu.memory_space<vmem>>
    %dma_start3A_135 = arith.constant 0 : i32
    %dma_start3A_136 = arith.constant 0 : i32
    %dma_start3A_137 = tpu.memref_slice %arg4[%dma_start3A_135, %dma_start3A_136] : memref<100000x1024xf32, #tpu.memory_space<hbm>> -> memref<100000x1024xf32, #tpu.memory_space<hbm>>
    tpu.enqueue_indirect_dma source(%dma_start3A_137 : memref<100000x1024xf32, #tpu.memory_space<hbm>>) target(%arg7 : memref<16x1024xf32, #tpu.memory_space<vmem>>) offsets(%dma_start3A_134 : memref<16xi32, #tpu.memory_space<vmem>>) semaphore(%arg14 : memref<!tpu.dma_semaphore, #tpu.memory_space<semaphore_mem>>)
    %dma_wait3A_138 = arith.constant 128 : i32
    %dma_wait3A_139 = tpu.memref_slice %arg6[%dma_wait3A_138] : memref<256xi32, #tpu.memory_space<vmem>> -> memref<16xi32, #tpu.memory_space<vmem>>
    %dma_wait3A_140 = arith.constant 0 : i32
    %dma_wait3A_141 = arith.constant 0 : i32
    %dma_wait3A_142 = tpu.memref_slice %arg4[%dma_wait3A_140, %dma_wait3A_141] : memref<100000x1024xf32, #tpu.memory_space<hbm>> -> memref<100000x1024xf32, #tpu.memory_space<hbm>>
    tpu.wait_indirect_dma semaphore(%arg16 : memref<!tpu.dma_semaphore, #tpu.memory_space<semaphore_mem>>) src(%dma_wait3A_142 : memref<100000x1024xf32, #tpu.memory_space<hbm>>) dst(%arg9 : memref<16x1024xf32, #tpu.memory_space<vmem>>)
    %parallel_loop3A_143 = arith.constant 0 : i32
    %parallel_loop3A_144 = arith.constant 1024 : i32
    %parallel_loop3A_145 = arith.constant 1 : i32
    scf.for %parallel_loop3A_568 = %parallel_loop3A_143 to %parallel_loop3A_144 step %parallel_loop3A_145  : i32 {
      %parallel_loop3A_569 = arith.constant 6 : i32
      %parallel_loop3A_570 = arith.shrsi %parallel_loop3A_568, %parallel_loop3A_569 : i32
      %parallel_loop3A_571 = arith.constant 63 : i32
      %parallel_loop3A_572 = arith.andi %parallel_loop3A_568, %parallel_loop3A_571 : i32
      %parallel_loop3A_573 = arith.constant 16 : i32
      %parallel_loop3A_574 = arith.muli %parallel_loop3A_572, %parallel_loop3A_573 : i32
      %parallel_loop3A_575 = arith.index_cast %parallel_loop3A_570 : i32 to index
      %parallel_loop3A_576 = arith.index_cast %parallel_loop3A_574 : i32 to index
      %parallel_loop3A_577 = tpu.vector_load %arg12[%parallel_loop3A_575, %parallel_loop3A_576] {strides = array<i32>} : memref<16x1024xf32, #tpu.memory_space<vmem>>, vector<1x16xf32>,
      %parallel_loop3A_578 = vector.shape_cast %parallel_loop3A_577 : vector<1x16xf32> to vector<16xf32>
      %parallel_loop3A_579 = arith.index_cast %parallel_loop3A_570 : i32 to index
      %parallel_loop3A_580 = arith.index_cast %parallel_loop3A_574 : i32 to index
      %parallel_loop3A_581 = tpu.vector_load %arg9[%parallel_loop3A_579, %parallel_loop3A_580] {strides = array<i32>} : memref<16x1024xf32, #tpu.memory_space<vmem>>, vector<1x16xf32>,
      %parallel_loop3A_582 = vector.shape_cast %parallel_loop3A_581 : vector<1x16xf32> to vector<16xf32>
      %parallel_loop3A_583 = vector.shape_cast %parallel_loop3A_578 : vector<16xf32> to vector<1x16xf32>
      tpu.vector_store %arg9[%parallel_loop3A_579, %parallel_loop3A_580], %parallel_loop3A_583 {add = true, strides = array<i32>} : memref<16x1024xf32, #tpu.memory_space<vmem>>, vector<1x16xf32>,
    } {sc.loop_unroll_factor = 8 : i64, sc.parallel_access}
    %add3A_146 = arith.constant 4096 : i32
    %add3A_147 = arith.addi %add3A_146, %mul3A_2 : i32
    %add3A_148 = arith.constant 0 : i32
    %add3A_149 = arith.addi %add3A_147, %add3A_148 : i32
    %dma_start3A_150 = arith.constant 0 : i32
    %dma_start3A_151 = tpu.memref_slice %arg5[%add3A_149, %dma_start3A_150] : memref<8192x1024xf32, #tpu.memory_space<hbm>> -> memref<16x1024xf32, #tpu.memory_space<hbm>>
    %dma_start3A_152 = arith.constant 0 : i32
    %dma_start3A_153 = tpu.memref_slice %arg5[%add3A_149, %dma_start3A_152] : memref<8192x1024xf32, #tpu.memory_space<hbm>> -> memref<16x1024xf32, #tpu.memory_space<hbm>>
    tpu.enqueue_dma source(%arg9 : memref<16x1024xf32, #tpu.memory_space<vmem>>) target(%dma_start3A_153 : memref<16x1024xf32, #tpu.memory_space<hbm>>) target_semaphore(%arg21 : memref<!tpu.dma_semaphore, #tpu.memory_space<semaphore_mem>>)
    %add3A_154 = arith.constant 2048 : i32
    %add3A_155 = arith.addi %add3A_154, %mul3A_2 : i32
    %add3A_156 = arith.constant 0 : i32
    %add3A_157 = arith.addi %add3A_155, %add3A_156 : i32
    %dma_wait3A_158 = arith.constant 0 : i32
    %dma_wait3A_159 = tpu.memref_slice %arg5[%add3A_157, %dma_wait3A_158] : memref<8192x1024xf32, #tpu.memory_space<hbm>> -> memref<16x1024xf32, #tpu.memory_space<hbm>>
    %dma_wait3A_160 = arith.constant 0 : i32
    %dma_wait3A_161 = tpu.memref_slice %arg5[%add3A_157, %dma_wait3A_160] : memref<8192x1024xf32, #tpu.memory_space<hbm>> -> memref<16x1024xf32, #tpu.memory_space<hbm>>
    tpu.wait_dma2 semaphore(%arg20 : memref<!tpu.dma_semaphore, #tpu.memory_space<semaphore_mem>>) src(%arg8 : memref<16x1024xf32, #tpu.memory_space<vmem>>) dst(%dma_wait3A_161 : memref<16x1024xf32, #tpu.memory_space<hbm>>)
    %dma_start3A_162 = arith.constant 144 : i32
    %dma_start3A_163 = tpu.memref_slice %arg6[%dma_start3A_162] : memref<256xi32, #tpu.memory_space<vmem>> -> memref<16xi32, #tpu.memory_space<vmem>>
    %dma_start3A_164 = arith.constant 0 : i32
    %dma_start3A_165 = arith.constant 0 : i32
    %dma_start3A_166 = tpu.memref_slice %arg4[%dma_start3A_164, %dma_start3A_165] : memref<100000x1024xf32, #tpu.memory_space<hbm>> -> memref<100000x1024xf32, #tpu.memory_space<hbm>>
    tpu.enqueue_indirect_dma source(%dma_start3A_166 : memref<100000x1024xf32, #tpu.memory_space<hbm>>) target(%arg8 : memref<16x1024xf32, #tpu.memory_space<vmem>>) offsets(%dma_start3A_163 : memref<16xi32, #tpu.memory_space<vmem>>) semaphore(%arg15 : memref<!tpu.dma_semaphore, #tpu.memory_space<semaphore_mem>>)
    %dma_wait3A_167 = arith.constant 192 : i32
    %dma_wait3A_168 = tpu.memref_slice %arg6[%dma_wait3A_167] : memref<256xi32, #tpu.memory_space<vmem>> -> memref<16xi32, #tpu.memory_space<vmem>>
    %dma_wait3A_169 = arith.constant 0 : i32
    %dma_wait3A_170 = arith.constant 0 : i32
    %dma_wait3A_171 = tpu.memref_slice %arg4[%dma_wait3A_169, %dma_wait3A_170] : memref<100000x1024xf32, #tpu.memory_space<hbm>> -> memref<100000x1024xf32, #tpu.memory_space<hbm>>
    tpu.wait_indirect_dma semaphore(%arg17 : memref<!tpu.dma_semaphore, #tpu.memory_space<semaphore_mem>>) src(%dma_wait3A_171 : memref<100000x1024xf32, #tpu.memory_space<hbm>>) dst(%arg10 : memref<16x1024xf32, #tpu.memory_space<vmem>>)
    %parallel_loop3A_172 = arith.constant 0 : i32
    %parallel_loop3A_173 = arith.constant 1024 : i32
    %parallel_loop3A_174 = arith.constant 1 : i32
    scf.for %parallel_loop3A_568 = %parallel_loop3A_172 to %parallel_loop3A_173 step %parallel_loop3A_174  : i32 {
      %parallel_loop3A_569 = arith.constant 6 : i32
      %parallel_loop3A_570 = arith.shrsi %parallel_loop3A_568, %parallel_loop3A_569 : i32
      %parallel_loop3A_571 = arith.constant 63 : i32
      %parallel_loop3A_572 = arith.andi %parallel_loop3A_568, %parallel_loop3A_571 : i32
      %parallel_loop3A_573 = arith.constant 16 : i32
      %parallel_loop3A_574 = arith.muli %parallel_loop3A_572, %parallel_loop3A_573 : i32
      %parallel_loop3A_575 = arith.index_cast %parallel_loop3A_570 : i32 to index
      %parallel_loop3A_576 = arith.index_cast %parallel_loop3A_574 : i32 to index
      %parallel_loop3A_577 = tpu.vector_load %arg12[%parallel_loop3A_575, %parallel_loop3A_576] {strides = array<i32>} : memref<16x1024xf32, #tpu.memory_space<vmem>>, vector<1x16xf32>,
      %parallel_loop3A_578 = vector.shape_cast %parallel_loop3A_577 : vector<1x16xf32> to vector<16xf32>
      %parallel_loop3A_579 = arith.index_cast %parallel_loop3A_570 : i32 to index
      %parallel_loop3A_580 = arith.index_cast %parallel_loop3A_574 : i32 to index
      %parallel_loop3A_581 = tpu.vector_load %arg10[%parallel_loop3A_579, %parallel_loop3A_580] {strides = array<i32>} : memref<16x1024xf32, #tpu.memory_space<vmem>>, vector<1x16xf32>,
      %parallel_loop3A_582 = vector.shape_cast %parallel_loop3A_581 : vector<1x16xf32> to vector<16xf32>
      %parallel_loop3A_583 = vector.shape_cast %parallel_loop3A_578 : vector<16xf32> to vector<1x16xf32>
      tpu.vector_store %arg10[%parallel_loop3A_579, %parallel_loop3A_580], %parallel_loop3A_583 {add = true, strides = array<i32>} : memref<16x1024xf32, #tpu.memory_space<vmem>>, vector<1x16xf32>,
    } {sc.loop_unroll_factor = 8 : i64, sc.parallel_access}
    %add3A_175 = arith.constant 6144 : i32
    %add3A_176 = arith.addi %add3A_175, %mul3A_2 : i32
    %add3A_177 = arith.constant 0 : i32
    %add3A_178 = arith.addi %add3A_176, %add3A_177 : i32
    %dma_start3A_179 = arith.constant 0 : i32
    %dma_start3A_180 = tpu.memref_slice %arg5[%add3A_178, %dma_start3A_179] : memref<8192x1024xf32, #tpu.memory_space<hbm>> -> memref<16x1024xf32, #tpu.memory_space<hbm>>
    %dma_start3A_181 = arith.constant 0 : i32
    %dma_start3A_182 = tpu.memref_slice %arg5[%add3A_178, %dma_start3A_181] : memref<8192x1024xf32, #tpu.memory_space<hbm>> -> memref<16x1024xf32, #tpu.memory_space<hbm>>
    tpu.enqueue_dma source(%arg10 : memref<16x1024xf32, #tpu.memory_space<vmem>>) target(%dma_start3A_182 : memref<16x1024xf32, #tpu.memory_space<hbm>>) target_semaphore(%arg22 : memref<!tpu.dma_semaphore, #tpu.memory_space<semaphore_mem>>)
    %add3A_183 = arith.constant 16 : i32
    %add3A_184 = arith.addi %mul3A_2, %add3A_183 : i32
    %dma_start3A_185 = arith.constant 0 : i32
    %dma_start3A_186 = tpu.memref_slice %arg3[%add3A_184, %dma_start3A_185] : memref<2048x1024xf32, #tpu.memory_space<hbm>> -> memref<16x1024xf32, #tpu.memory_space<hbm>>
    %dma_start3A_187 = arith.constant 0 : i32
    %dma_start3A_188 = tpu.memref_slice %arg3[%add3A_184, %dma_start3A_187] : memref<2048x1024xf32, #tpu.memory_space<hbm>> -> memref<16x1024xf32, #tpu.memory_space<hbm>>
    tpu.enqueue_dma source(%dma_start3A_188 : memref<16x1024xf32, #tpu.memory_space<hbm>>) target(%arg13 : memref<16x1024xf32, #tpu.memory_space<vmem>>) target_semaphore(%arg24 : memref<!tpu.dma_semaphore, #tpu.memory_space<semaphore_mem>>)
    %add3A_189 = arith.constant 4096 : i32
    %add3A_190 = arith.addi %add3A_189, %mul3A_2 : i32
    %add3A_191 = arith.constant 0 : i32
    %add3A_192 = arith.addi %add3A_190, %add3A_191 : i32
    %dma_wait3A_193 = arith.constant 0 : i32
    %dma_wait3A_194 = tpu.memref_slice %arg5[%add3A_192, %dma_wait3A_193] : memref<8192x1024xf32, #tpu.memory_space<hbm>> -> memref<16x1024xf32, #tpu.memory_space<hbm>>
    %dma_wait3A_195 = arith.constant 0 : i32
    %dma_wait3A_196 = tpu.memref_slice %arg5[%add3A_192, %dma_wait3A_195] : memref<8192x1024xf32, #tpu.memory_space<hbm>> -> memref<16x1024xf32, #tpu.memory_space<hbm>>
    tpu.wait_dma2 semaphore(%arg21 : memref<!tpu.dma_semaphore, #tpu.memory_space<semaphore_mem>>) src(%arg9 : memref<16x1024xf32, #tpu.memory_space<vmem>>) dst(%dma_wait3A_196 : memref<16x1024xf32, #tpu.memory_space<hbm>>)
    %dma_start3A_197 = arith.constant 208 : i32
    %dma_start3A_198 = tpu.memref_slice %arg6[%dma_start3A_197] : memref<256xi32, #tpu.memory_space<vmem>> -> memref<16xi32, #tpu.memory_space<vmem>>
    %dma_start3A_199 = arith.constant 0 : i32
    %dma_start3A_200 = arith.constant 0 : i32
    %dma_start3A_201 = tpu.memref_slice %arg4[%dma_start3A_199, %dma_start3A_200] : memref<100000x1024xf32, #tpu.memory_space<hbm>> -> memref<100000x1024xf32, #tpu.memory_space<hbm>>
    tpu.enqueue_indirect_dma source(%dma_start3A_201 : memref<100000x1024xf32, #tpu.memory_space<hbm>>) target(%arg9 : memref<16x1024xf32, #tpu.memory_space<vmem>>) offsets(%dma_start3A_198 : memref<16xi32, #tpu.memory_space<vmem>>) semaphore(%arg16 : memref<!tpu.dma_semaphore, #tpu.memory_space<semaphore_mem>>)
    %add3A_202 = arith.constant 16 : i32
    %add3A_203 = arith.addi %mul3A_2, %add3A_202 : i32
    %dma_wait3A_204 = arith.constant 0 : i32
    %dma_wait3A_205 = tpu.memref_slice %arg3[%add3A_203, %dma_wait3A_204] : memref<2048x1024xf32, #tpu.memory_space<hbm>> -> memref<16x1024xf32, #tpu.memory_space<hbm>>
    %dma_wait3A_206 = arith.constant 0 : i32
    %dma_wait3A_207 = tpu.memref_slice %arg3[%add3A_203, %dma_wait3A_206] : memref<2048x1024xf32, #tpu.memory_space<hbm>> -> memref<16x1024xf32, #tpu.memory_space<hbm>>
    tpu.wait_dma2 semaphore(%arg24 : memref<!tpu.dma_semaphore, #tpu.memory_space<semaphore_mem>>) src(%dma_wait3A_207 : memref<16x1024xf32, #tpu.memory_space<hbm>>) dst(%arg13 : memref<16x1024xf32, #tpu.memory_space<vmem>>)
    %dma_wait3A_208 = arith.constant 16 : i32
    %dma_wait3A_209 = tpu.memref_slice %arg6[%dma_wait3A_208] : memref<256xi32, #tpu.memory_space<vmem>> -> memref<16xi32, #tpu.memory_space<vmem>>
    %dma_wait3A_210 = arith.constant 0 : i32
    %dma_wait3A_211 = arith.constant 0 : i32
    %dma_wait3A_212 = tpu.memref_slice %arg4[%dma_wait3A_210, %dma_wait3A_211] : memref<100000x1024xf32, #tpu.memory_space<hbm>> -> memref<100000x1024xf32, #tpu.memory_space<hbm>>
    tpu.wait_indirect_dma semaphore(%arg18 : memref<!tpu.dma_semaphore, #tpu.memory_space<semaphore_mem>>) src(%dma_wait3A_212 : memref<100000x1024xf32, #tpu.memory_space<hbm>>) dst(%arg11 : memref<16x1024xf32, #tpu.memory_space<vmem>>)
    %parallel_loop3A_213 = arith.constant 0 : i32
    %parallel_loop3A_214 = arith.constant 1024 : i32
    %parallel_loop3A_215 = arith.constant 1 : i32
    scf.for %parallel_loop3A_568 = %parallel_loop3A_213 to %parallel_loop3A_214 step %parallel_loop3A_215  : i32 {
      %parallel_loop3A_569 = arith.constant 6 : i32
      %parallel_loop3A_570 = arith.shrsi %parallel_loop3A_568, %parallel_loop3A_569 : i32
      %parallel_loop3A_571 = arith.constant 63 : i32
      %parallel_loop3A_572 = arith.andi %parallel_loop3A_568, %parallel_loop3A_571 : i32
      %parallel_loop3A_573 = arith.constant 16 : i32
      %parallel_loop3A_574 = arith.muli %parallel_loop3A_572, %parallel_loop3A_573 : i32
      %parallel_loop3A_575 = arith.index_cast %parallel_loop3A_570 : i32 to index
      %parallel_loop3A_576 = arith.index_cast %parallel_loop3A_574 : i32 to index
      %parallel_loop3A_577 = tpu.vector_load %arg13[%parallel_loop3A_575, %parallel_loop3A_576] {strides = array<i32>} : memref<16x1024xf32, #tpu.memory_space<vmem>>, vector<1x16xf32>,
      %parallel_loop3A_578 = vector.shape_cast %parallel_loop3A_577 : vector<1x16xf32> to vector<16xf32>
      %parallel_loop3A_579 = arith.index_cast %parallel_loop3A_570 : i32 to index
      %parallel_loop3A_580 = arith.index_cast %parallel_loop3A_574 : i32 to index
      %parallel_loop3A_581 = tpu.vector_load %arg11[%parallel_loop3A_579, %parallel_loop3A_580] {strides = array<i32>} : memref<16x1024xf32, #tpu.memory_space<vmem>>, vector<1x16xf32>,
      %parallel_loop3A_582 = vector.shape_cast %parallel_loop3A_581 : vector<1x16xf32> to vector<16xf32>
      %parallel_loop3A_583 = vector.shape_cast %parallel_loop3A_578 : vector<16xf32> to vector<1x16xf32>
      tpu.vector_store %arg11[%parallel_loop3A_579, %parallel_loop3A_580], %parallel_loop3A_583 {add = true, strides = array<i32>} : memref<16x1024xf32, #tpu.memory_space<vmem>>, vector<1x16xf32>,
    } {sc.loop_unroll_factor = 8 : i64, sc.parallel_access}
    %add3A_216 = arith.constant 0 : i32
    %add3A_217 = arith.addi %add3A_216, %mul3A_2 : i32
    %add3A_218 = arith.constant 16 : i32
    %add3A_219 = arith.addi %add3A_217, %add3A_218 : i32
    %dma_start3A_220 = arith.constant 0 : i32
    %dma_start3A_221 = tpu.memref_slice %arg5[%add3A_219, %dma_start3A_220] : memref<8192x1024xf32, #tpu.memory_space<hbm>> -> memref<16x1024xf32, #tpu.memory_space<hbm>>
    %dma_start3A_222 = arith.constant 0 : i32
    %dma_start3A_223 = tpu.memref_slice %arg5[%add3A_219, %dma_start3A_222] : memref<8192x1024xf32, #tpu.memory_space<hbm>> -> memref<16x1024xf32, #tpu.memory_space<hbm>>
    tpu.enqueue_dma source(%arg11 : memref<16x1024xf32, #tpu.memory_space<vmem>>) target(%dma_start3A_223 : memref<16x1024xf32, #tpu.memory_space<hbm>>) target_semaphore(%arg23 : memref<!tpu.dma_semaphore, #tpu.memory_space<semaphore_mem>>)
    %add3A_224 = arith.constant 6144 : i32
    %add3A_225 = arith.addi %add3A_224, %mul3A_2 : i32
    %add3A_226 = arith.constant 0 : i32
    %add3A_227 = arith.addi %add3A_225, %add3A_226 : i32
    %dma_wait3A_228 = arith.constant 0 : i32
    %dma_wait3A_229 = tpu.memref_slice %arg5[%add3A_227, %dma_wait3A_228] : memref<8192x1024xf32, #tpu.memory_space<hbm>> -> memref<16x1024xf32, #tpu.memory_space<hbm>>
    %dma_wait3A_230 = arith.constant 0 : i32
    %dma_wait3A_231 = tpu.memref_slice %arg5[%add3A_227, %dma_wait3A_230] : memref<8192x1024xf32, #tpu.memory_space<hbm>> -> memref<16x1024xf32, #tpu.memory_space<hbm>>
    tpu.wait_dma2 semaphore(%arg22 : memref<!tpu.dma_semaphore, #tpu.memory_space<semaphore_mem>>) src(%arg10 : memref<16x1024xf32, #tpu.memory_space<vmem>>) dst(%dma_wait3A_231 : memref<16x1024xf32, #tpu.memory_space<hbm>>)
    %dma_start3A_232 = arith.constant 32 : i32
    %dma_start3A_233 = tpu.memref_slice %arg6[%dma_start3A_232] : memref<256xi32, #tpu.memory_space<vmem>> -> memref<16xi32, #tpu.memory_space<vmem>>
    %dma_start3A_234 = arith.constant 0 : i32
    %dma_start3A_235 = arith.constant 0 : i32
    %dma_start3A_236 = tpu.memref_slice %arg4[%dma_start3A_234, %dma_start3A_235] : memref<100000x1024xf32, #tpu.memory_space<hbm>> -> memref<100000x1024xf32, #tpu.memory_space<hbm>>
    tpu.enqueue_indirect_dma source(%dma_start3A_236 : memref<100000x1024xf32, #tpu.memory_space<hbm>>) target(%arg10 : memref<16x1024xf32, #tpu.memory_space<vmem>>) offsets(%dma_start3A_233 : memref<16xi32, #tpu.memory_space<vmem>>) semaphore(%arg17 : memref<!tpu.dma_semaphore, #tpu.memory_space<semaphore_mem>>)
    %dma_wait3A_237 = arith.constant 80 : i32
    %dma_wait3A_238 = tpu.memref_slice %arg6[%dma_wait3A_237] : memref<256xi32, #tpu.memory_space<vmem>> -> memref<16xi32, #tpu.memory_space<vmem>>
    %dma_wait3A_239 = arith.constant 0 : i32
    %dma_wait3A_240 = arith.constant 0 : i32
    %dma_wait3A_241 = tpu.memref_slice %arg4[%dma_wait3A_239, %dma_wait3A_240] : memref<100000x1024xf32, #tpu.memory_space<hbm>> -> memref<100000x1024xf32, #tpu.memory_space<hbm>>
    tpu.wait_indirect_dma semaphore(%arg14 : memref<!tpu.dma_semaphore, #tpu.memory_space<semaphore_mem>>) src(%dma_wait3A_241 : memref<100000x1024xf32, #tpu.memory_space<hbm>>) dst(%arg7 : memref<16x1024xf32, #tpu.memory_space<vmem>>)
    %parallel_loop3A_242 = arith.constant 0 : i32
    %parallel_loop3A_243 = arith.constant 1024 : i32
    %parallel_loop3A_244 = arith.constant 1 : i32
    scf.for %parallel_loop3A_568 = %parallel_loop3A_242 to %parallel_loop3A_243 step %parallel_loop3A_244  : i32 {
      %parallel_loop3A_569 = arith.constant 6 : i32
      %parallel_loop3A_570 = arith.shrsi %parallel_loop3A_568, %parallel_loop3A_569 : i32
      %parallel_loop3A_571 = arith.constant 63 : i32
      %parallel_loop3A_572 = arith.andi %parallel_loop3A_568, %parallel_loop3A_571 : i32
      %parallel_loop3A_573 = arith.constant 16 : i32
      %parallel_loop3A_574 = arith.muli %parallel_loop3A_572, %parallel_loop3A_573 : i32
      %parallel_loop3A_575 = arith.index_cast %parallel_loop3A_570 : i32 to index
      %parallel_loop3A_576 = arith.index_cast %parallel_loop3A_574 : i32 to index
      %parallel_loop3A_577 = tpu.vector_load %arg13[%parallel_loop3A_575, %parallel_loop3A_576] {strides = array<i32>} : memref<16x1024xf32, #tpu.memory_space<vmem>>, vector<1x16xf32>,
      %parallel_loop3A_578 = vector.shape_cast %parallel_loop3A_577 : vector<1x16xf32> to vector<16xf32>
      %parallel_loop3A_579 = arith.index_cast %parallel_loop3A_570 : i32 to index
      %parallel_loop3A_580 = arith.index_cast %parallel_loop3A_574 : i32 to index
      %parallel_loop3A_581 = tpu.vector_load %arg7[%parallel_loop3A_579, %parallel_loop3A_580] {strides = array<i32>} : memref<16x1024xf32, #tpu.memory_space<vmem>>, vector<1x16xf32>,
      %parallel_loop3A_582 = vector.shape_cast %parallel_loop3A_581 : vector<1x16xf32> to vector<16xf32>
      %parallel_loop3A_583 = vector.shape_cast %parallel_loop3A_578 : vector<16xf32> to vector<1x16xf32>
      tpu.vector_store %arg7[%parallel_loop3A_579, %parallel_loop3A_580], %parallel_loop3A_583 {add = true, strides = array<i32>} : memref<16x1024xf32, #tpu.memory_space<vmem>>, vector<1x16xf32>,
    } {sc.loop_unroll_factor = 8 : i64, sc.parallel_access}
    %add3A_245 = arith.constant 2048 : i32
    %add3A_246 = arith.addi %add3A_245, %mul3A_2 : i32
    %add3A_247 = arith.constant 16 : i32
    %add3A_248 = arith.addi %add3A_246, %add3A_247 : i32
    %dma_start3A_249 = arith.constant 0 : i32
    %dma_start3A_250 = tpu.memref_slice %arg5[%add3A_248, %dma_start3A_249] : memref<8192x1024xf32, #tpu.memory_space<hbm>> -> memref<16x1024xf32, #tpu.memory_space<hbm>>
    %dma_start3A_251 = arith.constant 0 : i32
    %dma_start3A_252 = tpu.memref_slice %arg5[%add3A_248, %dma_start3A_251] : memref<8192x1024xf32, #tpu.memory_space<hbm>> -> memref<16x1024xf32, #tpu.memory_space<hbm>>
    tpu.enqueue_dma source(%arg7 : memref<16x1024xf32, #tpu.memory_space<vmem>>) target(%dma_start3A_252 : memref<16x1024xf32, #tpu.memory_space<hbm>>) target_semaphore(%arg19 : memref<!tpu.dma_semaphore, #tpu.memory_space<semaphore_mem>>)
    %add3A_253 = arith.constant 0 : i32
    %add3A_254 = arith.addi %add3A_253, %mul3A_2 : i32
    %add3A_255 = arith.constant 16 : i32
    %add3A_256 = arith.addi %add3A_254, %add3A_255 : i32
    %dma_wait3A_257 = arith.constant 0 : i32
    %dma_wait3A_258 = tpu.memref_slice %arg5[%add3A_256, %dma_wait3A_257] : memref<8192x1024xf32, #tpu.memory_space<hbm>> -> memref<16x1024xf32, #tpu.memory_space<hbm>>
    %dma_wait3A_259 = arith.constant 0 : i32
    %dma_wait3A_260 = tpu.memref_slice %arg5[%add3A_256, %dma_wait3A_259] : memref<8192x1024xf32, #tpu.memory_space<hbm>> -> memref<16x1024xf32, #tpu.memory_space<hbm>>
    tpu.wait_dma2 semaphore(%arg23 : memref<!tpu.dma_semaphore, #tpu.memory_space<semaphore_mem>>) src(%arg11 : memref<16x1024xf32, #tpu.memory_space<vmem>>) dst(%dma_wait3A_260 : memref<16x1024xf32, #tpu.memory_space<hbm>>)
    %dma_start3A_261 = arith.constant 96 : i32
    %dma_start3A_262 = tpu.memref_slice %arg6[%dma_start3A_261] : memref<256xi32, #tpu.memory_space<vmem>> -> memref<16xi32, #tpu.memory_space<vmem>>
    %dma_start3A_263 = arith.constant 0 : i32
    %dma_start3A_264 = arith.constant 0 : i32
    %dma_start3A_265 = tpu.memref_slice %arg4[%dma_start3A_263, %dma_start3A_264] : memref<100000x1024xf32, #tpu.memory_space<hbm>> -> memref<100000x1024xf32, #tpu.memory_space<hbm>>
    tpu.enqueue_indirect_dma source(%dma_start3A_265 : memref<100000x1024xf32, #tpu.memory_space<hbm>>) target(%arg11 : memref<16x1024xf32, #tpu.memory_space<vmem>>) offsets(%dma_start3A_262 : memref<16xi32, #tpu.memory_space<vmem>>) semaphore(%arg18 : memref<!tpu.dma_semaphore, #tpu.memory_space<semaphore_mem>>)
    %dma_wait3A_266 = arith.constant 144 : i32
    %dma_wait3A_267 = tpu.memref_slice %arg6[%dma_wait3A_266] : memref<256xi32, #tpu.memory_space<vmem>> -> memref<16xi32, #tpu.memory_space<vmem>>
    %dma_wait3A_268 = arith.constant 0 : i32
    %dma_wait3A_269 = arith.constant 0 : i32
    %dma_wait3A_270 = tpu.memref_slice %arg4[%dma_wait3A_268, %dma_wait3A_269] : memref<100000x1024xf32, #tpu.memory_space<hbm>> -> memref<100000x1024xf32, #tpu.memory_space<hbm>>
    tpu.wait_indirect_dma semaphore(%arg15 : memref<!tpu.dma_semaphore, #tpu.memory_space<semaphore_mem>>) src(%dma_wait3A_270 : memref<100000x1024xf32, #tpu.memory_space<hbm>>) dst(%arg8 : memref<16x1024xf32, #tpu.memory_space<vmem>>)
    %parallel_loop3A_271 = arith.constant 0 : i32
    %parallel_loop3A_272 = arith.constant 1024 : i32
    %parallel_loop3A_273 = arith.constant 1 : i32
    scf.for %parallel_loop3A_568 = %parallel_loop3A_271 to %parallel_loop3A_272 step %parallel_loop3A_273  : i32 {
      %parallel_loop3A_569 = arith.constant 6 : i32
      %parallel_loop3A_570 = arith.shrsi %parallel_loop3A_568, %parallel_loop3A_569 : i32
      %parallel_loop3A_571 = arith.constant 63 : i32
      %parallel_loop3A_572 = arith.andi %parallel_loop3A_568, %parallel_loop3A_571 : i32
      %parallel_loop3A_573 = arith.constant 16 : i32
      %parallel_loop3A_574 = arith.muli %parallel_loop3A_572, %parallel_loop3A_573 : i32
      %parallel_loop3A_575 = arith.index_cast %parallel_loop3A_570 : i32 to index
      %parallel_loop3A_576 = arith.index_cast %parallel_loop3A_574 : i32 to index
      %parallel_loop3A_577 = tpu.vector_load %arg13[%parallel_loop3A_575, %parallel_loop3A_576] {strides = array<i32>} : memref<16x1024xf32, #tpu.memory_space<vmem>>, vector<1x16xf32>,
      %parallel_loop3A_578 = vector.shape_cast %parallel_loop3A_577 : vector<1x16xf32> to vector<16xf32>
      %parallel_loop3A_579 = arith.index_cast %parallel_loop3A_570 : i32 to index
      %parallel_loop3A_580 = arith.index_cast %parallel_loop3A_574 : i32 to index
      %parallel_loop3A_581 = tpu.vector_load %arg8[%parallel_loop3A_579, %parallel_loop3A_580] {strides = array<i32>} : memref<16x1024xf32, #tpu.memory_space<vmem>>, vector<1x16xf32>,
      %parallel_loop3A_582 = vector.shape_cast %parallel_loop3A_581 : vector<1x16xf32> to vector<16xf32>
      %parallel_loop3A_583 = vector.shape_cast %parallel_loop3A_578 : vector<16xf32> to vector<1x16xf32>
      tpu.vector_store %arg8[%parallel_loop3A_579, %parallel_loop3A_580], %parallel_loop3A_583 {add = true, strides = array<i32>} : memref<16x1024xf32, #tpu.memory_space<vmem>>, vector<1x16xf32>,
    } {sc.loop_unroll_factor = 8 : i64, sc.parallel_access}
    %add3A_274 = arith.constant 4096 : i32
    %add3A_275 = arith.addi %add3A_274, %mul3A_2 : i32
    %add3A_276 = arith.constant 16 : i32
    %add3A_277 = arith.addi %add3A_275, %add3A_276 : i32
    %dma_start3A_278 = arith.constant 0 : i32
    %dma_start3A_279 = tpu.memref_slice %arg5[%add3A_277, %dma_start3A_278] : memref<8192x1024xf32, #tpu.memory_space<hbm>> -> memref<16x1024xf32, #tpu.memory_space<hbm>>
    %dma_start3A_280 = arith.constant 0 : i32
    %dma_start3A_281 = tpu.memref_slice %arg5[%add3A_277, %dma_start3A_280] : memref<8192x1024xf32, #tpu.memory_space<hbm>> -> memref<16x1024xf32, #tpu.memory_space<hbm>>
    tpu.enqueue_dma source(%arg8 : memref<16x1024xf32, #tpu.memory_space<vmem>>) target(%dma_start3A_281 : memref<16x1024xf32, #tpu.memory_space<hbm>>) target_semaphore(%arg20 : memref<!tpu.dma_semaphore, #tpu.memory_space<semaphore_mem>>)
    %add3A_282 = arith.constant 2048 : i32
    %add3A_283 = arith.addi %add3A_282, %mul3A_2 : i32
    %add3A_284 = arith.constant 16 : i32
    %add3A_285 = arith.addi %add3A_283, %add3A_284 : i32
    %dma_wait3A_286 = arith.constant 0 : i32
    %dma_wait3A_287 = tpu.memref_slice %arg5[%add3A_285, %dma_wait3A_286] : memref<8192x1024xf32, #tpu.memory_space<hbm>> -> memref<16x1024xf32, #tpu.memory_space<hbm>>
    %dma_wait3A_288 = arith.constant 0 : i32
    %dma_wait3A_289 = tpu.memref_slice %arg5[%add3A_285, %dma_wait3A_288] : memref<8192x1024xf32, #tpu.memory_space<hbm>> -> memref<16x1024xf32, #tpu.memory_space<hbm>>
    tpu.wait_dma2 semaphore(%arg19 : memref<!tpu.dma_semaphore, #tpu.memory_space<semaphore_mem>>) src(%arg7 : memref<16x1024xf32, #tpu.memory_space<vmem>>) dst(%dma_wait3A_289 : memref<16x1024xf32, #tpu.memory_space<hbm>>)
    %dma_start3A_290 = arith.constant 160 : i32
    %dma_start3A_291 = tpu.memref_slice %arg6[%dma_start3A_290] : memref<256xi32, #tpu.memory_space<vmem>> -> memref<16xi32, #tpu.memory_space<vmem>>
    %dma_start3A_292 = arith.constant 0 : i32
    %dma_start3A_293 = arith.constant 0 : i32
    %dma_start3A_294 = tpu.memref_slice %arg4[%dma_start3A_292, %dma_start3A_293] : memref<100000x1024xf32, #tpu.memory_space<hbm>> -> memref<100000x1024xf32, #tpu.memory_space<hbm>>
    tpu.enqueue_indirect_dma source(%dma_start3A_294 : memref<100000x1024xf32, #tpu.memory_space<hbm>>) target(%arg7 : memref<16x1024xf32, #tpu.memory_space<vmem>>) offsets(%dma_start3A_291 : memref<16xi32, #tpu.memory_space<vmem>>) semaphore(%arg14 : memref<!tpu.dma_semaphore, #tpu.memory_space<semaphore_mem>>)
    %dma_wait3A_295 = arith.constant 208 : i32
    %dma_wait3A_296 = tpu.memref_slice %arg6[%dma_wait3A_295] : memref<256xi32, #tpu.memory_space<vmem>> -> memref<16xi32, #tpu.memory_space<vmem>>
    %dma_wait3A_297 = arith.constant 0 : i32
    %dma_wait3A_298 = arith.constant 0 : i32
    %dma_wait3A_299 = tpu.memref_slice %arg4[%dma_wait3A_297, %dma_wait3A_298] : memref<100000x1024xf32, #tpu.memory_space<hbm>> -> memref<100000x1024xf32, #tpu.memory_space<hbm>>
    tpu.wait_indirect_dma semaphore(%arg16 : memref<!tpu.dma_semaphore, #tpu.memory_space<semaphore_mem>>) src(%dma_wait3A_299 : memref<100000x1024xf32, #tpu.memory_space<hbm>>) dst(%arg9 : memref<16x1024xf32, #tpu.memory_space<vmem>>)
    %parallel_loop3A_300 = arith.constant 0 : i32
    %parallel_loop3A_301 = arith.constant 1024 : i32
    %parallel_loop3A_302 = arith.constant 1 : i32
    scf.for %parallel_loop3A_568 = %parallel_loop3A_300 to %parallel_loop3A_301 step %parallel_loop3A_302  : i32 {
      %parallel_loop3A_569 = arith.constant 6 : i32
      %parallel_loop3A_570 = arith.shrsi %parallel_loop3A_568, %parallel_loop3A_569 : i32
      %parallel_loop3A_571 = arith.constant 63 : i32
      %parallel_loop3A_572 = arith.andi %parallel_loop3A_568, %parallel_loop3A_571 : i32
      %parallel_loop3A_573 = arith.constant 16 : i32
      %parallel_loop3A_574 = arith.muli %parallel_loop3A_572, %parallel_loop3A_573 : i32
      %parallel_loop3A_575 = arith.index_cast %parallel_loop3A_570 : i32 to index
      %parallel_loop3A_576 = arith.index_cast %parallel_loop3A_574 : i32 to index
      %parallel_loop3A_577 = tpu.vector_load %arg13[%parallel_loop3A_575, %parallel_loop3A_576] {strides = array<i32>} : memref<16x1024xf32, #tpu.memory_space<vmem>>, vector<1x16xf32>,
      %parallel_loop3A_578 = vector.shape_cast %parallel_loop3A_577 : vector<1x16xf32> to vector<16xf32>
      %parallel_loop3A_579 = arith.index_cast %parallel_loop3A_570 : i32 to index
      %parallel_loop3A_580 = arith.index_cast %parallel_loop3A_574 : i32 to index
      %parallel_loop3A_581 = tpu.vector_load %arg9[%parallel_loop3A_579, %parallel_loop3A_580] {strides = array<i32>} : memref<16x1024xf32, #tpu.memory_space<vmem>>, vector<1x16xf32>,
      %parallel_loop3A_582 = vector.shape_cast %parallel_loop3A_581 : vector<1x16xf32> to vector<16xf32>
      %parallel_loop3A_583 = vector.shape_cast %parallel_loop3A_578 : vector<16xf32> to vector<1x16xf32>
      tpu.vector_store %arg9[%parallel_loop3A_579, %parallel_loop3A_580], %parallel_loop3A_583 {add = true, strides = array<i32>} : memref<16x1024xf32, #tpu.memory_space<vmem>>, vector<1x16xf32>,
    } {sc.loop_unroll_factor = 8 : i64, sc.parallel_access}
    %add3A_303 = arith.constant 6144 : i32
    %add3A_304 = arith.addi %add3A_303, %mul3A_2 : i32
    %add3A_305 = arith.constant 16 : i32
    %add3A_306 = arith.addi %add3A_304, %add3A_305 : i32
    %dma_start3A_307 = arith.constant 0 : i32
    %dma_start3A_308 = tpu.memref_slice %arg5[%add3A_306, %dma_start3A_307] : memref<8192x1024xf32, #tpu.memory_space<hbm>> -> memref<16x1024xf32, #tpu.memory_space<hbm>>
    %dma_start3A_309 = arith.constant 0 : i32
    %dma_start3A_310 = tpu.memref_slice %arg5[%add3A_306, %dma_start3A_309] : memref<8192x1024xf32, #tpu.memory_space<hbm>> -> memref<16x1024xf32, #tpu.memory_space<hbm>>
    tpu.enqueue_dma source(%arg9 : memref<16x1024xf32, #tpu.memory_space<vmem>>) target(%dma_start3A_310 : memref<16x1024xf32, #tpu.memory_space<hbm>>) target_semaphore(%arg21 : memref<!tpu.dma_semaphore, #tpu.memory_space<semaphore_mem>>)
    %add3A_311 = arith.constant 32 : i32
    %add3A_312 = arith.addi %mul3A_2, %add3A_311 : i32
    %dma_start3A_313 = arith.constant 0 : i32
    %dma_start3A_314 = tpu.memref_slice %arg3[%add3A_312, %dma_start3A_313] : memref<2048x1024xf32, #tpu.memory_space<hbm>> -> memref<16x1024xf32, #tpu.memory_space<hbm>>
    %dma_start3A_315 = arith.constant 0 : i32
    %dma_start3A_316 = tpu.memref_slice %arg3[%add3A_312, %dma_start3A_315] : memref<2048x1024xf32, #tpu.memory_space<hbm>> -> memref<16x1024xf32, #tpu.memory_space<hbm>>
    tpu.enqueue_dma source(%dma_start3A_316 : memref<16x1024xf32, #tpu.memory_space<hbm>>) target(%arg12 : memref<16x1024xf32, #tpu.memory_space<vmem>>) target_semaphore(%arg24 : memref<!tpu.dma_semaphore, #tpu.memory_space<semaphore_mem>>)
    %add3A_317 = arith.constant 4096 : i32
    %add3A_318 = arith.addi %add3A_317, %mul3A_2 : i32
    %add3A_319 = arith.constant 16 : i32
    %add3A_320 = arith.addi %add3A_318, %add3A_319 : i32
    %dma_wait3A_321 = arith.constant 0 : i32
    %dma_wait3A_322 = tpu.memref_slice %arg5[%add3A_320, %dma_wait3A_321] : memref<8192x1024xf32, #tpu.memory_space<hbm>> -> memref<16x1024xf32, #tpu.memory_space<hbm>>
    %dma_wait3A_323 = arith.constant 0 : i32
    %dma_wait3A_324 = tpu.memref_slice %arg5[%add3A_320, %dma_wait3A_323] : memref<8192x1024xf32, #tpu.memory_space<hbm>> -> memref<16x1024xf32, #tpu.memory_space<hbm>>
    tpu.wait_dma2 semaphore(%arg20 : memref<!tpu.dma_semaphore, #tpu.memory_space<semaphore_mem>>) src(%arg8 : memref<16x1024xf32, #tpu.memory_space<vmem>>) dst(%dma_wait3A_324 : memref<16x1024xf32, #tpu.memory_space<hbm>>)
    %dma_start3A_325 = arith.constant 224 : i32
    %dma_start3A_326 = tpu.memref_slice %arg6[%dma_start3A_325] : memref<256xi32, #tpu.memory_space<vmem>> -> memref<16xi32, #tpu.memory_space<vmem>>
    %dma_start3A_327 = arith.constant 0 : i32
    %dma_start3A_328 = arith.constant 0 : i32
    %dma_start3A_329 = tpu.memref_slice %arg4[%dma_start3A_327, %dma_start3A_328] : memref<100000x1024xf32, #tpu.memory_space<hbm>> -> memref<100000x1024xf32, #tpu.memory_space<hbm>>
    tpu.enqueue_indirect_dma source(%dma_start3A_329 : memref<100000x1024xf32, #tpu.memory_space<hbm>>) target(%arg8 : memref<16x1024xf32, #tpu.memory_space<vmem>>) offsets(%dma_start3A_326 : memref<16xi32, #tpu.memory_space<vmem>>) semaphore(%arg15 : memref<!tpu.dma_semaphore, #tpu.memory_space<semaphore_mem>>)
    %add3A_330 = arith.constant 32 : i32
    %add3A_331 = arith.addi %mul3A_2, %add3A_330 : i32
    %dma_wait3A_332 = arith.constant 0 : i32
    %dma_wait3A_333 = tpu.memref_slice %arg3[%add3A_331, %dma_wait3A_332] : memref<2048x1024xf32, #tpu.memory_space<hbm>> -> memref<16x1024xf32, #tpu.memory_space<hbm>>
    %dma_wait3A_334 = arith.constant 0 : i32
    %dma_wait3A_335 = tpu.memref_slice %arg3[%add3A_331, %dma_wait3A_334] : memref<2048x1024xf32, #tpu.memory_space<hbm>> -> memref<16x1024xf32, #tpu.memory_space<hbm>>
    tpu.wait_dma2 semaphore(%arg24 : memref<!tpu.dma_semaphore, #tpu.memory_space<semaphore_mem>>) src(%dma_wait3A_335 : memref<16x1024xf32, #tpu.memory_space<hbm>>) dst(%arg12 : memref<16x1024xf32, #tpu.memory_space<vmem>>)
    %dma_wait3A_336 = arith.constant 32 : i32
    %dma_wait3A_337 = tpu.memref_slice %arg6[%dma_wait3A_336] : memref<256xi32, #tpu.memory_space<vmem>> -> memref<16xi32, #tpu.memory_space<vmem>>
    %dma_wait3A_338 = arith.constant 0 : i32
    %dma_wait3A_339 = arith.constant 0 : i32
    %dma_wait3A_340 = tpu.memref_slice %arg4[%dma_wait3A_338, %dma_wait3A_339] : memref<100000x1024xf32, #tpu.memory_space<hbm>> -> memref<100000x1024xf32, #tpu.memory_space<hbm>>
    tpu.wait_indirect_dma semaphore(%arg17 : memref<!tpu.dma_semaphore, #tpu.memory_space<semaphore_mem>>) src(%dma_wait3A_340 : memref<100000x1024xf32, #tpu.memory_space<hbm>>) dst(%arg10 : memref<16x1024xf32, #tpu.memory_space<vmem>>)
    %parallel_loop3A_341 = arith.constant 0 : i32
    %parallel_loop3A_342 = arith.constant 1024 : i32
    %parallel_loop3A_343 = arith.constant 1 : i32
    scf.for %parallel_loop3A_568 = %parallel_loop3A_341 to %parallel_loop3A_342 step %parallel_loop3A_343  : i32 {
      %parallel_loop3A_569 = arith.constant 6 : i32
      %parallel_loop3A_570 = arith.shrsi %parallel_loop3A_568, %parallel_loop3A_569 : i32
      %parallel_loop3A_571 = arith.constant 63 : i32
      %parallel_loop3A_572 = arith.andi %parallel_loop3A_568, %parallel_loop3A_571 : i32
      %parallel_loop3A_573 = arith.constant 16 : i32
      %parallel_loop3A_574 = arith.muli %parallel_loop3A_572, %parallel_loop3A_573 : i32
      %parallel_loop3A_575 = arith.index_cast %parallel_loop3A_570 : i32 to index
      %parallel_loop3A_576 = arith.index_cast %parallel_loop3A_574 : i32 to index
      %parallel_loop3A_577 = tpu.vector_load %arg12[%parallel_loop3A_575, %parallel_loop3A_576] {strides = array<i32>} : memref<16x1024xf32, #tpu.memory_space<vmem>>, vector<1x16xf32>,
      %parallel_loop3A_578 = vector.shape_cast %parallel_loop3A_577 : vector<1x16xf32> to vector<16xf32>
      %parallel_loop3A_579 = arith.index_cast %parallel_loop3A_570 : i32 to index
      %parallel_loop3A_580 = arith.index_cast %parallel_loop3A_574 : i32 to index
      %parallel_loop3A_581 = tpu.vector_load %arg10[%parallel_loop3A_579, %parallel_loop3A_580] {strides = array<i32>} : memref<16x1024xf32, #tpu.memory_space<vmem>>, vector<1x16xf32>,
      %parallel_loop3A_582 = vector.shape_cast %parallel_loop3A_581 : vector<1x16xf32> to vector<16xf32>
      %parallel_loop3A_583 = vector.shape_cast %parallel_loop3A_578 : vector<16xf32> to vector<1x16xf32>
      tpu.vector_store %arg10[%parallel_loop3A_579, %parallel_loop3A_580], %parallel_loop3A_583 {add = true, strides = array<i32>} : memref<16x1024xf32, #tpu.memory_space<vmem>>, vector<1x16xf32>,
    } {sc.loop_unroll_factor = 8 : i64, sc.parallel_access}
    %add3A_344 = arith.constant 0 : i32
    %add3A_345 = arith.addi %add3A_344, %mul3A_2 : i32
    %add3A_346 = arith.constant 32 : i32
    %add3A_347 = arith.addi %add3A_345, %add3A_346 : i32
    %dma_start3A_348 = arith.constant 0 : i32
    %dma_start3A_349 = tpu.memref_slice %arg5[%add3A_347, %dma_start3A_348] : memref<8192x1024xf32, #tpu.memory_space<hbm>> -> memref<16x1024xf32, #tpu.memory_space<hbm>>
    %dma_start3A_350 = arith.constant 0 : i32
    %dma_start3A_351 = tpu.memref_slice %arg5[%add3A_347, %dma_start3A_350] : memref<8192x1024xf32, #tpu.memory_space<hbm>> -> memref<16x1024xf32, #tpu.memory_space<hbm>>
    tpu.enqueue_dma source(%arg10 : memref<16x1024xf32, #tpu.memory_space<vmem>>) target(%dma_start3A_351 : memref<16x1024xf32, #tpu.memory_space<hbm>>) target_semaphore(%arg22 : memref<!tpu.dma_semaphore, #tpu.memory_space<semaphore_mem>>)
    %add3A_352 = arith.constant 6144 : i32
    %add3A_353 = arith.addi %add3A_352, %mul3A_2 : i32
    %add3A_354 = arith.constant 16 : i32
    %add3A_355 = arith.addi %add3A_353, %add3A_354 : i32
    %dma_wait3A_356 = arith.constant 0 : i32
    %dma_wait3A_357 = tpu.memref_slice %arg5[%add3A_355, %dma_wait3A_356] : memref<8192x1024xf32, #tpu.memory_space<hbm>> -> memref<16x1024xf32, #tpu.memory_space<hbm>>
    %dma_wait3A_358 = arith.constant 0 : i32
    %dma_wait3A_359 = tpu.memref_slice %arg5[%add3A_355, %dma_wait3A_358] : memref<8192x1024xf32, #tpu.memory_space<hbm>> -> memref<16x1024xf32, #tpu.memory_space<hbm>>
    tpu.wait_dma2 semaphore(%arg21 : memref<!tpu.dma_semaphore, #tpu.memory_space<semaphore_mem>>) src(%arg9 : memref<16x1024xf32, #tpu.memory_space<vmem>>) dst(%dma_wait3A_359 : memref<16x1024xf32, #tpu.memory_space<hbm>>)
    %dma_start3A_360 = arith.constant 48 : i32
    %dma_start3A_361 = tpu.memref_slice %arg6[%dma_start3A_360] : memref<256xi32, #tpu.memory_space<vmem>> -> memref<16xi32, #tpu.memory_space<vmem>>
    %dma_start3A_362 = arith.constant 0 : i32
    %dma_start3A_363 = arith.constant 0 : i32
    %dma_start3A_364 = tpu.memref_slice %arg4[%dma_start3A_362, %dma_start3A_363] : memref<100000x1024xf32, #tpu.memory_space<hbm>> -> memref<100000x1024xf32, #tpu.memory_space<hbm>>
    tpu.enqueue_indirect_dma source(%dma_start3A_364 : memref<100000x1024xf32, #tpu.memory_space<hbm>>) target(%arg9 : memref<16x1024xf32, #tpu.memory_space<vmem>>) offsets(%dma_start3A_361 : memref<16xi32, #tpu.memory_space<vmem>>) semaphore(%arg16 : memref<!tpu.dma_semaphore, #tpu.memory_space<semaphore_mem>>)
    %dma_wait3A_365 = arith.constant 96 : i32
    %dma_wait3A_366 = tpu.memref_slice %arg6[%dma_wait3A_365] : memref<256xi32, #tpu.memory_space<vmem>> -> memref<16xi32, #tpu.memory_space<vmem>>
    %dma_wait3A_367 = arith.constant 0 : i32
    %dma_wait3A_368 = arith.constant 0 : i32
    %dma_wait3A_369 = tpu.memref_slice %arg4[%dma_wait3A_367, %dma_wait3A_368] : memref<100000x1024xf32, #tpu.memory_space<hbm>> -> memref<100000x1024xf32, #tpu.memory_space<hbm>>
    tpu.wait_indirect_dma semaphore(%arg18 : memref<!tpu.dma_semaphore, #tpu.memory_space<semaphore_mem>>) src(%dma_wait3A_369 : memref<100000x1024xf32, #tpu.memory_space<hbm>>) dst(%arg11 : memref<16x1024xf32, #tpu.memory_space<vmem>>)
    %parallel_loop3A_370 = arith.constant 0 : i32
    %parallel_loop3A_371 = arith.constant 1024 : i32
    %parallel_loop3A_372 = arith.constant 1 : i32
    scf.for %parallel_loop3A_568 = %parallel_loop3A_370 to %parallel_loop3A_371 step %parallel_loop3A_372  : i32 {
      %parallel_loop3A_569 = arith.constant 6 : i32
      %parallel_loop3A_570 = arith.shrsi %parallel_loop3A_568, %parallel_loop3A_569 : i32
      %parallel_loop3A_571 = arith.constant 63 : i32
      %parallel_loop3A_572 = arith.andi %parallel_loop3A_568, %parallel_loop3A_571 : i32
      %parallel_loop3A_573 = arith.constant 16 : i32
      %parallel_loop3A_574 = arith.muli %parallel_loop3A_572, %parallel_loop3A_573 : i32
      %parallel_loop3A_575 = arith.index_cast %parallel_loop3A_570 : i32 to index
      %parallel_loop3A_576 = arith.index_cast %parallel_loop3A_574 : i32 to index
      %parallel_loop3A_577 = tpu.vector_load %arg12[%parallel_loop3A_575, %parallel_loop3A_576] {strides = array<i32>} : memref<16x1024xf32, #tpu.memory_space<vmem>>, vector<1x16xf32>,
      %parallel_loop3A_578 = vector.shape_cast %parallel_loop3A_577 : vector<1x16xf32> to vector<16xf32>
      %parallel_loop3A_579 = arith.index_cast %parallel_loop3A_570 : i32 to index
      %parallel_loop3A_580 = arith.index_cast %parallel_loop3A_574 : i32 to index
      %parallel_loop3A_581 = tpu.vector_load %arg11[%parallel_loop3A_579, %parallel_loop3A_580] {strides = array<i32>} : memref<16x1024xf32, #tpu.memory_space<vmem>>, vector<1x16xf32>,
      %parallel_loop3A_582 = vector.shape_cast %parallel_loop3A_581 : vector<1x16xf32> to vector<16xf32>
      %parallel_loop3A_583 = vector.shape_cast %parallel_loop3A_578 : vector<16xf32> to vector<1x16xf32>
      tpu.vector_store %arg11[%parallel_loop3A_579, %parallel_loop3A_580], %parallel_loop3A_583 {add = true, strides = array<i32>} : memref<16x1024xf32, #tpu.memory_space<vmem>>, vector<1x16xf32>,
    } {sc.loop_unroll_factor = 8 : i64, sc.parallel_access}
    %add3A_373 = arith.constant 2048 : i32
    %add3A_374 = arith.addi %add3A_373, %mul3A_2 : i32
    %add3A_375 = arith.constant 32 : i32
    %add3A_376 = arith.addi %add3A_374, %add3A_375 : i32
    %dma_start3A_377 = arith.constant 0 : i32
    %dma_start3A_378 = tpu.memref_slice %arg5[%add3A_376, %dma_start3A_377] : memref<8192x1024xf32, #tpu.memory_space<hbm>> -> memref<16x1024xf32, #tpu.memory_space<hbm>>
    %dma_start3A_379 = arith.constant 0 : i32
    %dma_start3A_380 = tpu.memref_slice %arg5[%add3A_376, %dma_start3A_379] : memref<8192x1024xf32, #tpu.memory_space<hbm>> -> memref<16x1024xf32, #tpu.memory_space<hbm>>
    tpu.enqueue_dma source(%arg11 : memref<16x1024xf32, #tpu.memory_space<vmem>>) target(%dma_start3A_380 : memref<16x1024xf32, #tpu.memory_space<hbm>>) target_semaphore(%arg23 : memref<!tpu.dma_semaphore, #tpu.memory_space<semaphore_mem>>)
    %add3A_381 = arith.constant 0 : i32
    %add3A_382 = arith.addi %add3A_381, %mul3A_2 : i32
    %add3A_383 = arith.constant 32 : i32
    %add3A_384 = arith.addi %add3A_382, %add3A_383 : i32
    %dma_wait3A_385 = arith.constant 0 : i32
    %dma_wait3A_386 = tpu.memref_slice %arg5[%add3A_384, %dma_wait3A_385] : memref<8192x1024xf32, #tpu.memory_space<hbm>> -> memref<16x1024xf32, #tpu.memory_space<hbm>>
    %dma_wait3A_387 = arith.constant 0 : i32
    %dma_wait3A_388 = tpu.memref_slice %arg5[%add3A_384, %dma_wait3A_387] : memref<8192x1024xf32, #tpu.memory_space<hbm>> -> memref<16x1024xf32, #tpu.memory_space<hbm>>
    tpu.wait_dma2 semaphore(%arg22 : memref<!tpu.dma_semaphore, #tpu.memory_space<semaphore_mem>>) src(%arg10 : memref<16x1024xf32, #tpu.memory_space<vmem>>) dst(%dma_wait3A_388 : memref<16x1024xf32, #tpu.memory_space<hbm>>)
    %dma_start3A_389 = arith.constant 112 : i32
    %dma_start3A_390 = tpu.memref_slice %arg6[%dma_start3A_389] : memref<256xi32, #tpu.memory_space<vmem>> -> memref<16xi32, #tpu.memory_space<vmem>>
    %dma_start3A_391 = arith.constant 0 : i32
    %dma_start3A_392 = arith.constant 0 : i32
    %dma_start3A_393 = tpu.memref_slice %arg4[%dma_start3A_391, %dma_start3A_392] : memref<100000x1024xf32, #tpu.memory_space<hbm>> -> memref<100000x1024xf32, #tpu.memory_space<hbm>>
    tpu.enqueue_indirect_dma source(%dma_start3A_393 : memref<100000x1024xf32, #tpu.memory_space<hbm>>) target(%arg10 : memref<16x1024xf32, #tpu.memory_space<vmem>>) offsets(%dma_start3A_390 : memref<16xi32, #tpu.memory_space<vmem>>) semaphore(%arg17 : memref<!tpu.dma_semaphore, #tpu.memory_space<semaphore_mem>>)
    %dma_wait3A_394 = arith.constant 160 : i32
    %dma_wait3A_395 = tpu.memref_slice %arg6[%dma_wait3A_394] : memref<256xi32, #tpu.memory_space<vmem>> -> memref<16xi32, #tpu.memory_space<vmem>>
    %dma_wait3A_396 = arith.constant 0 : i32
    %dma_wait3A_397 = arith.constant 0 : i32
    %dma_wait3A_398 = tpu.memref_slice %arg4[%dma_wait3A_396, %dma_wait3A_397] : memref<100000x1024xf32, #tpu.memory_space<hbm>> -> memref<100000x1024xf32, #tpu.memory_space<hbm>>
    tpu.wait_indirect_dma semaphore(%arg14 : memref<!tpu.dma_semaphore, #tpu.memory_space<semaphore_mem>>) src(%dma_wait3A_398 : memref<100000x1024xf32, #tpu.memory_space<hbm>>) dst(%arg7 : memref<16x1024xf32, #tpu.memory_space<vmem>>)
    %parallel_loop3A_399 = arith.constant 0 : i32
    %parallel_loop3A_400 = arith.constant 1024 : i32
    %parallel_loop3A_401 = arith.constant 1 : i32
    scf.for %parallel_loop3A_568 = %parallel_loop3A_399 to %parallel_loop3A_400 step %parallel_loop3A_401  : i32 {
      %parallel_loop3A_569 = arith.constant 6 : i32
      %parallel_loop3A_570 = arith.shrsi %parallel_loop3A_568, %parallel_loop3A_569 : i32
      %parallel_loop3A_571 = arith.constant 63 : i32
      %parallel_loop3A_572 = arith.andi %parallel_loop3A_568, %parallel_loop3A_571 : i32
      %parallel_loop3A_573 = arith.constant 16 : i32
      %parallel_loop3A_574 = arith.muli %parallel_loop3A_572, %parallel_loop3A_573 : i32
      %parallel_loop3A_575 = arith.index_cast %parallel_loop3A_570 : i32 to index
      %parallel_loop3A_576 = arith.index_cast %parallel_loop3A_574 : i32 to index
      %parallel_loop3A_577 = tpu.vector_load %arg12[%parallel_loop3A_575, %parallel_loop3A_576] {strides = array<i32>} : memref<16x1024xf32, #tpu.memory_space<vmem>>, vector<1x16xf32>,
      %parallel_loop3A_578 = vector.shape_cast %parallel_loop3A_577 : vector<1x16xf32> to vector<16xf32>
      %parallel_loop3A_579 = arith.index_cast %parallel_loop3A_570 : i32 to index
      %parallel_loop3A_580 = arith.index_cast %parallel_loop3A_574 : i32 to index
      %parallel_loop3A_581 = tpu.vector_load %arg7[%parallel_loop3A_579, %parallel_loop3A_580] {strides = array<i32>} : memref<16x1024xf32, #tpu.memory_space<vmem>>, vector<1x16xf32>,
      %parallel_loop3A_582 = vector.shape_cast %parallel_loop3A_581 : vector<1x16xf32> to vector<16xf32>
      %parallel_loop3A_583 = vector.shape_cast %parallel_loop3A_578 : vector<16xf32> to vector<1x16xf32>
      tpu.vector_store %arg7[%parallel_loop3A_579, %parallel_loop3A_580], %parallel_loop3A_583 {add = true, strides = array<i32>} : memref<16x1024xf32, #tpu.memory_space<vmem>>, vector<1x16xf32>,
    } {sc.loop_unroll_factor = 8 : i64, sc.parallel_access}
    %add3A_402 = arith.constant 4096 : i32
    %add3A_403 = arith.addi %add3A_402, %mul3A_2 : i32
    %add3A_404 = arith.constant 32 : i32
    %add3A_405 = arith.addi %add3A_403, %add3A_404 : i32
    %dma_start3A_406 = arith.constant 0 : i32
    %dma_start3A_407 = tpu.memref_slice %arg5[%add3A_405, %dma_start3A_406] : memref<8192x1024xf32, #tpu.memory_space<hbm>> -> memref<16x1024xf32, #tpu.memory_space<hbm>>
    %dma_start3A_408 = arith.constant 0 : i32
    %dma_start3A_409 = tpu.memref_slice %arg5[%add3A_405, %dma_start3A_408] : memref<8192x1024xf32, #tpu.memory_space<hbm>> -> memref<16x1024xf32, #tpu.memory_space<hbm>>
    tpu.enqueue_dma source(%arg7 : memref<16x1024xf32, #tpu.memory_space<vmem>>) target(%dma_start3A_409 : memref<16x1024xf32, #tpu.memory_space<hbm>>) target_semaphore(%arg19 : memref<!tpu.dma_semaphore, #tpu.memory_space<semaphore_mem>>)
    %add3A_410 = arith.constant 2048 : i32
    %add3A_411 = arith.addi %add3A_410, %mul3A_2 : i32
    %add3A_412 = arith.constant 32 : i32
    %add3A_413 = arith.addi %add3A_411, %add3A_412 : i32
    %dma_wait3A_414 = arith.constant 0 : i32
    %dma_wait3A_415 = tpu.memref_slice %arg5[%add3A_413, %dma_wait3A_414] : memref<8192x1024xf32, #tpu.memory_space<hbm>> -> memref<16x1024xf32, #tpu.memory_space<hbm>>
    %dma_wait3A_416 = arith.constant 0 : i32
    %dma_wait3A_417 = tpu.memref_slice %arg5[%add3A_413, %dma_wait3A_416] : memref<8192x1024xf32, #tpu.memory_space<hbm>> -> memref<16x1024xf32, #tpu.memory_space<hbm>>
    tpu.wait_dma2 semaphore(%arg23 : memref<!tpu.dma_semaphore, #tpu.memory_space<semaphore_mem>>) src(%arg11 : memref<16x1024xf32, #tpu.memory_space<vmem>>) dst(%dma_wait3A_417 : memref<16x1024xf32, #tpu.memory_space<hbm>>)
    %dma_start3A_418 = arith.constant 176 : i32
    %dma_start3A_419 = tpu.memref_slice %arg6[%dma_start3A_418] : memref<256xi32, #tpu.memory_space<vmem>> -> memref<16xi32, #tpu.memory_space<vmem>>
    %dma_start3A_420 = arith.constant 0 : i32
    %dma_start3A_421 = arith.constant 0 : i32
    %dma_start3A_422 = tpu.memref_slice %arg4[%dma_start3A_420, %dma_start3A_421] : memref<100000x1024xf32, #tpu.memory_space<hbm>> -> memref<100000x1024xf32, #tpu.memory_space<hbm>>
    tpu.enqueue_indirect_dma source(%dma_start3A_422 : memref<100000x1024xf32, #tpu.memory_space<hbm>>) target(%arg11 : memref<16x1024xf32, #tpu.memory_space<vmem>>) offsets(%dma_start3A_419 : memref<16xi32, #tpu.memory_space<vmem>>) semaphore(%arg18 : memref<!tpu.dma_semaphore, #tpu.memory_space<semaphore_mem>>)
    %dma_wait3A_423 = arith.constant 224 : i32
    %dma_wait3A_424 = tpu.memref_slice %arg6[%dma_wait3A_423] : memref<256xi32, #tpu.memory_space<vmem>> -> memref<16xi32, #tpu.memory_space<vmem>>
    %dma_wait3A_425 = arith.constant 0 : i32
    %dma_wait3A_426 = arith.constant 0 : i32
    %dma_wait3A_427 = tpu.memref_slice %arg4[%dma_wait3A_425, %dma_wait3A_426] : memref<100000x1024xf32, #tpu.memory_space<hbm>> -> memref<100000x1024xf32, #tpu.memory_space<hbm>>
    tpu.wait_indirect_dma semaphore(%arg15 : memref<!tpu.dma_semaphore, #tpu.memory_space<semaphore_mem>>) src(%dma_wait3A_427 : memref<100000x1024xf32, #tpu.memory_space<hbm>>) dst(%arg8 : memref<16x1024xf32, #tpu.memory_space<vmem>>)
    %parallel_loop3A_428 = arith.constant 0 : i32
    %parallel_loop3A_429 = arith.constant 1024 : i32
    %parallel_loop3A_430 = arith.constant 1 : i32
    scf.for %parallel_loop3A_568 = %parallel_loop3A_428 to %parallel_loop3A_429 step %parallel_loop3A_430  : i32 {
      %parallel_loop3A_569 = arith.constant 6 : i32
      %parallel_loop3A_570 = arith.shrsi %parallel_loop3A_568, %parallel_loop3A_569 : i32
      %parallel_loop3A_571 = arith.constant 63 : i32
      %parallel_loop3A_572 = arith.andi %parallel_loop3A_568, %parallel_loop3A_571 : i32
      %parallel_loop3A_573 = arith.constant 16 : i32
      %parallel_loop3A_574 = arith.muli %parallel_loop3A_572, %parallel_loop3A_573 : i32
      %parallel_loop3A_575 = arith.index_cast %parallel_loop3A_570 : i32 to index
      %parallel_loop3A_576 = arith.index_cast %parallel_loop3A_574 : i32 to index
      %parallel_loop3A_577 = tpu.vector_load %arg12[%parallel_loop3A_575, %parallel_loop3A_576] {strides = array<i32>} : memref<16x1024xf32, #tpu.memory_space<vmem>>, vector<1x16xf32>,
      %parallel_loop3A_578 = vector.shape_cast %parallel_loop3A_577 : vector<1x16xf32> to vector<16xf32>
      %parallel_loop3A_579 = arith.index_cast %parallel_loop3A_570 : i32 to index
      %parallel_loop3A_580 = arith.index_cast %parallel_loop3A_574 : i32 to index
      %parallel_loop3A_581 = tpu.vector_load %arg8[%parallel_loop3A_579, %parallel_loop3A_580] {strides = array<i32>} : memref<16x1024xf32, #tpu.memory_space<vmem>>, vector<1x16xf32>,
      %parallel_loop3A_582 = vector.shape_cast %parallel_loop3A_581 : vector<1x16xf32> to vector<16xf32>
      %parallel_loop3A_583 = vector.shape_cast %parallel_loop3A_578 : vector<16xf32> to vector<1x16xf32>
      tpu.vector_store %arg8[%parallel_loop3A_579, %parallel_loop3A_580], %parallel_loop3A_583 {add = true, strides = array<i32>} : memref<16x1024xf32, #tpu.memory_space<vmem>>, vector<1x16xf32>,
    } {sc.loop_unroll_factor = 8 : i64, sc.parallel_access}
    %add3A_431 = arith.constant 6144 : i32
    %add3A_432 = arith.addi %add3A_431, %mul3A_2 : i32
    %add3A_433 = arith.constant 32 : i32
    %add3A_434 = arith.addi %add3A_432, %add3A_433 : i32
    %dma_start3A_435 = arith.constant 0 : i32
    %dma_start3A_436 = tpu.memref_slice %arg5[%add3A_434, %dma_start3A_435] : memref<8192x1024xf32, #tpu.memory_space<hbm>> -> memref<16x1024xf32, #tpu.memory_space<hbm>>
    %dma_start3A_437 = arith.constant 0 : i32
    %dma_start3A_438 = tpu.memref_slice %arg5[%add3A_434, %dma_start3A_437] : memref<8192x1024xf32, #tpu.memory_space<hbm>> -> memref<16x1024xf32, #tpu.memory_space<hbm>>
    tpu.enqueue_dma source(%arg8 : memref<16x1024xf32, #tpu.memory_space<vmem>>) target(%dma_start3A_438 : memref<16x1024xf32, #tpu.memory_space<hbm>>) target_semaphore(%arg20 : memref<!tpu.dma_semaphore, #tpu.memory_space<semaphore_mem>>)
    %add3A_439 = arith.constant 48 : i32
    %add3A_440 = arith.addi %mul3A_2, %add3A_439 : i32
    %dma_start3A_441 = arith.constant 0 : i32
    %dma_start3A_442 = tpu.memref_slice %arg3[%add3A_440, %dma_start3A_441] : memref<2048x1024xf32, #tpu.memory_space<hbm>> -> memref<16x1024xf32, #tpu.memory_space<hbm>>
    %dma_start3A_443 = arith.constant 0 : i32
    %dma_start3A_444 = tpu.memref_slice %arg3[%add3A_440, %dma_start3A_443] : memref<2048x1024xf32, #tpu.memory_space<hbm>> -> memref<16x1024xf32, #tpu.memory_space<hbm>>
    tpu.enqueue_dma source(%dma_start3A_444 : memref<16x1024xf32, #tpu.memory_space<hbm>>) target(%arg13 : memref<16x1024xf32, #tpu.memory_space<vmem>>) target_semaphore(%arg24 : memref<!tpu.dma_semaphore, #tpu.memory_space<semaphore_mem>>)
    %add3A_445 = arith.constant 4096 : i32
    %add3A_446 = arith.addi %add3A_445, %mul3A_2 : i32
    %add3A_447 = arith.constant 32 : i32
    %add3A_448 = arith.addi %add3A_446, %add3A_447 : i32
    %dma_wait3A_449 = arith.constant 0 : i32
    %dma_wait3A_450 = tpu.memref_slice %arg5[%add3A_448, %dma_wait3A_449] : memref<8192x1024xf32, #tpu.memory_space<hbm>> -> memref<16x1024xf32, #tpu.memory_space<hbm>>
    %dma_wait3A_451 = arith.constant 0 : i32
    %dma_wait3A_452 = tpu.memref_slice %arg5[%add3A_448, %dma_wait3A_451] : memref<8192x1024xf32, #tpu.memory_space<hbm>> -> memref<16x1024xf32, #tpu.memory_space<hbm>>
    tpu.wait_dma2 semaphore(%arg19 : memref<!tpu.dma_semaphore, #tpu.memory_space<semaphore_mem>>) src(%arg7 : memref<16x1024xf32, #tpu.memory_space<vmem>>) dst(%dma_wait3A_452 : memref<16x1024xf32, #tpu.memory_space<hbm>>)
    %dma_start3A_453 = arith.constant 240 : i32
    %dma_start3A_454 = tpu.memref_slice %arg6[%dma_start3A_453] : memref<256xi32, #tpu.memory_space<vmem>> -> memref<16xi32, #tpu.memory_space<vmem>>
    %dma_start3A_455 = arith.constant 0 : i32
    %dma_start3A_456 = arith.constant 0 : i32
    %dma_start3A_457 = tpu.memref_slice %arg4[%dma_start3A_455, %dma_start3A_456] : memref<100000x1024xf32, #tpu.memory_space<hbm>> -> memref<100000x1024xf32, #tpu.memory_space<hbm>>
    tpu.enqueue_indirect_dma source(%dma_start3A_457 : memref<100000x1024xf32, #tpu.memory_space<hbm>>) target(%arg7 : memref<16x1024xf32, #tpu.memory_space<vmem>>) offsets(%dma_start3A_454 : memref<16xi32, #tpu.memory_space<vmem>>) semaphore(%arg14 : memref<!tpu.dma_semaphore, #tpu.memory_space<semaphore_mem>>)
    %add3A_458 = arith.constant 48 : i32
    %add3A_459 = arith.addi %mul3A_2, %add3A_458 : i32
    %dma_wait3A_460 = arith.constant 0 : i32
    %dma_wait3A_461 = tpu.memref_slice %arg3[%add3A_459, %dma_wait3A_460] : memref<2048x1024xf32, #tpu.memory_space<hbm>> -> memref<16x1024xf32, #tpu.memory_space<hbm>>
    %dma_wait3A_462 = arith.constant 0 : i32
    %dma_wait3A_463 = tpu.memref_slice %arg3[%add3A_459, %dma_wait3A_462] : memref<2048x1024xf32, #tpu.memory_space<hbm>> -> memref<16x1024xf32, #tpu.memory_space<hbm>>
    tpu.wait_dma2 semaphore(%arg24 : memref<!tpu.dma_semaphore, #tpu.memory_space<semaphore_mem>>) src(%dma_wait3A_463 : memref<16x1024xf32, #tpu.memory_space<hbm>>) dst(%arg13 : memref<16x1024xf32, #tpu.memory_space<vmem>>)
    %dma_wait3A_464 = arith.constant 48 : i32
    %dma_wait3A_465 = tpu.memref_slice %arg6[%dma_wait3A_464] : memref<256xi32, #tpu.memory_space<vmem>> -> memref<16xi32, #tpu.memory_space<vmem>>
    %dma_wait3A_466 = arith.constant 0 : i32
    %dma_wait3A_467 = arith.constant 0 : i32
    %dma_wait3A_468 = tpu.memref_slice %arg4[%dma_wait3A_466, %dma_wait3A_467] : memref<100000x1024xf32, #tpu.memory_space<hbm>> -> memref<100000x1024xf32, #tpu.memory_space<hbm>>
    tpu.wait_indirect_dma semaphore(%arg16 : memref<!tpu.dma_semaphore, #tpu.memory_space<semaphore_mem>>) src(%dma_wait3A_468 : memref<100000x1024xf32, #tpu.memory_space<hbm>>) dst(%arg9 : memref<16x1024xf32, #tpu.memory_space<vmem>>)
    %parallel_loop3A_469 = arith.constant 0 : i32
    %parallel_loop3A_470 = arith.constant 1024 : i32
    %parallel_loop3A_471 = arith.constant 1 : i32
    scf.for %parallel_loop3A_568 = %parallel_loop3A_469 to %parallel_loop3A_470 step %parallel_loop3A_471  : i32 {
      %parallel_loop3A_569 = arith.constant 6 : i32
      %parallel_loop3A_570 = arith.shrsi %parallel_loop3A_568, %parallel_loop3A_569 : i32
      %parallel_loop3A_571 = arith.constant 63 : i32
      %parallel_loop3A_572 = arith.andi %parallel_loop3A_568, %parallel_loop3A_571 : i32
      %parallel_loop3A_573 = arith.constant 16 : i32
      %parallel_loop3A_574 = arith.muli %parallel_loop3A_572, %parallel_loop3A_573 : i32
      %parallel_loop3A_575 = arith.index_cast %parallel_loop3A_570 : i32 to index
      %parallel_loop3A_576 = arith.index_cast %parallel_loop3A_574 : i32 to index
      %parallel_loop3A_577 = tpu.vector_load %arg13[%parallel_loop3A_575, %parallel_loop3A_576] {strides = array<i32>} : memref<16x1024xf32, #tpu.memory_space<vmem>>, vector<1x16xf32>,
      %parallel_loop3A_578 = vector.shape_cast %parallel_loop3A_577 : vector<1x16xf32> to vector<16xf32>
      %parallel_loop3A_579 = arith.index_cast %parallel_loop3A_570 : i32 to index
      %parallel_loop3A_580 = arith.index_cast %parallel_loop3A_574 : i32 to index
      %parallel_loop3A_581 = tpu.vector_load %arg9[%parallel_loop3A_579, %parallel_loop3A_580] {strides = array<i32>} : memref<16x1024xf32, #tpu.memory_space<vmem>>, vector<1x16xf32>,
      %parallel_loop3A_582 = vector.shape_cast %parallel_loop3A_581 : vector<1x16xf32> to vector<16xf32>
      %parallel_loop3A_583 = vector.shape_cast %parallel_loop3A_578 : vector<16xf32> to vector<1x16xf32>
      tpu.vector_store %arg9[%parallel_loop3A_579, %parallel_loop3A_580], %parallel_loop3A_583 {add = true, strides = array<i32>} : memref<16x1024xf32, #tpu.memory_space<vmem>>, vector<1x16xf32>,
    } {sc.loop_unroll_factor = 8 : i64, sc.parallel_access}
    %add3A_472 = arith.constant 0 : i32
    %add3A_473 = arith.addi %add3A_472, %mul3A_2 : i32
    %add3A_474 = arith.constant 48 : i32
    %add3A_475 = arith.addi %add3A_473, %add3A_474 : i32
    %dma_start3A_476 = arith.constant 0 : i32
    %dma_start3A_477 = tpu.memref_slice %arg5[%add3A_475, %dma_start3A_476] : memref<8192x1024xf32, #tpu.memory_space<hbm>> -> memref<16x1024xf32, #tpu.memory_space<hbm>>
    %dma_start3A_478 = arith.constant 0 : i32
    %dma_start3A_479 = tpu.memref_slice %arg5[%add3A_475, %dma_start3A_478] : memref<8192x1024xf32, #tpu.memory_space<hbm>> -> memref<16x1024xf32, #tpu.memory_space<hbm>>
    tpu.enqueue_dma source(%arg9 : memref<16x1024xf32, #tpu.memory_space<vmem>>) target(%dma_start3A_479 : memref<16x1024xf32, #tpu.memory_space<hbm>>) target_semaphore(%arg21 : memref<!tpu.dma_semaphore, #tpu.memory_space<semaphore_mem>>)
    %dma_wait3A_480 = arith.constant 112 : i32
    %dma_wait3A_481 = tpu.memref_slice %arg6[%dma_wait3A_480] : memref<256xi32, #tpu.memory_space<vmem>> -> memref<16xi32, #tpu.memory_space<vmem>>
    %dma_wait3A_482 = arith.constant 0 : i32
    %dma_wait3A_483 = arith.constant 0 : i32
    %dma_wait3A_484 = tpu.memref_slice %arg4[%dma_wait3A_482, %dma_wait3A_483] : memref<100000x1024xf32, #tpu.memory_space<hbm>> -> memref<100000x1024xf32, #tpu.memory_space<hbm>>
    tpu.wait_indirect_dma semaphore(%arg17 : memref<!tpu.dma_semaphore, #tpu.memory_space<semaphore_mem>>) src(%dma_wait3A_484 : memref<100000x1024xf32, #tpu.memory_space<hbm>>) dst(%arg10 : memref<16x1024xf32, #tpu.memory_space<vmem>>)
    %parallel_loop3A_485 = arith.constant 0 : i32
    %parallel_loop3A_486 = arith.constant 1024 : i32
    %parallel_loop3A_487 = arith.constant 1 : i32
    scf.for %parallel_loop3A_568 = %parallel_loop3A_485 to %parallel_loop3A_486 step %parallel_loop3A_487  : i32 {
      %parallel_loop3A_569 = arith.constant 6 : i32
      %parallel_loop3A_570 = arith.shrsi %parallel_loop3A_568, %parallel_loop3A_569 : i32
      %parallel_loop3A_571 = arith.constant 63 : i32
      %parallel_loop3A_572 = arith.andi %parallel_loop3A_568, %parallel_loop3A_571 : i32
      %parallel_loop3A_573 = arith.constant 16 : i32
      %parallel_loop3A_574 = arith.muli %parallel_loop3A_572, %parallel_loop3A_573 : i32
      %parallel_loop3A_575 = arith.index_cast %parallel_loop3A_570 : i32 to index
      %parallel_loop3A_576 = arith.index_cast %parallel_loop3A_574 : i32 to index
      %parallel_loop3A_577 = tpu.vector_load %arg13[%parallel_loop3A_575, %parallel_loop3A_576] {strides = array<i32>} : memref<16x1024xf32, #tpu.memory_space<vmem>>, vector<1x16xf32>,
      %parallel_loop3A_578 = vector.shape_cast %parallel_loop3A_577 : vector<1x16xf32> to vector<16xf32>
      %parallel_loop3A_579 = arith.index_cast %parallel_loop3A_570 : i32 to index
      %parallel_loop3A_580 = arith.index_cast %parallel_loop3A_574 : i32 to index
      %parallel_loop3A_581 = tpu.vector_load %arg10[%parallel_loop3A_579, %parallel_loop3A_580] {strides = array<i32>} : memref<16x1024xf32, #tpu.memory_space<vmem>>, vector<1x16xf32>,
      %parallel_loop3A_582 = vector.shape_cast %parallel_loop3A_581 : vector<1x16xf32> to vector<16xf32>
      %parallel_loop3A_583 = vector.shape_cast %parallel_loop3A_578 : vector<16xf32> to vector<1x16xf32>
      tpu.vector_store %arg10[%parallel_loop3A_579, %parallel_loop3A_580], %parallel_loop3A_583 {add = true, strides = array<i32>} : memref<16x1024xf32, #tpu.memory_space<vmem>>, vector<1x16xf32>,
    } {sc.loop_unroll_factor = 8 : i64, sc.parallel_access}
    %add3A_488 = arith.constant 2048 : i32
    %add3A_489 = arith.addi %add3A_488, %mul3A_2 : i32
    %add3A_490 = arith.constant 48 : i32
    %add3A_491 = arith.addi %add3A_489, %add3A_490 : i32
    %dma_start3A_492 = arith.constant 0 : i32
    %dma_start3A_493 = tpu.memref_slice %arg5[%add3A_491, %dma_start3A_492] : memref<8192x1024xf32, #tpu.memory_space<hbm>> -> memref<16x1024xf32, #tpu.memory_space<hbm>>
    %dma_start3A_494 = arith.constant 0 : i32
    %dma_start3A_495 = tpu.memref_slice %arg5[%add3A_491, %dma_start3A_494] : memref<8192x1024xf32, #tpu.memory_space<hbm>> -> memref<16x1024xf32, #tpu.memory_space<hbm>>
    tpu.enqueue_dma source(%arg10 : memref<16x1024xf32, #tpu.memory_space<vmem>>) target(%dma_start3A_495 : memref<16x1024xf32, #tpu.memory_space<hbm>>) target_semaphore(%arg22 : memref<!tpu.dma_semaphore, #tpu.memory_space<semaphore_mem>>)
    %dma_wait3A_496 = arith.constant 176 : i32
    %dma_wait3A_497 = tpu.memref_slice %arg6[%dma_wait3A_496] : memref<256xi32, #tpu.memory_space<vmem>> -> memref<16xi32, #tpu.memory_space<vmem>>
    %dma_wait3A_498 = arith.constant 0 : i32
    %dma_wait3A_499 = arith.constant 0 : i32
    %dma_wait3A_500 = tpu.memref_slice %arg4[%dma_wait3A_498, %dma_wait3A_499] : memref<100000x1024xf32, #tpu.memory_space<hbm>> -> memref<100000x1024xf32, #tpu.memory_space<hbm>>
    tpu.wait_indirect_dma semaphore(%arg18 : memref<!tpu.dma_semaphore, #tpu.memory_space<semaphore_mem>>) src(%dma_wait3A_500 : memref<100000x1024xf32, #tpu.memory_space<hbm>>) dst(%arg11 : memref<16x1024xf32, #tpu.memory_space<vmem>>)
    %parallel_loop3A_501 = arith.constant 0 : i32
    %parallel_loop3A_502 = arith.constant 1024 : i32
    %parallel_loop3A_503 = arith.constant 1 : i32
    scf.for %parallel_loop3A_568 = %parallel_loop3A_501 to %parallel_loop3A_502 step %parallel_loop3A_503  : i32 {
      %parallel_loop3A_569 = arith.constant 6 : i32
      %parallel_loop3A_570 = arith.shrsi %parallel_loop3A_568, %parallel_loop3A_569 : i32
      %parallel_loop3A_571 = arith.constant 63 : i32
      %parallel_loop3A_572 = arith.andi %parallel_loop3A_568, %parallel_loop3A_571 : i32
      %parallel_loop3A_573 = arith.constant 16 : i32
      %parallel_loop3A_574 = arith.muli %parallel_loop3A_572, %parallel_loop3A_573 : i32
      %parallel_loop3A_575 = arith.index_cast %parallel_loop3A_570 : i32 to index
      %parallel_loop3A_576 = arith.index_cast %parallel_loop3A_574 : i32 to index
      %parallel_loop3A_577 = tpu.vector_load %arg13[%parallel_loop3A_575, %parallel_loop3A_576] {strides = array<i32>} : memref<16x1024xf32, #tpu.memory_space<vmem>>, vector<1x16xf32>,
      %parallel_loop3A_578 = vector.shape_cast %parallel_loop3A_577 : vector<1x16xf32> to vector<16xf32>
      %parallel_loop3A_579 = arith.index_cast %parallel_loop3A_570 : i32 to index
      %parallel_loop3A_580 = arith.index_cast %parallel_loop3A_574 : i32 to index
      %parallel_loop3A_581 = tpu.vector_load %arg11[%parallel_loop3A_579, %parallel_loop3A_580] {strides = array<i32>} : memref<16x1024xf32, #tpu.memory_space<vmem>>, vector<1x16xf32>,
      %parallel_loop3A_582 = vector.shape_cast %parallel_loop3A_581 : vector<1x16xf32> to vector<16xf32>
      %parallel_loop3A_583 = vector.shape_cast %parallel_loop3A_578 : vector<16xf32> to vector<1x16xf32>
      tpu.vector_store %arg11[%parallel_loop3A_579, %parallel_loop3A_580], %parallel_loop3A_583 {add = true, strides = array<i32>} : memref<16x1024xf32, #tpu.memory_space<vmem>>, vector<1x16xf32>,
    } {sc.loop_unroll_factor = 8 : i64, sc.parallel_access}
    %add3A_504 = arith.constant 4096 : i32
    %add3A_505 = arith.addi %add3A_504, %mul3A_2 : i32
    %add3A_506 = arith.constant 48 : i32
    %add3A_507 = arith.addi %add3A_505, %add3A_506 : i32
    %dma_start3A_508 = arith.constant 0 : i32
    %dma_start3A_509 = tpu.memref_slice %arg5[%add3A_507, %dma_start3A_508] : memref<8192x1024xf32, #tpu.memory_space<hbm>> -> memref<16x1024xf32, #tpu.memory_space<hbm>>
    %dma_start3A_510 = arith.constant 0 : i32
    %dma_start3A_511 = tpu.memref_slice %arg5[%add3A_507, %dma_start3A_510] : memref<8192x1024xf32, #tpu.memory_space<hbm>> -> memref<16x1024xf32, #tpu.memory_space<hbm>>
    tpu.enqueue_dma source(%arg11 : memref<16x1024xf32, #tpu.memory_space<vmem>>) target(%dma_start3A_511 : memref<16x1024xf32, #tpu.memory_space<hbm>>) target_semaphore(%arg23 : memref<!tpu.dma_semaphore, #tpu.memory_space<semaphore_mem>>)
    %dma_wait3A_512 = arith.constant 240 : i32
    %dma_wait3A_513 = tpu.memref_slice %arg6[%dma_wait3A_512] : memref<256xi32, #tpu.memory_space<vmem>> -> memref<16xi32, #tpu.memory_space<vmem>>
    %dma_wait3A_514 = arith.constant 0 : i32
    %dma_wait3A_515 = arith.constant 0 : i32
    %dma_wait3A_516 = tpu.memref_slice %arg4[%dma_wait3A_514, %dma_wait3A_515] : memref<100000x1024xf32, #tpu.memory_space<hbm>> -> memref<100000x1024xf32, #tpu.memory_space<hbm>>
    tpu.wait_indirect_dma semaphore(%arg14 : memref<!tpu.dma_semaphore, #tpu.memory_space<semaphore_mem>>) src(%dma_wait3A_516 : memref<100000x1024xf32, #tpu.memory_space<hbm>>) dst(%arg7 : memref<16x1024xf32, #tpu.memory_space<vmem>>)
    %parallel_loop3A_517 = arith.constant 0 : i32
    %parallel_loop3A_518 = arith.constant 1024 : i32
    %parallel_loop3A_519 = arith.constant 1 : i32
    scf.for %parallel_loop3A_568 = %parallel_loop3A_517 to %parallel_loop3A_518 step %parallel_loop3A_519  : i32 {
      %parallel_loop3A_569 = arith.constant 6 : i32
      %parallel_loop3A_570 = arith.shrsi %parallel_loop3A_568, %parallel_loop3A_569 : i32
      %parallel_loop3A_571 = arith.constant 63 : i32
      %parallel_loop3A_572 = arith.andi %parallel_loop3A_568, %parallel_loop3A_571 : i32
      %parallel_loop3A_573 = arith.constant 16 : i32
      %parallel_loop3A_574 = arith.muli %parallel_loop3A_572, %parallel_loop3A_573 : i32
      %parallel_loop3A_575 = arith.index_cast %parallel_loop3A_570 : i32 to index
      %parallel_loop3A_576 = arith.index_cast %parallel_loop3A_574 : i32 to index
      %parallel_loop3A_577 = tpu.vector_load %arg13[%parallel_loop3A_575, %parallel_loop3A_576] {strides = array<i32>} : memref<16x1024xf32, #tpu.memory_space<vmem>>, vector<1x16xf32>,
      %parallel_loop3A_578 = vector.shape_cast %parallel_loop3A_577 : vector<1x16xf32> to vector<16xf32>
      %parallel_loop3A_579 = arith.index_cast %parallel_loop3A_570 : i32 to index
      %parallel_loop3A_580 = arith.index_cast %parallel_loop3A_574 : i32 to index
      %parallel_loop3A_581 = tpu.vector_load %arg7[%parallel_loop3A_579, %parallel_loop3A_580] {strides = array<i32>} : memref<16x1024xf32, #tpu.memory_space<vmem>>, vector<1x16xf32>,
      %parallel_loop3A_582 = vector.shape_cast %parallel_loop3A_581 : vector<1x16xf32> to vector<16xf32>
      %parallel_loop3A_583 = vector.shape_cast %parallel_loop3A_578 : vector<16xf32> to vector<1x16xf32>
      tpu.vector_store %arg7[%parallel_loop3A_579, %parallel_loop3A_580], %parallel_loop3A_583 {add = true, strides = array<i32>} : memref<16x1024xf32, #tpu.memory_space<vmem>>, vector<1x16xf32>,
    } {sc.loop_unroll_factor = 8 : i64, sc.parallel_access}
    %add3A_520 = arith.constant 6144 : i32
    %add3A_521 = arith.addi %add3A_520, %mul3A_2 : i32
    %add3A_522 = arith.constant 48 : i32
    %add3A_523 = arith.addi %add3A_521, %add3A_522 : i32
    %dma_start3A_524 = arith.constant 0 : i32
    %dma_start3A_525 = tpu.memref_slice %arg5[%add3A_523, %dma_start3A_524] : memref<8192x1024xf32, #tpu.memory_space<hbm>> -> memref<16x1024xf32, #tpu.memory_space<hbm>>
    %dma_start3A_526 = arith.constant 0 : i32
    %dma_start3A_527 = tpu.memref_slice %arg5[%add3A_523, %dma_start3A_526] : memref<8192x1024xf32, #tpu.memory_space<hbm>> -> memref<16x1024xf32, #tpu.memory_space<hbm>>
    tpu.enqueue_dma source(%arg7 : memref<16x1024xf32, #tpu.memory_space<vmem>>) target(%dma_start3A_527 : memref<16x1024xf32, #tpu.memory_space<hbm>>) target_semaphore(%arg19 : memref<!tpu.dma_semaphore, #tpu.memory_space<semaphore_mem>>)
    %add3A_528 = arith.constant 6144 : i32
    %add3A_529 = arith.addi %add3A_528, %mul3A_2 : i32
    %add3A_530 = arith.constant 32 : i32
    %add3A_531 = arith.addi %add3A_529, %add3A_530 : i32
    %dma_wait3A_532 = arith.constant 0 : i32
    %dma_wait3A_533 = tpu.memref_slice %arg5[%add3A_531, %dma_wait3A_532] : memref<8192x1024xf32, #tpu.memory_space<hbm>> -> memref<16x1024xf32, #tpu.memory_space<hbm>>
    %dma_wait3A_534 = arith.constant 0 : i32
    %dma_wait3A_535 = tpu.memref_slice %arg5[%add3A_531, %dma_wait3A_534] : memref<8192x1024xf32, #tpu.memory_space<hbm>> -> memref<16x1024xf32, #tpu.memory_space<hbm>>
    tpu.wait_dma2 semaphore(%arg20 : memref<!tpu.dma_semaphore, #tpu.memory_space<semaphore_mem>>) src(%arg8 : memref<16x1024xf32, #tpu.memory_space<vmem>>) dst(%dma_wait3A_535 : memref<16x1024xf32, #tpu.memory_space<hbm>>)
    %add3A_536 = arith.constant 0 : i32
    %add3A_537 = arith.addi %add3A_536, %mul3A_2 : i32
    %add3A_538 = arith.constant 48 : i32
    %add3A_539 = arith.addi %add3A_537, %add3A_538 : i32
    %dma_wait3A_540 = arith.constant 0 : i32
    %dma_wait3A_541 = tpu.memref_slice %arg5[%add3A_539, %dma_wait3A_540] : memref<8192x1024xf32, #tpu.memory_space<hbm>> -> memref<16x1024xf32, #tpu.memory_space<hbm>>
    %dma_wait3A_542 = arith.constant 0 : i32
    %dma_wait3A_543 = tpu.memref_slice %arg5[%add3A_539, %dma_wait3A_542] : memref<8192x1024xf32, #tpu.memory_space<hbm>> -> memref<16x1024xf32, #tpu.memory_space<hbm>>
    tpu.wait_dma2 semaphore(%arg21 : memref<!tpu.dma_semaphore, #tpu.memory_space<semaphore_mem>>) src(%arg9 : memref<16x1024xf32, #tpu.memory_space<vmem>>) dst(%dma_wait3A_543 : memref<16x1024xf32, #tpu.memory_space<hbm>>)
    %add3A_544 = arith.constant 2048 : i32
    %add3A_545 = arith.addi %add3A_544, %mul3A_2 : i32
    %add3A_546 = arith.constant 48 : i32
    %add3A_547 = arith.addi %add3A_545, %add3A_546 : i32
    %dma_wait3A_548 = arith.constant 0 : i32
    %dma_wait3A_549 = tpu.memref_slice %arg5[%add3A_547, %dma_wait3A_548] : memref<8192x1024xf32, #tpu.memory_space<hbm>> -> memref<16x1024xf32, #tpu.memory_space<hbm>>
    %dma_wait3A_550 = arith.constant 0 : i32
    %dma_wait3A_551 = tpu.memref_slice %arg5[%add3A_547, %dma_wait3A_550] : memref<8192x1024xf32, #tpu.memory_space<hbm>> -> memref<16x1024xf32, #tpu.memory_space<hbm>>
    tpu.wait_dma2 semaphore(%arg22 : memref<!tpu.dma_semaphore, #tpu.memory_space<semaphore_mem>>) src(%arg10 : memref<16x1024xf32, #tpu.memory_space<vmem>>) dst(%dma_wait3A_551 : memref<16x1024xf32, #tpu.memory_space<hbm>>)
    %add3A_552 = arith.constant 4096 : i32
    %add3A_553 = arith.addi %add3A_552, %mul3A_2 : i32
    %add3A_554 = arith.constant 48 : i32
    %add3A_555 = arith.addi %add3A_553, %add3A_554 : i32
    %dma_wait3A_556 = arith.constant 0 : i32
    %dma_wait3A_557 = tpu.memref_slice %arg5[%add3A_555, %dma_wait3A_556] : memref<8192x1024xf32, #tpu.memory_space<hbm>> -> memref<16x1024xf32, #tpu.memory_space<hbm>>
    %dma_wait3A_558 = arith.constant 0 : i32
    %dma_wait3A_559 = tpu.memref_slice %arg5[%add3A_555, %dma_wait3A_558] : memref<8192x1024xf32, #tpu.memory_space<hbm>> -> memref<16x1024xf32, #tpu.memory_space<hbm>>
    tpu.wait_dma2 semaphore(%arg23 : memref<!tpu.dma_semaphore, #tpu.memory_space<semaphore_mem>>) src(%arg11 : memref<16x1024xf32, #tpu.memory_space<vmem>>) dst(%dma_wait3A_559 : memref<16x1024xf32, #tpu.memory_space<hbm>>)
    %add3A_560 = arith.constant 6144 : i32
    %add3A_561 = arith.addi %add3A_560, %mul3A_2 : i32
    %add3A_562 = arith.constant 48 : i32
    %add3A_563 = arith.addi %add3A_561, %add3A_562 : i32
    %dma_wait3A_564 = arith.constant 0 : i32
    %dma_wait3A_565 = tpu.memref_slice %arg5[%add3A_563, %dma_wait3A_564] : memref<8192x1024xf32, #tpu.memory_space<hbm>> -> memref<16x1024xf32, #tpu.memory_space<hbm>>
    %dma_wait3A_566 = arith.constant 0 : i32
    %dma_wait3A_567 = tpu.memref_slice %arg5[%add3A_563, %dma_wait3A_566] : memref<8192x1024xf32, #tpu.memory_space<hbm>> -> memref<16x1024xf32, #tpu.memory_space<hbm>>
    tpu.wait_dma2 semaphore(%arg19 : memref<!tpu.dma_semaphore, #tpu.memory_space<semaphore_mem>>) src(%arg7 : memref<16x1024xf32, #tpu.memory_space<vmem>>) dst(%dma_wait3A_567 : memref<16x1024xf32, #tpu.memory_space<hbm>>)
    return
  }
}

</mosaic_0001>

<sc_bundles>
// kernel: kernel.3.cloned.1.call-start
scs
__scs_entry_jumppad:
0x0: {  	(pc) =	sbr.rel $0x88, $3  }
0x1: {  	(tag) =	ssettag $0x0;
	lr =	simm.s32 $0x1  }
0x2: {  	[smem:$0x3F9E] =	sst lr;
	_ =	strace $0xD0000000  }
0x3: {  	_ = 	snop  }
0x4: {  	_ = 	snop  }
0x5: {  	_ = 	snop  }
0x6: {  	_ = 	snop  }
0x7: {  	_ = 	snop  }
__scs_overlays_trampoline_lowered:
0x8: {  	[smem:$0x3FAD] =	sst s0  }
0x9: {  	[smem:$0x3FAE] =	sst s1  }
0xa: {  	[smem:$0x3FAF] =	sst s2  }
0xb: {  	[smem:$0x3FB0] =	sst s3  }
0xc: {  	[smem:$0x3FB1] =	sst s4  }
0xd: {  	[smem:$0x3FB2] =	sst s5  }
0xe: {  	[smem:$0x3FB3] =	sst s6  }
0xf: {  	[smem:$0x3FB4] =	sst s7  }
0x10: {  	[smem:$0x3FB5] =	sst s8  }
0x11: {  	[smem:$0x3FB6] =	sst s9;
	s0 =	simm.s32 @!p0 $0x0  }
0x12: {  	s1 =	sld [smem:$0x3F9C];
	s0 =	simm.s32 @p0 $0x1  }
0x13: {  	[smem:$0x3FB7] =	sst s0;
	s0 =	simm.s32 @!p1 $0x0  }
0x14: {  	s2 =	sld [smem:$0x3F9B];
	s0 =	simm.s32 @p1 $0x1  }
0x15: {  	[smem:$0x3FB8] =	sst s0;
	s0 =	simm.s32 @!p2 $0x0  }
0x16: {  	s3 =	sld [smem:$0x3FDB];
	s0 =	simm.s32 @p2 $0x1  }
0x17: {  	s4 =	simm.s32 $0x1BF5;
	[smem:$0x3FBA] =	sst s0  }
0x18: {  	s0 =	sld [smem:$0x3F9D];
	_ =	swait.ge [sflag:s4], $0x0  }
0x19: {  	s7 =	sld [smem:$0x3F9E]  }
0x1a: {  	s8 =	sadd.s32 $0xFFFFE003, lr  }
0x1b: {  	s9 =	sadd.s32 $0xFFFFFEF7, lr;
	s5 =	simm.s32 $0xFFFFFFFF;
	p2 =	slt.u32 s8, $0xFFFFF086  }
0x1c: {  	p1 =	slt.u32 s9, $0xF7A;
	s5 =	simm.s32 @!p2 $0x0  }
0x1d: {  	s5 =	simm.s32 @p1 $0x1;
	p0 =	seq.s32 s7, s2  }
0x1e: {  	s7 =	smul.u32 @!p0 $0xF7A, s2;
	p2 =	seq.s32 @!p0 s5, $0x0  }
0x1f: {  	s9 =	smul.u32 $0xF7A, s1;
	s8 =	simm.s32 @!p0 $0x1BF5;
	p2 =	por !p2, p0  }
0x20: {  	[sflag:s8] =	ssyncset.s32 @!p0 $0xFFFFF086;
	s6 =	sadd.s32 @!p0 s3, s7;
	s7 =	simm.s32 @!p0 $0x108  }
0x21: {  	s3 =	sadd.s32 s3, s9;
	s6 =	sadd.s32 @!p0 $0x88, s6;
	s7 =	simm.s32 @p2 $0x1082  }
0x22: {  	[simem:s7], [sflag:s8] =	dma.local @!p0 [hbm:s6], $0xF7A  }
0x23: {  	s9 =	sor.u32 $0xD0000000, s2;
	s6 =	simm.s32 $0x108;
	_ =	swait.ge @!p0 [sflag:s8], $0x0  }
0x24: {  	s3 =	sadd.s32 $0x88, s3;
	s6 =	simm.s32 @!p1 $0x1082;
	[sflag:s4] =	ssyncset.s32 $0xFFFFF086  }
0x25: {  	[simem:s6], [sflag:s4] =	dma.local [hbm:s3], $0xF7A  }
0x26: {  	[smem:$0x3F9E] =	sst s1;
	(tag) =	ssettag s2;
	_ =	strace s9  }
0x27: {  	s1 =	sld [smem:$0x3FAE]  }
0x28: {  	s2 =	sld [smem:$0x3FAF]  }
0x29: {  	s4 =	sld [smem:$0x3FB1]  }
0x2a: {  	p0 =	seq.s32 s5, $0x0;
	s5 =	sld [smem:$0x3FB2]  }
0x2b: {  	s6 =	sld [smem:$0x3FB3]  }
0x2c: {  	s7 =	sld [smem:$0x3FB4]  }
0x2d: {  	s3 =	simm.s32 $0x108;
	s8 =	sld [smem:$0x3FB5]  }
0x2e: {  	s3 =	simm.s32 @!p0 $0x1082;
	s9 =	sld [smem:$0x3FB6]  }
0x2f: {  	lr =	sadd.s32 s0, s3;
	s0 =	sld [smem:$0x3FAD]  }
0x30: {  	s3 =	sld [smem:$0x3FB0]  }
0x31: {  	[smem:$0x3FB9] =	sst s10  }
0x32: {  	s10 =	sld [smem:$0x3FB7];
	_ =	sdelay $0x3  }
0x33: {  	p0 =	seq.s32 s10, $0x1;
	s10 =	sld [smem:$0x3FB9];
	_ =	sdelay $0x3  }
0x34: {  	[smem:$0x3FB9] =	sst s10  }
0x35: {  	s10 =	sld [smem:$0x3FB8];
	_ =	sdelay $0x3  }
0x36: {  	p1 =	seq.s32 s10, $0x1;
	s10 =	sld [smem:$0x3FB9];
	_ =	sdelay $0x3  }
0x37: {  	[smem:$0x3FB9] =	sst s10  }
0x38: {  	s10 =	sld [smem:$0x3FBA]  }
0x39: {  	_ = 	snop;
	(pc) =	sbr.ind lr, $3  }
0x3a: {  	_ = 	snop  }
0x3b: {  	_ = 	snop  }
0x3c: {  	p2 =	seq.s32 s10, $0x1;
	s10 =	sld [smem:$0x3FB9]  }
0x3d: {  	_ =	shalt  }
0x3e: {  	_ =	shalt  }
0x3f: {  	_ =	shalt  }
0x40: {  	_ =	shalt  }
0x41: {  	_ =	shalt  }
0x42: {  	_ =	shalt  }
0x43: {  	_ =	shalt  }
0x44: {  	_ =	shalt  }
0x45: {  	_ =	shalt  }
0x46: {  	_ =	shalt  }
0x47: {  	_ =	shalt  }
0x48: {  	_ =	shalt  }
0x49: {  	_ =	shalt  }
0x4a: {  	_ =	shalt  }
0x4b: {  	_ =	shalt  }
0x4c: {  	_ =	shalt  }
0x4d: {  	_ =	shalt  }
0x4e: {  	_ =	shalt  }
0x4f: {  	_ =	shalt  }
0x50: {  	_ =	shalt  }
0x51: {  	_ =	shalt  }
0x52: {  	_ =	shalt  }
0x53: {  	_ =	shalt  }
0x54: {  	_ =	shalt  }
0x55: {  	_ =	shalt  }
0x56: {  	_ =	shalt  }
0x57: {  	_ =	shalt  }
0x58: {  	_ =	shalt  }
0x59: {  	_ =	shalt  }
0x5a: {  	_ =	shalt  }
0x5b: {  	_ =	shalt  }
0x5c: {  	_ =	shalt  }
0x5d: {  	_ =	shalt  }
0x5e: {  	_ =	shalt  }
0x5f: {  	_ =	shalt  }
0x60: {  	_ =	shalt  }
0x61: {  	_ =	shalt  }
0x62: {  	_ =	shalt  }
0x63: {  	_ =	shalt  }
0x64: {  	_ =	shalt  }
0x65: {  	_ =	shalt  }
0x66: {  	_ =	shalt  }
0x67: {  	_ =	shalt  }
0x68: {  	_ =	shalt  }
0x69: {  	_ =	shalt  }
0x6a: {  	_ =	shalt  }
0x6b: {  	_ =	shalt  }
0x6c: {  	_ =	shalt  }
0x6d: {  	_ =	shalt  }
0x6e: {  	_ =	shalt  }
0x6f: {  	_ =	shalt  }
0x70: {  	_ =	shalt  }
0x71: {  	_ =	shalt  }
0x72: {  	_ =	shalt  }
0x73: {  	_ =	shalt  }
0x74: {  	_ =	shalt  }
0x75: {  	_ =	shalt  }
0x76: {  	_ =	shalt  }
0x77: {  	_ =	shalt  }
0x78: {  	_ =	shalt  }
0x79: {  	_ =	shalt  }
0x7a: {  	_ =	shalt  }
0x7b: {  	_ =	shalt  }
0x7c: {  	_ =	shalt  }
0x7d: {  	_ =	shalt  }
0x7e: {  	_ =	shalt  }
0x7f: {  	_ =	shalt  }
0x80: {  	_ =	shalt  }
0x81: {  	_ =	shalt  }
0x82: {  	_ =	shalt  }
0x83: {  	_ =	shalt  }
0x84: {  	_ =	shalt  }
0x85: {  	_ =	shalt  }
0x86: {  	_ =	shalt  }
0x87: {  	_ =	shalt  }
.Lfunc_end0:
.L_simem_size_0:
called_computation_lowered:
.L_overlay_start_0:
0x88: {  	s2 =	sld [smem:$0x3FD9]  }
0x89: {  	s3 =	sld [smem:$0x3FFE];
	_ =	sdelay $0x1  }
0x8a: {  	s1 =	srdreg.scid  }
0x8b: {  	s0 =	sand.u32 $0x1, s1  }
0x8c: {  	s17 =	sshll.u32 s0, $0xA;
	s2 =	sadd.s32 s3, s2  }
0x8d: {  	s2 =	sadd.s32 s2, s17  }
0x8e: {  	[smem:$0x3FC5] =	sst s2  }
0x8f: {  	_ = 	snop  }
0x90: {  	s2 =	sld [smem:$0x3FC8]  }
0x91: {  	s18 =	sld [smem:$0x3FC7]  }
0x92: {  	s4 =	sld [smem:$0x3FD0];
	(tm) =	ssettm $0x1  }
0x93: {  	s5 =	sld [smem:$0x3FFB];
	_ =	sdelay $0x3  }
0x94: {  	_ =	strace s5  }
0x95: {  	s5 =	sld [smem:$0x3FFC];
	_ =	sdelay $0x3  }
0x96: {  	_ =	strace s5  }
0x97: {  	s5 =	sld [smem:$0x3FFD];
	_ =	sdelay $0x3  }
0x98: {  	_ =	strace s5  }
0x99: {  	_ =	strace $0x8FFFFFFF  }
0x9a: {  	s19 =	sld [smem:$0x3FDB];
	_ =	sdelay $0x1  }
0x9b: {  	s6 =	simm.s32 $_scs_section_size  }
0x9c: {  	s7 =	simm.s32 $_size__tile_overlayer_lowered;
	s8 =	simm.s32 $_tile_overlayer_lowered  }
0x9d: {  	s22 =	simm.s32 $0x1BFF;
	s21 =	sshll.u32 s8, $0x1;
	s5 =	sadd.s32 s6, s19  }
0x9e: {  	s9 =	simm.s32 $0x0;
	s20 =	sshll.u32 s7, $0x1;
	s7 =	sadd.s32 s21, s5  }
0x9f: {  	[timem:s9], [sflag:s22] =	dma.local [hbm:s7], s20  }
0xa0: {  	_ =	swait.ge [sflag:s22], s20  }
0xa1: {  	s6 =	ssub.s32 $0x0, s20;
	[sflag:s22] =	ssyncset.done $0x0  }
0xa2: {  	[sflag:s22] =	ssyncadd.s32 s6;
	_ =	sdelay $0x1  }
0xa3: {  	s23 =	simm.s32 $0x1B8B  }
0xa4: {  	_ =	swait.ge [sflag:s23], $0x1  }
0xa5: {  	[sflag:s23] =	ssyncset.done $0x0  }
0xa6: {  	s25 =	simm.s32 $0x1B8E;
	s24 =	sld [smem:$0x3FFE];
	[sflag:s23] =	ssyncadd.s32 $0xFFFFFFFF  }
0xa7: {  	s26 =	simm.s32 $execute0_lowered;
	[smem:$0x3FD2] =	sst s25  }
0xa8: {  	s7 =	sshll.u32 s26, $0x1;
	_ =	strace $0x80000046;
	[dreg:$0x1] =	wrdreg $0xFFFFFFFF  }
0xa9: {  	s28 =	simm.s32 $_size_execute0_lowered;
	s5 =	sadd.s32 s5, s7;
	[dreg:$0x0] =	wrdreg $0x0  }
0xaa: {  	s7 =	sshll.u32 s28, $0x1;
	[dreg:$0x2] =	wrdreg s5  }
0xab: {  	[dreg:$0x3] =	wrdreg s7  }
0xac: {  	[dreg:$0x4] =	wrdreg $0xC0  }
0xad: {  	_ =	task [dreg:s9], $0x5FFFF  }
0xae: {  	[dreg:$0x1] =	wrdreg $0xFFFFFFFF  }
0xaf: {  	[dreg:$0x0] =	wrdreg $0x60  }
0xb0: {  	[dreg:$0x2] =	wrdreg s24  }
0xb1: {  	[dreg:$0x3] =	wrdreg s18  }
0xb2: {  	[dreg:$0x4] =	wrdreg s2  }
0xb3: {  	[dreg:$0x5] =	wrdreg s4  }
0xb4: {  	[dreg:$0x6] =	wrdreg $0x9  }
0xb5: {  	_ =	task.clear_ibuf [dreg:s9], $0x7FFFF;
	_ =	strace $0x90000046  }
0xb6: {  	s29 =	simm.s32 $0x9;
	_ =	strace $0x80000048  }
0xb7: {  	_ =	swait.ge [sflag:s29], $0x1  }
0xb8: {  	[sflag:s29] =	ssyncadd.s32 $0xFFFFFFFF  }
0xb9: {  	_ =	strace $0x90000048  }
0xba: {  	_ =	sfence  }
0xbb: {  	s30 =	sld [smem:$0x0];
	_ =	sdelay $0x2  }
0xbc: {  	s31 =	sshll.u32 s1, $0xD;
	s1 =	sshrl.u32 s1, $0x2  }
0xbd: {  	s3 =	sand.u32 $0x4000, s31;
	s1 =	sadd.s32 s1, s30  }
0xbe: {  	s0 =	sor.u32 s3, s0;
	s1 =	sshll.u32 s1, $0x11  }
0xbf: {  	s0 =	sor.u32 s1, s0  }
0xc0: {  	s0 =	sadd.s32 $0x8F2B, s0  }
0xc1: {  	[sflag:s0] =	ssyncadd.remote.s32 $0x1  }
0xc2: {  	_ =	sfence.sel $0xFFFF  }
0xc3: {  	[dreg:$0x0] =	wrdreg $0xFFFFFFFF;
	(pc) =	sbr.abs _section_cstart, $3  }
0xc4: {  	[dreg:$0x1] =	wrdreg $0xFFFFFFFF  }
0xc5: {  	_ =	task.clear_ibuf [dreg:s9], $0x2FFFF;
	_ =	strace $0x9FFFFFFF  }
0xc6: {  	(tm) =	ssettm $0x7FFFFFFF  }
0xc7: {  	_ =	shalt  }
tec
execute0_lowered:
.L_overlay_start_1:
0x0: {  	(tag) =	ssettag $0x1  }
0x1: {  	s0 =	rddreg [dreg:$0x0]  }
0x2: {  	s2 =	rddreg [dreg:$0x1]  }
0x3: {  	s1 =	rddreg [dreg:$0x2]  }
0x4: {  	s4 =	rddreg [dreg:$0x3];
	s3 =	simm.s32 $0x0  }
0x5: {  	s5 =	srdreg.scid;
	s6 =	stileid.u32;
	s28 =	simm.s32 $0xB  }
0x6: {  	s29 =	simm.s32 $0x1;
	s30 =	simm.s32 $0x10100;
	s5 =	sand.u32 $0x1, s5  }
0x7: {  	[smem:$0x7FF] =	sst s3;
	s6 =	sshll.u32 s6, $0x7;
	s7 =	sshll.u32 s5, $0x6  }
0x8: {  	s0 =	sadd.s32 $0x400, s0;
	s5 =	ssub.s32 $0x2, s5;
	s6 =	sor.u32 s7, s6  }
0x9: {  	_ =	strace $0x80000047;
	s16 =	sshrl.u32 s5, $0x1;
	s8 =	sshrl.u32 s6, $0x3  }
0xa: {  	s11 =	sor.u32 $0x800, s6;
	s5 =	ssub.s32 s5, s16;
	s19 =	sor.u32 $0x1000, s6  }
0xb: {  	s20 =	sor.u32 $0x1800, s6;
	s6 =	sshll.u32 s6, $0x7;
	s17 =	sadd.s32 s0, s8  }
0xc: {  	s10 =	sshrl.u32 s20, $0x3;
	s21 =	sadd.s32 s2, s6;
	[dreg:$0x5] =	wrdreg s17  }
0xd: {  	s24 =	sshll.u32 s20, $0x7;
	s20 =	smax.u32 s5, $0x1;
	[dreg:$0x9] =	wrdreg s21  }
0xe: {  	s18 =	sshrl.u32 s11, $0x3;
	s12 =	sadd.s32 s4, s6;
	[dreg:$0x17] =	wrdreg s20  }
0xf: {  	s9 =	sshrl.u32 s19, $0x3;
	s7 =	sadd.s32 s0, s18;
	[dreg:$0xa] =	wrdreg s12  }
0x10: {  	s31 =	simm.s32 $0x8;
	s9 =	sadd.s32 s0, s9;
	[dreg:$0x6] =	wrdreg s7  }
0x11: {  	s22 =	sshll.u32 s11, $0x7;
	s0 =	sadd.s32 s0, s10;
	[dreg:$0x7] =	wrdreg s9  }
0x12: {  	s25 =	sor.u32 $0x800, s6;
	s26 =	sadd.s32 s4, s24;
	[dreg:$0x8] =	wrdreg s0  }
0x13: {  	s11 =	sadd.s32 $0x300, s1;
	s8 =	sadd.s32 s4, s25;
	[dreg:$0xd] =	wrdreg s26  }
0x14: {  	s23 =	sshll.u32 s19, $0x7;
	s13 =	sadd.s32 $0x40800, s12;
	[dreg:$0xf] =	wrdreg s8  }
0x15: {  	s14 =	sor.u32 $0x1000, s6;
	s15 =	sadd.s32 $0x80800, s12;
	[dreg:$0x10] =	wrdreg s13  }
0x16: {  	s6 =	sor.u32 $0x1800, s6;
	s16 =	sadd.s32 s2, s14;
	[dreg:$0x11] =	wrdreg s15  }
0x17: {  	s5 =	simm.s32 $0x100;
	s17 =	sadd.s32 s2, s6;
	[dreg:$0x12] =	wrdreg s16  }
0x18: {  	s10 =	sadd.s32 $0x200, s1;
	s18 =	sadd.s32 s4, s6;
	[dreg:$0x14] =	wrdreg s17  }
0x19: {  	s19 =	sadd.s32 $0xC0800, s12;
	s21 =	sadd.s32 $0x41000, s12;
	[dreg:$0x15] =	wrdreg s18  }
0x1a: {  	s24 =	sadd.s32 $0x41800, s12;
	s9 =	sadd.s32 $0x100, s1;
	[dreg:$0x16] =	wrdreg s19  }
0x1b: {  	s0 =	sadd.s32 s4, s22;
	s7 =	sadd.s32 s2, s25;
	[dreg:$0x18] =	wrdreg s21  }
0x1c: {  	s22 =	sadd.s32 $0x81000, s12;
	[dreg:$0x1b] =	wrdreg s24;
	s25 =	sadd.s32 $0x81800, s12  }
0x1d: {  	s26 =	sadd.s32 $0xC1800, s12;
	s2 =	simm.s32 $0x2900;
	[dreg:$0xb] =	wrdreg s0  }
0x1e: {  	s15 =	simm.s32 $0x3900;
	s17 =	simm.s32 $0x4100;
	[dreg:$0xe] =	wrdreg s7  }
0x1f: {  	s18 =	simm.s32 $0xC100;
	s21 =	simm.s32 $0x2;
	[dreg:$0x19] =	wrdreg s22  }
0x20: {  	s24 =	simm.s32 $0x7;
	s16 =	simm.s32 $0x0;
	[dreg:$0x1c] =	wrdreg s25  }
0x21: {  	s0 =	sadd.s32 s4, s23;
	s23 =	sadd.s32 $0xC1000, s12;
	[dreg:$0x1d] =	wrdreg s26  }
0x22: {  	s26 =	simm.s32 $0x8100;
	s22 =	simm.s32 $0x6;
	s25 =	simm.s32 $0x4  }
0x23: {  	v2 =	vlaneseq.u32;
	s12 =	simm.s32 $0x9;
	[dreg:$0xc] =	wrdreg s0;
	s0 =	sadd.s32 s4, s14  }
0x24: {  	vm0 =	vmmov $0xffff;
	v1 =	vshrl.u32 v2, $0x3;
	[dreg:$0x1a] =	wrdreg s23;
	s14 =	simm.s32 $0x3100;
	s23 =	simm.s32 $0x3  }
0x25: {  	v0 =	vand.u32 $0x7, v2;
	v2 =	vor.u32 $0x8, v2;
	v1 =	vmul.u32 $0x8, v1;
	s4 =	simm.s32 $0xA;
	[dreg:$0x13] =	wrdreg s0;
	s0 =	simm.s32 $0x5  }
.LBB2_1:
0x26: {  	s6 =	rddreg [dreg:$0x5]  }
0x27: {  	[tilespmem:s3], [sflag:$0xC] =	stream.linear.gather [hbm4b:s6+s3], $0x40, $0x38;
	[tilespmem:$0x1C100] =	vst v63  }
0x28: {  	s13 =	rddreg [dreg:$0x6];
	s7 =	simm.s32 $0x40  }
0x29: {  	[tilespmem:s7], [sflag:$0xD] =	stream.linear.gather [hbm4b:s13+s3], $0x40, $0x38;
	[tilespmem:$0x1C100] =	vst v63  }
0x2a: {  	s19 =	rddreg [dreg:$0x7];
	s20 =	simm.s32 $0x80  }
0x2b: {  	[tilespmem:s20], [sflag:$0xE] =	stream.linear.gather [hbm4b:s19+s3], $0x40, $0x38;
	[tilespmem:$0x1C100] =	vst v63  }
0x2c: {  	s8 =	simm.s32 $0xC0;
	s7 =	rddreg [dreg:$0x8]  }
0x2d: {  	[tilespmem:s8], [sflag:$0xF] =	stream.linear.gather [hbm4b:s7+s3], $0x40, $0x38;
	[tilespmem:$0x1C100] =	vst v63  }
0x2e: {  	s13 =	rddreg [dreg:$0x9];
	s19 =	simm.s32 $0x14100;
	s20 =	simm.s32 $0xC  }
0x2f: {  	[tilespmem:s19], [sflag:$0xB] =	stream.linear.gather [hbm4b:s13+s3], $0x4000, $0x38;
	[tilespmem:$0x1C100] =	vst v63  }
0x30: {  	_ =	swait.ge [sflag:s20], $0x40  }
0x31: {  	[sflag:s20] =	ssyncset.done $0x0  }
0x32: {  	[sflag:s20] =	ssyncadd.s32 $0xFFFFFFC0  }
0x33: {  	v3 =	vld [tilespmem:$0x0];
	_ =	sdelay $0x4  }
0x34: {  	v4 =	vshll.u32 v3, $0x3  }
0x35: {  	v3 =	vand.u32 $0x7, v3;
	v4 =	vand.u32 $0xFFFFFFC0, v4  }
0x36: {  	v3 =	vor.u32 v3, v4  }
0x37: {  	v4 =	vperm.xlane v3, v0;
	_ =	sdelay $0x1  }
0x38: {  	v4 =	vadd.s32 v1, v4;
	_ =	sdelay $0x4  }
0x39: {  	[tilespmem:s5], [sflag:$0x1] =	stream.indirect_vreg.gather [hbm4b:s1+s3], $0x80, v4, vm0, $0xb8;
	[tilespmem:$0x1C100] =	vst v63  }
0x3a: {  	s7 =	simm.s32 $0x900;
	v3 =	vperm.xlane v3, v2  }
0x3b: {  	[tilespmem:s7], [sflag:$0x1] =	stream.indirect_vreg.gather [hbm4b:s9+s3], $0x80, v4, vm0, $0xb8;
	[tilespmem:$0x1C100] =	vst v63  }
0x3c: {  	s8 =	simm.s32 $0x1100;
	v3 =	vadd.s32 v1, v3  }
0x3d: {  	[tilespmem:s8], [sflag:$0x1] =	stream.indirect_vreg.gather [hbm4b:s10+s3], $0x80, v4, vm0, $0xb8;
	[tilespmem:$0x1C100] =	vst v63  }
0x3e: {  	s13 =	simm.s32 $0x1900  }
0x3f: {  	[tilespmem:s13], [sflag:$0x1] =	stream.indirect_vreg.gather [hbm4b:s11+s3], $0x80, v4, vm0, $0xb8;
	[tilespmem:$0x1C100] =	vst v63  }
0x40: {  	s19 =	simm.s32 $0x2100  }
0x41: {  	[tilespmem:s19], [sflag:$0x1] =	stream.indirect_vreg.gather [hbm4b:s1+s3], $0x80, v3, vm0, $0xb8;
	[tilespmem:$0x1C100] =	vst v63  }
0x42: {  	_ = 	snop  }
0x43: {  	[tilespmem:s2], [sflag:$0x1] =	stream.indirect_vreg.gather [hbm4b:s9+s3], $0x80, v3, vm0, $0xb8;
	[tilespmem:$0x1C100] =	vst v63  }
0x44: {  	_ = 	snop  }
0x45: {  	[tilespmem:s14], [sflag:$0x1] =	stream.indirect_vreg.gather [hbm4b:s10+s3], $0x80, v3, vm0, $0xb8;
	[tilespmem:$0x1C100] =	vst v63  }
0x46: {  	s20 =	simm.s32 $0xD  }
0x47: {  	[tilespmem:s15], [sflag:$0x1] =	stream.indirect_vreg.gather [hbm4b:s11+s3], $0x80, v3, vm0, $0xb8;
	[tilespmem:$0x1C100] =	vst v63  }
0x48: {  	_ =	swait.ge [sflag:s20], $0x40  }
0x49: {  	[sflag:s20] =	ssyncset.done $0x0  }
0x4a: {  	[sflag:s20] =	ssyncadd.s32 $0xFFFFFFC0  }
0x4b: {  	v3 =	vld [tilespmem:$0x40];
	_ =	sdelay $0x4  }
0x4c: {  	v4 =	vshll.u32 v3, $0x3  }
0x4d: {  	v3 =	vand.u32 $0x7, v3;
	v4 =	vand.u32 $0xFFFFFFC0, v4  }
0x4e: {  	v3 =	vor.u32 v3, v4  }
0x4f: {  	v4 =	vperm.xlane v3, v0;
	_ =	sdelay $0x1  }
0x50: {  	v4 =	vadd.s32 v1, v4;
	_ =	sdelay $0x4  }
0x51: {  	[tilespmem:s17], [sflag:$0x2] =	stream.indirect_vreg.gather [hbm4b:s1+s3], $0x80, v4, vm0, $0xb8;
	[tilespmem:$0x1C100] =	vst v63  }
0x52: {  	s7 =	simm.s32 $0x4900;
	v3 =	vperm.xlane v3, v2  }
0x53: {  	[tilespmem:s7], [sflag:$0x2] =	stream.indirect_vreg.gather [hbm4b:s9+s3], $0x80, v4, vm0, $0xb8;
	[tilespmem:$0x1C100] =	vst v63  }
0x54: {  	s8 =	simm.s32 $0x5100;
	v3 =	vadd.s32 v1, v3  }
0x55: {  	[tilespmem:s8], [sflag:$0x2] =	stream.indirect_vreg.gather [hbm4b:s10+s3], $0x80, v4, vm0, $0xb8;
	[tilespmem:$0x1C100] =	vst v63  }
0x56: {  	s13 =	simm.s32 $0x5900  }
0x57: {  	[tilespmem:s13], [sflag:$0x2] =	stream.indirect_vreg.gather [hbm4b:s11+s3], $0x80, v4, vm0, $0xb8;
	[tilespmem:$0x1C100] =	vst v63  }
0x58: {  	s19 =	simm.s32 $0x6100  }
0x59: {  	[tilespmem:s19], [sflag:$0x2] =	stream.indirect_vreg.gather [hbm4b:s1+s3], $0x80, v3, vm0, $0xb8;
	[tilespmem:$0x1C100] =	vst v63  }
0x5a: {  	s20 =	simm.s32 $0x6900  }
0x5b: {  	[tilespmem:s20], [sflag:$0x2] =	stream.indirect_vreg.gather [hbm4b:s9+s3], $0x80, v3, vm0, $0xb8;
	[tilespmem:$0x1C100] =	vst v63  }
0x5c: {  	s7 =	simm.s32 $0x7100  }
0x5d: {  	[tilespmem:s7], [sflag:$0x2] =	stream.indirect_vreg.gather [hbm4b:s10+s3], $0x80, v3, vm0, $0xb8;
	[tilespmem:$0x1C100] =	vst v63  }
0x5e: {  	s8 =	simm.s32 $0x7900;
	s13 =	simm.s32 $0xE  }
0x5f: {  	[tilespmem:s8], [sflag:$0x2] =	stream.indirect_vreg.gather [hbm4b:s11+s3], $0x80, v3, vm0, $0xb8;
	[tilespmem:$0x1C100] =	vst v63  }
0x60: {  	_ =	swait.ge [sflag:s13], $0x40  }
0x61: {  	[sflag:s13] =	ssyncset.done $0x0  }
0x62: {  	[sflag:s13] =	ssyncadd.s32 $0xFFFFFFC0  }
0x63: {  	v3 =	vld [tilespmem:$0x80];
	_ =	sdelay $0x4  }
0x64: {  	v4 =	vshll.u32 v3, $0x3  }
0x65: {  	v3 =	vand.u32 $0x7, v3;
	v4 =	vand.u32 $0xFFFFFFC0, v4  }
0x66: {  	v3 =	vor.u32 v3, v4  }
0x67: {  	v4 =	vperm.xlane v3, v0;
	_ =	sdelay $0x1  }
0x68: {  	v4 =	vadd.s32 v1, v4;
	_ =	sdelay $0x4  }
0x69: {  	[tilespmem:s26], [sflag:$0x3] =	stream.indirect_vreg.gather [hbm4b:s1+s3], $0x80, v4, vm0, $0xb8;
	[tilespmem:$0x1C100] =	vst v63  }
0x6a: {  	s19 =	simm.s32 $0x8900;
	v3 =	vperm.xlane v3, v2  }
0x6b: {  	[tilespmem:s19], [sflag:$0x3] =	stream.indirect_vreg.gather [hbm4b:s9+s3], $0x80, v4, vm0, $0xb8;
	[tilespmem:$0x1C100] =	vst v63  }
0x6c: {  	s20 =	simm.s32 $0x9100;
	v3 =	vadd.s32 v1, v3  }
0x6d: {  	[tilespmem:s20], [sflag:$0x3] =	stream.indirect_vreg.gather [hbm4b:s10+s3], $0x80, v4, vm0, $0xb8;
	[tilespmem:$0x1C100] =	vst v63  }
0x6e: {  	s7 =	simm.s32 $0x9900  }
0x6f: {  	[tilespmem:s7], [sflag:$0x3] =	stream.indirect_vreg.gather [hbm4b:s11+s3], $0x80, v4, vm0, $0xb8;
	[tilespmem:$0x1C100] =	vst v63  }
0x70: {  	s8 =	simm.s32 $0xA100  }
0x71: {  	[tilespmem:s8], [sflag:$0x3] =	stream.indirect_vreg.gather [hbm4b:s1+s3], $0x80, v3, vm0, $0xb8;
	[tilespmem:$0x1C100] =	vst v63  }
0x72: {  	s13 =	simm.s32 $0xA900  }
0x73: {  	[tilespmem:s13], [sflag:$0x3] =	stream.indirect_vreg.gather [hbm4b:s9+s3], $0x80, v3, vm0, $0xb8;
	[tilespmem:$0x1C100] =	vst v63  }
0x74: {  	s19 =	simm.s32 $0xB100  }
0x75: {  	[tilespmem:s19], [sflag:$0x3] =	stream.indirect_vreg.gather [hbm4b:s10+s3], $0x80, v3, vm0, $0xb8;
	[tilespmem:$0x1C100] =	vst v63  }
0x76: {  	s20 =	simm.s32 $0xB900;
	s7 =	simm.s32 $0xF  }
0x77: {  	[tilespmem:s20], [sflag:$0x3] =	stream.indirect_vreg.gather [hbm4b:s11+s3], $0x80, v3, vm0, $0xb8;
	[tilespmem:$0x1C100] =	vst v63  }
0x78: {  	_ =	swait.ge [sflag:s7], $0x40  }
0x79: {  	[sflag:s7] =	ssyncset.done $0x0  }
0x7a: {  	[sflag:s7] =	ssyncadd.s32 $0xFFFFFFC0  }
0x7b: {  	v3 =	vld [tilespmem:$0xC0];
	_ =	sdelay $0x4  }
0x7c: {  	v4 =	vshll.u32 v3, $0x3  }
0x7d: {  	v3 =	vand.u32 $0x7, v3;
	v4 =	vand.u32 $0xFFFFFFC0, v4  }
0x7e: {  	v3 =	vor.u32 v3, v4  }
0x7f: {  	v4 =	vperm.xlane v3, v0;
	_ =	sdelay $0x1  }
0x80: {  	v4 =	vadd.s32 v1, v4;
	_ =	sdelay $0x4  }
0x81: {  	[tilespmem:s18], [sflag:$0x4] =	stream.indirect_vreg.gather [hbm4b:s1+s3], $0x80, v4, vm0, $0xb8;
	[tilespmem:$0x1C100] =	vst v63  }
0x82: {  	s8 =	simm.s32 $0xC900;
	v3 =	vperm.xlane v3, v2  }
0x83: {  	[tilespmem:s8], [sflag:$0x4] =	stream.indirect_vreg.gather [hbm4b:s9+s3], $0x80, v4, vm0, $0xb8;
	[tilespmem:$0x1C100] =	vst v63  }
0x84: {  	s13 =	simm.s32 $0xD100;
	v3 =	vadd.s32 v1, v3  }
0x85: {  	[tilespmem:s13], [sflag:$0x4] =	stream.indirect_vreg.gather [hbm4b:s10+s3], $0x80, v4, vm0, $0xb8;
	[tilespmem:$0x1C100] =	vst v63  }
0x86: {  	s19 =	simm.s32 $0xD900  }
0x87: {  	[tilespmem:s19], [sflag:$0x4] =	stream.indirect_vreg.gather [hbm4b:s11+s3], $0x80, v4, vm0, $0xb8;
	[tilespmem:$0x1C100] =	vst v63  }
0x88: {  	s20 =	simm.s32 $0xE100  }
0x89: {  	[tilespmem:s20], [sflag:$0x4] =	stream.indirect_vreg.gather [hbm4b:s1+s3], $0x80, v3, vm0, $0xb8;
	[tilespmem:$0x1C100] =	vst v63  }
0x8a: {  	s7 =	simm.s32 $0xE900  }
0x8b: {  	[tilespmem:s7], [sflag:$0x4] =	stream.indirect_vreg.gather [hbm4b:s9+s3], $0x80, v3, vm0, $0xb8;
	[tilespmem:$0x1C100] =	vst v63  }
0x8c: {  	s8 =	simm.s32 $0xF100  }
0x8d: {  	[tilespmem:s8], [sflag:$0x4] =	stream.indirect_vreg.gather [hbm4b:s10+s3], $0x80, v3, vm0, $0xb8;
	[tilespmem:$0x1C100] =	vst v63  }
0x8e: {  	s13 =	simm.s32 $0xF900  }
0x8f: {  	[tilespmem:s13], [sflag:$0x4] =	stream.indirect_vreg.gather [hbm4b:s11+s3], $0x80, v3, vm0, $0xb8;
	[tilespmem:$0x1C100] =	vst v63  }
0x90: {  	_ =	swait.ge [sflag:s28], $0x4000  }
0x91: {  	s19 =	simm.s32 $0x0;
	[sflag:s28] =	ssyncset.done $0x0  }
0x92: {  	s6 =	sand.u32 $0x2000, s19;
	[sflag:s28] =	ssyncadd.s32 $0xFFFFC000  }
0x93: {  	s19 =	sand.u32 $0x1C00, s3;
	s20 =	simm.s32 $0x0;
	_ =	swait.ge [sflag:s29], $0x4000  }
0x94: {  	s6 =	sor.u32 s19, s6;
	s20 =	sand.u32 $0x380, s20;
	[sflag:s29] =	ssyncset.done $0x0  }
0x95: {  	s19 =	sor.u32 s20, s6;
	[sflag:s29] =	ssyncadd.s32 $0xFFFFC000  }
0x96: {  	v3 =	vld [tilespmem:s19+$0x14170]  }
0x97: {  	v8 =	vld [tilespmem:s19+$0x14100]  }
0x98: {  	v9 =	vld [tilespmem:s19+$0x14110]  }
0x99: {  	v7 =	vld [tilespmem:s19+$0x14120]  }
0x9a: {  	v6 =	vld [tilespmem:s19+$0x14130]  }
0x9b: {  	v5 =	vld [tilespmem:s19+$0x14140]  }
0x9c: {  	v4 =	vld [tilespmem:s19+$0x14160]  }
0x9d: {  	[tilespmem:s19+$0x170] =	vst.add.f32.msk $0xffff, v3  }
0x9e: {  	v3 =	vld [tilespmem:s19+$0x14150]  }
0x9f: {  	[tilespmem:s19+$0x100] =	vst.add.f32.msk $0xffff, v8  }
0xa0: {  	s20 =	simm.s32 $0x0;
	s6 =	simm.s32 $0x0;
	[tilespmem:s19+$0x110] =	vst.add.f32.msk $0xffff, v9  }
.LBB2_2:
0xa1: {  	s20 =	sadd.s32 $0x8, s20;
	[tilespmem:s19+$0x120] =	vst.add.f32.msk $0xffff, v7  }
0xa2: {  	s6 =	sadd.s32 $0x400, s6;
	s7 =	sshll.u32 s20, $0x4;
	p0 =	slt.u32 s20, $0x3F8;
	[tilespmem:s19+$0x130] =	vst.add.f32.msk $0xffff, v6  }
0xa3: {  	s8 =	sand.u32 $0x1C00, s6;
	s13 =	sshll.u32 s20, $0x1;
	s7 =	sand.u32 $0x2000, s7;
	[tilespmem:s19+$0x140] =	vst.add.f32.msk $0xffff, v5  }
0xa4: {  	s7 =	sor.u32 s8, s7;
	s8 =	sand.u32 $0x380, s13;
	[tilespmem:s19+$0x150] =	vst.add.f32.msk $0xffff, v3  }
0xa5: {  	[tilespmem:s19+$0x160] =	vst.add.f32.msk $0xffff, v4;
	s19 =	sor.u32 s8, s7  }
0xa6: {  	v3 =	vld [tilespmem:s19+$0x14170]  }
0xa7: {  	v8 =	vld [tilespmem:s19+$0x14100]  }
0xa8: {  	v9 =	vld [tilespmem:s19+$0x14110]  }
0xa9: {  	v7 =	vld [tilespmem:s19+$0x14120]  }
0xaa: {  	v6 =	vld [tilespmem:s19+$0x14130]  }
0xab: {  	[tilespmem:s19+$0x170] =	vst.add.f32.msk $0xffff, v3  }
.Ltmp0:
0xac: {  	v5 =	vld [tilespmem:s19+$0x14140];
	(pc) =	sbr.rel @p0 .LBB2_2-.Ltmp0, $4  }
0xad: {  	v3 =	vld [tilespmem:s19+$0x14150]  }
0xae: {  	v4 =	vld [tilespmem:s19+$0x14160]  }
0xaf: {  	[tilespmem:s19+$0x100] =	vst.add.f32.msk $0xffff, v8  }
0xb0: {  	[tilespmem:s19+$0x110] =	vst.add.f32.msk $0xffff, v9  }
0xb1: {  	[tilespmem:s19+$0x120] =	vst.add.f32.msk $0xffff, v7  }
0xb2: {  	[tilespmem:s19+$0x130] =	vst.add.f32.msk $0xffff, v6  }
0xb3: {  	[tilespmem:s19+$0x140] =	vst.add.f32.msk $0xffff, v5  }
0xb4: {  	[tilespmem:s19+$0x150] =	vst.add.f32.msk $0xffff, v3  }
0xb5: {  	[tilespmem:s19+$0x160] =	vst.add.f32.msk $0xffff, v4  }
0xb6: {  	s19 =	simm.s32 $0x0;
	s6 =	rddreg [dreg:$0xa]  }
0xb7: {  	[hbm4b:s6+s19] =	stream.linear.scatter [tilespmem:s5], [sflag:$0x6], $0x4000, $0x38;
	[tilespmem:$0x1C100] =	vst v63  }
0xb8: {  	v3 =	vld [tilespmem:$0x10];
	_ =	sdelay $0x4  }
0xb9: {  	v4 =	vshll.u32 v3, $0x3  }
0xba: {  	v3 =	vand.u32 $0x7, v3;
	v4 =	vand.u32 $0xFFFFFFC0, v4  }
0xbb: {  	v3 =	vor.u32 v3, v4  }
0xbc: {  	v4 =	vperm.xlane v3, v0;
	_ =	sdelay $0x1  }
0xbd: {  	v4 =	vadd.s32 v1, v4;
	_ =	sdelay $0x4  }
0xbe: {  	[tilespmem:s30], [sflag:$0x5] =	stream.indirect_vreg.gather [hbm4b:s1+s19], $0x80, v4, vm0, $0xb8;
	[tilespmem:$0x1C100] =	vst v63  }
0xbf: {  	s20 =	simm.s32 $0x10900;
	v3 =	vperm.xlane v3, v2  }
0xc0: {  	[tilespmem:s20], [sflag:$0x5] =	stream.indirect_vreg.gather [hbm4b:s9+s19], $0x80, v4, vm0, $0xb8;
	[tilespmem:$0x1C100] =	vst v63  }
0xc1: {  	s7 =	simm.s32 $0x11100;
	v3 =	vadd.s32 v1, v3  }
0xc2: {  	[tilespmem:s7], [sflag:$0x5] =	stream.indirect_vreg.gather [hbm4b:s10+s19], $0x80, v4, vm0, $0xb8;
	[tilespmem:$0x1C100] =	vst v63  }
0xc3: {  	s8 =	simm.s32 $0x11900  }
0xc4: {  	[tilespmem:s8], [sflag:$0x5] =	stream.indirect_vreg.gather [hbm4b:s11+s19], $0x80, v4, vm0, $0xb8;
	[tilespmem:$0x1C100] =	vst v63  }
0xc5: {  	s13 =	simm.s32 $0x12100  }
0xc6: {  	[tilespmem:s13], [sflag:$0x5] =	stream.indirect_vreg.gather [hbm4b:s1+s19], $0x80, v3, vm0, $0xb8;
	[tilespmem:$0x1C100] =	vst v63  }
0xc7: {  	s20 =	simm.s32 $0x12900  }
0xc8: {  	[tilespmem:s20], [sflag:$0x5] =	stream.indirect_vreg.gather [hbm4b:s9+s19], $0x80, v3, vm0, $0xb8;
	[tilespmem:$0x1C100] =	vst v63  }
0xc9: {  	s7 =	simm.s32 $0x13100;
	s13 =	simm.s32 $0x0  }
0xca: {  	[tilespmem:s7], [sflag:$0x5] =	stream.indirect_vreg.gather [hbm4b:s10+s19], $0x80, v3, vm0, $0xb8;
	[tilespmem:$0x1C100] =	vst v63  }
0xcb: {  	s8 =	simm.s32 $0x13900;
	s6 =	sand.u32 $0x2000, s13  }
0xcc: {  	[tilespmem:s8], [sflag:$0x5] =	stream.indirect_vreg.gather [hbm4b:s11+s19], $0x80, v3, vm0, $0xb8;
	[tilespmem:$0x1C100] =	vst v63  }
0xcd: {  	s7 =	sand.u32 $0x1C00, s19;
	s8 =	simm.s32 $0x0;
	_ =	swait.ge [sflag:s21], $0x4000  }
0xce: {  	s6 =	sor.u32 s7, s6;
	s20 =	sand.u32 $0x380, s8;
	[sflag:s21] =	ssyncset.done $0x0  }
0xcf: {  	s20 =	sor.u32 s20, s6;
	[sflag:s21] =	ssyncadd.s32 $0xFFFFC000  }
0xd0: {  	v3 =	vld [tilespmem:s20+$0x14170]  }
0xd1: {  	v8 =	vld [tilespmem:s20+$0x14100]  }
0xd2: {  	v9 =	vld [tilespmem:s20+$0x14110]  }
0xd3: {  	v7 =	vld [tilespmem:s20+$0x14120]  }
0xd4: {  	v6 =	vld [tilespmem:s20+$0x14130]  }
0xd5: {  	v5 =	vld [tilespmem:s20+$0x14140]  }
0xd6: {  	v4 =	vld [tilespmem:s20+$0x14160]  }
0xd7: {  	[tilespmem:s20+$0x4170] =	vst.add.f32.msk $0xffff, v3  }
0xd8: {  	v3 =	vld [tilespmem:s20+$0x14150]  }
0xd9: {  	[tilespmem:s20+$0x4100] =	vst.add.f32.msk $0xffff, v8  }
0xda: {  	s6 =	simm.s32 $0x0;
	[tilespmem:s20+$0x4110] =	vst.add.f32.msk $0xffff, v9  }
.LBB2_4:
0xdb: {  	s6 =	sadd.s32 $0x8, s6;
	[tilespmem:s20+$0x4120] =	vst.add.f32.msk $0xffff, v7  }
0xdc: {  	s19 =	sadd.s32 $0x400, s19;
	s7 =	sshll.u32 s6, $0x4;
	p0 =	slt.u32 s6, $0x3F8;
	[tilespmem:s20+$0x4130] =	vst.add.f32.msk $0xffff, v6  }
0xdd: {  	s8 =	sand.u32 $0x1C00, s19;
	s13 =	sshll.u32 s6, $0x1;
	s7 =	sand.u32 $0x2000, s7;
	[tilespmem:s20+$0x4140] =	vst.add.f32.msk $0xffff, v5  }
0xde: {  	s7 =	sor.u32 s8, s7;
	s8 =	sand.u32 $0x380, s13;
	[tilespmem:s20+$0x4150] =	vst.add.f32.msk $0xffff, v3  }
0xdf: {  	[tilespmem:s20+$0x4160] =	vst.add.f32.msk $0xffff, v4;
	s20 =	sor.u32 s8, s7  }
0xe0: {  	v3 =	vld [tilespmem:s20+$0x14170]  }
0xe1: {  	v8 =	vld [tilespmem:s20+$0x14100]  }
0xe2: {  	v9 =	vld [tilespmem:s20+$0x14110]  }
0xe3: {  	v7 =	vld [tilespmem:s20+$0x14120]  }
0xe4: {  	v6 =	vld [tilespmem:s20+$0x14130]  }
0xe5: {  	[tilespmem:s20+$0x4170] =	vst.add.f32.msk $0xffff, v3  }
.Ltmp1:
0xe6: {  	v5 =	vld [tilespmem:s20+$0x14140];
	(pc) =	sbr.rel @p0 .LBB2_4-.Ltmp1, $4  }
0xe7: {  	v3 =	vld [tilespmem:s20+$0x14150]  }
0xe8: {  	v4 =	vld [tilespmem:s20+$0x14160]  }
0xe9: {  	[tilespmem:s20+$0x4100] =	vst.add.f32.msk $0xffff, v8  }
0xea: {  	[tilespmem:s20+$0x4110] =	vst.add.f32.msk $0xffff, v9  }
0xeb: {  	[tilespmem:s20+$0x4120] =	vst.add.f32.msk $0xffff, v7  }
0xec: {  	[tilespmem:s20+$0x4130] =	vst.add.f32.msk $0xffff, v6  }
0xed: {  	[tilespmem:s20+$0x4140] =	vst.add.f32.msk $0xffff, v5  }
0xee: {  	[tilespmem:s20+$0x4150] =	vst.add.f32.msk $0xffff, v3  }
0xef: {  	[tilespmem:s20+$0x4160] =	vst.add.f32.msk $0xffff, v4  }
0xf0: {  	s19 =	simm.s32 $0x0;
	s6 =	rddreg [dreg:$0xb]  }
0xf1: {  	[hbm4b:s6+s19] =	stream.linear.scatter [tilespmem:s17], [sflag:$0x7], $0x4000, $0x38;
	[tilespmem:$0x1C100] =	vst v63  }
0xf2: {  	_ =	swait.ge [sflag:s22], $0x4000  }
0xf3: {  	[sflag:s22] =	ssyncset.done $0x0  }
0xf4: {  	[sflag:s22] =	ssyncadd.s32 $0xFFFFC000  }
0xf5: {  	v3 =	vld [tilespmem:$0x50];
	_ =	sdelay $0x4  }
0xf6: {  	v4 =	vshll.u32 v3, $0x3  }
0xf7: {  	v3 =	vand.u32 $0x7, v3;
	v4 =	vand.u32 $0xFFFFFFC0, v4  }
0xf8: {  	v3 =	vor.u32 v3, v4  }
0xf9: {  	v4 =	vperm.xlane v3, v0;
	_ =	sdelay $0x1  }
0xfa: {  	v4 =	vadd.s32 v1, v4;
	_ =	sdelay $0x4  }
0xfb: {  	[tilespmem:s5], [sflag:$0x1] =	stream.indirect_vreg.gather [hbm4b:s1+s19], $0x80, v4, vm0, $0xb8;
	[tilespmem:$0x1C100] =	vst v63  }
0xfc: {  	s13 =	simm.s32 $0x900;
	v3 =	vperm.xlane v3, v2  }
0xfd: {  	[tilespmem:s13], [sflag:$0x1] =	stream.indirect_vreg.gather [hbm4b:s9+s19], $0x80, v4, vm0, $0xb8;
	[tilespmem:$0x1C100] =	vst v63  }
0xfe: {  	s20 =	simm.s32 $0x1100;
	v3 =	vadd.s32 v1, v3  }
0xff: {  	[tilespmem:s20], [sflag:$0x1] =	stream.indirect_vreg.gather [hbm4b:s10+s19], $0x80, v4, vm0, $0xb8;
	[tilespmem:$0x1C100] =	vst v63  }
0x100: {  	s7 =	simm.s32 $0x1900  }
0x101: {  	[tilespmem:s7], [sflag:$0x1] =	stream.indirect_vreg.gather [hbm4b:s11+s19], $0x80, v4, vm0, $0xb8;
	[tilespmem:$0x1C100] =	vst v63  }
0x102: {  	s8 =	simm.s32 $0x2100  }
0x103: {  	[tilespmem:s8], [sflag:$0x1] =	stream.indirect_vreg.gather [hbm4b:s1+s19], $0x80, v3, vm0, $0xb8;
	[tilespmem:$0x1C100] =	vst v63  }
0x104: {  	_ = 	snop  }
0x105: {  	[tilespmem:s2], [sflag:$0x1] =	stream.indirect_vreg.gather [hbm4b:s9+s19], $0x80, v3, vm0, $0xb8;
	[tilespmem:$0x1C100] =	vst v63  }
0x106: {  	s13 =	simm.s32 $0x0  }
0x107: {  	[tilespmem:s14], [sflag:$0x1] =	stream.indirect_vreg.gather [hbm4b:s10+s19], $0x80, v3, vm0, $0xb8;
	[tilespmem:$0x1C100] =	vst v63  }
0x108: {  	s6 =	sand.u32 $0x2000, s13  }
0x109: {  	[tilespmem:s15], [sflag:$0x1] =	stream.indirect_vreg.gather [hbm4b:s11+s19], $0x80, v3, vm0, $0xb8;
	[tilespmem:$0x1C100] =	vst v63  }
0x10a: {  	s7 =	sand.u32 $0x1C00, s19;
	s8 =	simm.s32 $0x0;
	_ =	swait.ge [sflag:s23], $0x4000  }
0x10b: {  	s6 =	sor.u32 s7, s6;
	s20 =	sand.u32 $0x380, s8;
	[sflag:s23] =	ssyncset.done $0x0  }
0x10c: {  	s20 =	sor.u32 s20, s6;
	[sflag:s23] =	ssyncadd.s32 $0xFFFFC000  }
0x10d: {  	v3 =	vld [tilespmem:s20+$0x14170]  }
0x10e: {  	v8 =	vld [tilespmem:s20+$0x14100]  }
0x10f: {  	v9 =	vld [tilespmem:s20+$0x14110]  }
0x110: {  	v7 =	vld [tilespmem:s20+$0x14120]  }
0x111: {  	v6 =	vld [tilespmem:s20+$0x14130]  }
0x112: {  	v5 =	vld [tilespmem:s20+$0x14140]  }
0x113: {  	v4 =	vld [tilespmem:s20+$0x14160]  }
0x114: {  	[tilespmem:s20+$0x8170] =	vst.add.f32.msk $0xffff, v3  }
0x115: {  	v3 =	vld [tilespmem:s20+$0x14150]  }
0x116: {  	[tilespmem:s20+$0x8100] =	vst.add.f32.msk $0xffff, v8  }
0x117: {  	s6 =	simm.s32 $0x0;
	[tilespmem:s20+$0x8110] =	vst.add.f32.msk $0xffff, v9  }
.LBB2_6:
0x118: {  	s6 =	sadd.s32 $0x8, s6;
	[tilespmem:s20+$0x8120] =	vst.add.f32.msk $0xffff, v7  }
0x119: {  	s19 =	sadd.s32 $0x400, s19;
	s7 =	sshll.u32 s6, $0x4;
	p0 =	slt.u32 s6, $0x3F8;
	[tilespmem:s20+$0x8130] =	vst.add.f32.msk $0xffff, v6  }
0x11a: {  	s8 =	sand.u32 $0x1C00, s19;
	s13 =	sshll.u32 s6, $0x1;
	s7 =	sand.u32 $0x2000, s7;
	[tilespmem:s20+$0x8140] =	vst.add.f32.msk $0xffff, v5  }
0x11b: {  	s7 =	sor.u32 s8, s7;
	s8 =	sand.u32 $0x380, s13;
	[tilespmem:s20+$0x8150] =	vst.add.f32.msk $0xffff, v3  }
0x11c: {  	[tilespmem:s20+$0x8160] =	vst.add.f32.msk $0xffff, v4;
	s20 =	sor.u32 s8, s7  }
0x11d: {  	v3 =	vld [tilespmem:s20+$0x14170]  }
0x11e: {  	v8 =	vld [tilespmem:s20+$0x14100]  }
0x11f: {  	v9 =	vld [tilespmem:s20+$0x14110]  }
0x120: {  	v7 =	vld [tilespmem:s20+$0x14120]  }
0x121: {  	v6 =	vld [tilespmem:s20+$0x14130]  }
0x122: {  	[tilespmem:s20+$0x8170] =	vst.add.f32.msk $0xffff, v3  }
.Ltmp2:
0x123: {  	v5 =	vld [tilespmem:s20+$0x14140];
	(pc) =	sbr.rel @p0 .LBB2_6-.Ltmp2, $4  }
0x124: {  	v3 =	vld [tilespmem:s20+$0x14150]  }
0x125: {  	v4 =	vld [tilespmem:s20+$0x14160]  }
0x126: {  	[tilespmem:s20+$0x8100] =	vst.add.f32.msk $0xffff, v8  }
0x127: {  	[tilespmem:s20+$0x8110] =	vst.add.f32.msk $0xffff, v9  }
0x128: {  	[tilespmem:s20+$0x8120] =	vst.add.f32.msk $0xffff, v7  }
0x129: {  	[tilespmem:s20+$0x8130] =	vst.add.f32.msk $0xffff, v6  }
0x12a: {  	[tilespmem:s20+$0x8140] =	vst.add.f32.msk $0xffff, v5  }
0x12b: {  	[tilespmem:s20+$0x8150] =	vst.add.f32.msk $0xffff, v3  }
0x12c: {  	[tilespmem:s20+$0x8160] =	vst.add.f32.msk $0xffff, v4  }
0x12d: {  	s19 =	simm.s32 $0x0;
	s6 =	rddreg [dreg:$0xc]  }
0x12e: {  	[hbm4b:s6+s19] =	stream.linear.scatter [tilespmem:s26], [sflag:$0x8], $0x4000, $0x38;
	[tilespmem:$0x1C100] =	vst v63  }
0x12f: {  	_ =	swait.ge [sflag:s24], $0x4000  }
0x130: {  	[sflag:s24] =	ssyncset.done $0x0  }
0x131: {  	[sflag:s24] =	ssyncadd.s32 $0xFFFFC000  }
0x132: {  	v3 =	vld [tilespmem:$0x90];
	_ =	sdelay $0x4  }
0x133: {  	v4 =	vshll.u32 v3, $0x3  }
0x134: {  	v3 =	vand.u32 $0x7, v3;
	v4 =	vand.u32 $0xFFFFFFC0, v4  }
0x135: {  	v3 =	vor.u32 v3, v4  }
0x136: {  	v4 =	vperm.xlane v3, v0;
	_ =	sdelay $0x1  }
0x137: {  	v4 =	vadd.s32 v1, v4;
	_ =	sdelay $0x4  }
0x138: {  	[tilespmem:s17], [sflag:$0x2] =	stream.indirect_vreg.gather [hbm4b:s1+s19], $0x80, v4, vm0, $0xb8;
	[tilespmem:$0x1C100] =	vst v63  }
0x139: {  	s20 =	simm.s32 $0x4900;
	v3 =	vperm.xlane v3, v2  }
0x13a: {  	[tilespmem:s20], [sflag:$0x2] =	stream.indirect_vreg.gather [hbm4b:s9+s19], $0x80, v4, vm0, $0xb8;
	[tilespmem:$0x1C100] =	vst v63  }
0x13b: {  	s7 =	simm.s32 $0x5100;
	v3 =	vadd.s32 v1, v3  }
0x13c: {  	[tilespmem:s7], [sflag:$0x2] =	stream.indirect_vreg.gather [hbm4b:s10+s19], $0x80, v4, vm0, $0xb8;
	[tilespmem:$0x1C100] =	vst v63  }
0x13d: {  	s8 =	simm.s32 $0x5900  }
0x13e: {  	[tilespmem:s8], [sflag:$0x2] =	stream.indirect_vreg.gather [hbm4b:s11+s19], $0x80, v4, vm0, $0xb8;
	[tilespmem:$0x1C100] =	vst v63  }
0x13f: {  	s13 =	simm.s32 $0x6100  }
0x140: {  	[tilespmem:s13], [sflag:$0x2] =	stream.indirect_vreg.gather [hbm4b:s1+s19], $0x80, v3, vm0, $0xb8;
	[tilespmem:$0x1C100] =	vst v63  }
0x141: {  	s20 =	simm.s32 $0x6900  }
0x142: {  	[tilespmem:s20], [sflag:$0x2] =	stream.indirect_vreg.gather [hbm4b:s9+s19], $0x80, v3, vm0, $0xb8;
	[tilespmem:$0x1C100] =	vst v63  }
0x143: {  	s7 =	simm.s32 $0x7100;
	s13 =	simm.s32 $0x0  }
0x144: {  	[tilespmem:s7], [sflag:$0x2] =	stream.indirect_vreg.gather [hbm4b:s10+s19], $0x80, v3, vm0, $0xb8;
	[tilespmem:$0x1C100] =	vst v63  }
0x145: {  	s8 =	simm.s32 $0x7900;
	s6 =	sand.u32 $0x2000, s13  }
0x146: {  	[tilespmem:s8], [sflag:$0x2] =	stream.indirect_vreg.gather [hbm4b:s11+s19], $0x80, v3, vm0, $0xb8;
	[tilespmem:$0x1C100] =	vst v63  }
0x147: {  	s7 =	sand.u32 $0x1C00, s19;
	s8 =	simm.s32 $0x0;
	_ =	swait.ge [sflag:s25], $0x4000  }
0x148: {  	s6 =	sor.u32 s7, s6;
	s20 =	sand.u32 $0x380, s8;
	[sflag:s25] =	ssyncset.done $0x0  }
0x149: {  	s20 =	sor.u32 s20, s6;
	[sflag:s25] =	ssyncadd.s32 $0xFFFFC000  }
0x14a: {  	v3 =	vld [tilespmem:s20+$0x14170]  }
0x14b: {  	v8 =	vld [tilespmem:s20+$0x14100]  }
0x14c: {  	v9 =	vld [tilespmem:s20+$0x14110]  }
0x14d: {  	v7 =	vld [tilespmem:s20+$0x14120]  }
0x14e: {  	v6 =	vld [tilespmem:s20+$0x14130]  }
0x14f: {  	v5 =	vld [tilespmem:s20+$0x14140]  }
0x150: {  	v4 =	vld [tilespmem:s20+$0x14160]  }
0x151: {  	[tilespmem:s20+$0xC170] =	vst.add.f32.msk $0xffff, v3  }
0x152: {  	v3 =	vld [tilespmem:s20+$0x14150]  }
0x153: {  	[tilespmem:s20+$0xC100] =	vst.add.f32.msk $0xffff, v8  }
0x154: {  	s6 =	simm.s32 $0x0;
	[tilespmem:s20+$0xC110] =	vst.add.f32.msk $0xffff, v9  }
.LBB2_8:
0x155: {  	s6 =	sadd.s32 $0x8, s6;
	[tilespmem:s20+$0xC120] =	vst.add.f32.msk $0xffff, v7  }
0x156: {  	s19 =	sadd.s32 $0x400, s19;
	s7 =	sshll.u32 s6, $0x4;
	p0 =	slt.u32 s6, $0x3F8;
	[tilespmem:s20+$0xC130] =	vst.add.f32.msk $0xffff, v6  }
0x157: {  	s8 =	sand.u32 $0x1C00, s19;
	s13 =	sshll.u32 s6, $0x1;
	s7 =	sand.u32 $0x2000, s7;
	[tilespmem:s20+$0xC140] =	vst.add.f32.msk $0xffff, v5  }
0x158: {  	s7 =	sor.u32 s8, s7;
	s8 =	sand.u32 $0x380, s13;
	[tilespmem:s20+$0xC150] =	vst.add.f32.msk $0xffff, v3  }
0x159: {  	[tilespmem:s20+$0xC160] =	vst.add.f32.msk $0xffff, v4;
	s20 =	sor.u32 s8, s7  }
0x15a: {  	v3 =	vld [tilespmem:s20+$0x14170]  }
0x15b: {  	v8 =	vld [tilespmem:s20+$0x14100]  }
0x15c: {  	v9 =	vld [tilespmem:s20+$0x14110]  }
0x15d: {  	v7 =	vld [tilespmem:s20+$0x14120]  }
0x15e: {  	v6 =	vld [tilespmem:s20+$0x14130]  }
0x15f: {  	[tilespmem:s20+$0xC170] =	vst.add.f32.msk $0xffff, v3  }
.Ltmp3:
0x160: {  	v5 =	vld [tilespmem:s20+$0x14140];
	(pc) =	sbr.rel @p0 .LBB2_8-.Ltmp3, $4  }
0x161: {  	v3 =	vld [tilespmem:s20+$0x14150]  }
0x162: {  	v4 =	vld [tilespmem:s20+$0x14160]  }
0x163: {  	[tilespmem:s20+$0xC100] =	vst.add.f32.msk $0xffff, v8  }
0x164: {  	[tilespmem:s20+$0xC110] =	vst.add.f32.msk $0xffff, v9  }
0x165: {  	[tilespmem:s20+$0xC120] =	vst.add.f32.msk $0xffff, v7  }
0x166: {  	[tilespmem:s20+$0xC130] =	vst.add.f32.msk $0xffff, v6  }
0x167: {  	[tilespmem:s20+$0xC140] =	vst.add.f32.msk $0xffff, v5  }
0x168: {  	[tilespmem:s20+$0xC150] =	vst.add.f32.msk $0xffff, v3  }
0x169: {  	[tilespmem:s20+$0xC160] =	vst.add.f32.msk $0xffff, v4  }
0x16a: {  	s19 =	simm.s32 $0x0;
	s6 =	rddreg [dreg:$0xd]  }
0x16b: {  	[hbm4b:s6+s19] =	stream.linear.scatter [tilespmem:s18], [sflag:$0x9], $0x4000, $0x38;
	[tilespmem:$0x1C100] =	vst v63  }
0x16c: {  	s7 =	simm.s32 $0x18100;
	s8 =	rddreg [dreg:$0xe]  }
0x16d: {  	[tilespmem:s7], [sflag:$0xB] =	stream.linear.gather [hbm4b:s8+s19], $0x4000, $0x38;
	[tilespmem:$0x1C100] =	vst v63  }
0x16e: {  	_ =	swait.ge [sflag:s31], $0x4000  }
0x16f: {  	[sflag:s31] =	ssyncset.done $0x0  }
0x170: {  	[sflag:s31] =	ssyncadd.s32 $0xFFFFC000  }
0x171: {  	v3 =	vld [tilespmem:$0xD0];
	_ =	sdelay $0x4  }
0x172: {  	v4 =	vshll.u32 v3, $0x3  }
0x173: {  	v3 =	vand.u32 $0x7, v3;
	v4 =	vand.u32 $0xFFFFFFC0, v4  }
0x174: {  	v3 =	vor.u32 v3, v4  }
0x175: {  	v4 =	vperm.xlane v3, v0;
	_ =	sdelay $0x1  }
0x176: {  	v4 =	vadd.s32 v1, v4;
	_ =	sdelay $0x4  }
0x177: {  	[tilespmem:s26], [sflag:$0x3] =	stream.indirect_vreg.gather [hbm4b:s1+s19], $0x80, v4, vm0, $0xb8;
	[tilespmem:$0x1C100] =	vst v63  }
0x178: {  	s13 =	simm.s32 $0x8900;
	v3 =	vperm.xlane v3, v2  }
0x179: {  	[tilespmem:s13], [sflag:$0x3] =	stream.indirect_vreg.gather [hbm4b:s9+s19], $0x80, v4, vm0, $0xb8;
	[tilespmem:$0x1C100] =	vst v63  }
0x17a: {  	s20 =	simm.s32 $0x9100;
	v3 =	vadd.s32 v1, v3  }
0x17b: {  	[tilespmem:s20], [sflag:$0x3] =	stream.indirect_vreg.gather [hbm4b:s10+s19], $0x80, v4, vm0, $0xb8;
	[tilespmem:$0x1C100] =	vst v63  }
0x17c: {  	s7 =	simm.s32 $0x9900  }
0x17d: {  	[tilespmem:s7], [sflag:$0x3] =	stream.indirect_vreg.gather [hbm4b:s11+s19], $0x80, v4, vm0, $0xb8;
	[tilespmem:$0x1C100] =	vst v63  }
0x17e: {  	s8 =	simm.s32 $0xA100  }
0x17f: {  	[tilespmem:s8], [sflag:$0x3] =	stream.indirect_vreg.gather [hbm4b:s1+s19], $0x80, v3, vm0, $0xb8;
	[tilespmem:$0x1C100] =	vst v63  }
0x180: {  	s13 =	simm.s32 $0xA900  }
0x181: {  	[tilespmem:s13], [sflag:$0x3] =	stream.indirect_vreg.gather [hbm4b:s9+s19], $0x80, v3, vm0, $0xb8;
	[tilespmem:$0x1C100] =	vst v63  }
0x182: {  	s20 =	simm.s32 $0xB100  }
0x183: {  	[tilespmem:s20], [sflag:$0x3] =	stream.indirect_vreg.gather [hbm4b:s10+s19], $0x80, v3, vm0, $0xb8;
	[tilespmem:$0x1C100] =	vst v63  }
0x184: {  	s7 =	simm.s32 $0xB900  }
0x185: {  	[tilespmem:s7], [sflag:$0x3] =	stream.indirect_vreg.gather [hbm4b:s11+s19], $0x80, v3, vm0, $0xb8;
	[tilespmem:$0x1C100] =	vst v63  }
0x186: {  	_ =	swait.ge [sflag:s28], $0x4000  }
0x187: {  	s8 =	simm.s32 $0x0;
	[sflag:s28] =	ssyncset.done $0x0  }
0x188: {  	s6 =	sand.u32 $0x2000, s8;
	[sflag:s28] =	ssyncadd.s32 $0xFFFFC000  }
0x189: {  	s8 =	simm.s32 $0x0;
	s13 =	sand.u32 $0x1C00, s19;
	_ =	swait.ge [sflag:s0], $0x4000  }
0x18a: {  	s6 =	sor.u32 s13, s6;
	s20 =	sand.u32 $0x380, s8;
	[sflag:s0] =	ssyncset.done $0x0  }
0x18b: {  	s20 =	sor.u32 s20, s6;
	[sflag:s0] =	ssyncadd.s32 $0xFFFFC000  }
0x18c: {  	v3 =	vld [tilespmem:s20+$0x18170]  }
0x18d: {  	v8 =	vld [tilespmem:s20+$0x18100]  }
0x18e: {  	v9 =	vld [tilespmem:s20+$0x18110]  }
0x18f: {  	v7 =	vld [tilespmem:s20+$0x18120]  }
0x190: {  	v6 =	vld [tilespmem:s20+$0x18130]  }
0x191: {  	v5 =	vld [tilespmem:s20+$0x18140]  }
0x192: {  	v4 =	vld [tilespmem:s20+$0x18160]  }
0x193: {  	[tilespmem:s20+$0x10170] =	vst.add.f32.msk $0xffff, v3  }
0x194: {  	v3 =	vld [tilespmem:s20+$0x18150]  }
0x195: {  	[tilespmem:s20+$0x10100] =	vst.add.f32.msk $0xffff, v8  }
0x196: {  	s6 =	simm.s32 $0x0;
	[tilespmem:s20+$0x10110] =	vst.add.f32.msk $0xffff, v9  }
.LBB2_10:
0x197: {  	s6 =	sadd.s32 $0x8, s6;
	[tilespmem:s20+$0x10120] =	vst.add.f32.msk $0xffff, v7  }
0x198: {  	s19 =	sadd.s32 $0x400, s19;
	s7 =	sshll.u32 s6, $0x4;
	p0 =	slt.u32 s6, $0x3F8;
	[tilespmem:s20+$0x10130] =	vst.add.f32.msk $0xffff, v6  }
0x199: {  	s8 =	sand.u32 $0x1C00, s19;
	s13 =	sshll.u32 s6, $0x1;
	s7 =	sand.u32 $0x2000, s7;
	[tilespmem:s20+$0x10140] =	vst.add.f32.msk $0xffff, v5  }
0x19a: {  	s7 =	sor.u32 s8, s7;
	s8 =	sand.u32 $0x380, s13;
	[tilespmem:s20+$0x10150] =	vst.add.f32.msk $0xffff, v3  }
0x19b: {  	[tilespmem:s20+$0x10160] =	vst.add.f32.msk $0xffff, v4;
	s20 =	sor.u32 s8, s7  }
0x19c: {  	v3 =	vld [tilespmem:s20+$0x18170]  }
0x19d: {  	v8 =	vld [tilespmem:s20+$0x18100]  }
0x19e: {  	v9 =	vld [tilespmem:s20+$0x18110]  }
0x19f: {  	v7 =	vld [tilespmem:s20+$0x18120]  }
0x1a0: {  	v6 =	vld [tilespmem:s20+$0x18130]  }
0x1a1: {  	[tilespmem:s20+$0x10170] =	vst.add.f32.msk $0xffff, v3  }
.Ltmp4:
0x1a2: {  	v5 =	vld [tilespmem:s20+$0x18140];
	(pc) =	sbr.rel @p0 .LBB2_10-.Ltmp4, $4  }
0x1a3: {  	v3 =	vld [tilespmem:s20+$0x18150]  }
0x1a4: {  	v4 =	vld [tilespmem:s20+$0x18160]  }
0x1a5: {  	[tilespmem:s20+$0x10100] =	vst.add.f32.msk $0xffff, v8  }
0x1a6: {  	[tilespmem:s20+$0x10110] =	vst.add.f32.msk $0xffff, v9  }
0x1a7: {  	[tilespmem:s20+$0x10120] =	vst.add.f32.msk $0xffff, v7  }
0x1a8: {  	[tilespmem:s20+$0x10130] =	vst.add.f32.msk $0xffff, v6  }
0x1a9: {  	[tilespmem:s20+$0x10140] =	vst.add.f32.msk $0xffff, v5  }
0x1aa: {  	[tilespmem:s20+$0x10150] =	vst.add.f32.msk $0xffff, v3  }
0x1ab: {  	[tilespmem:s20+$0x10160] =	vst.add.f32.msk $0xffff, v4  }
0x1ac: {  	s19 =	simm.s32 $0x0;
	s6 =	rddreg [dreg:$0xf]  }
0x1ad: {  	[hbm4b:s6+s19] =	stream.linear.scatter [tilespmem:s30], [sflag:$0xA], $0x4000, $0x38;
	[tilespmem:$0x1C100] =	vst v63  }
0x1ae: {  	_ =	swait.ge [sflag:s12], $0x4000  }
0x1af: {  	[sflag:s12] =	ssyncset.done $0x0  }
0x1b0: {  	[sflag:s12] =	ssyncadd.s32 $0xFFFFC000  }
0x1b1: {  	v3 =	vld [tilespmem:$0x20];
	_ =	sdelay $0x4  }
0x1b2: {  	v4 =	vshll.u32 v3, $0x3  }
0x1b3: {  	v3 =	vand.u32 $0x7, v3;
	v4 =	vand.u32 $0xFFFFFFC0, v4  }
0x1b4: {  	v3 =	vor.u32 v3, v4  }
0x1b5: {  	v4 =	vperm.xlane v3, v0;
	_ =	sdelay $0x1  }
0x1b6: {  	v4 =	vadd.s32 v1, v4;
	_ =	sdelay $0x4  }
0x1b7: {  	[tilespmem:s18], [sflag:$0x4] =	stream.indirect_vreg.gather [hbm4b:s1+s19], $0x80, v4, vm0, $0xb8;
	[tilespmem:$0x1C100] =	vst v63  }
0x1b8: {  	s20 =	simm.s32 $0xC900;
	v3 =	vperm.xlane v3, v2  }
0x1b9: {  	[tilespmem:s20], [sflag:$0x4] =	stream.indirect_vreg.gather [hbm4b:s9+s19], $0x80, v4, vm0, $0xb8;
	[tilespmem:$0x1C100] =	vst v63  }
0x1ba: {  	s7 =	simm.s32 $0xD100;
	v3 =	vadd.s32 v1, v3  }
0x1bb: {  	[tilespmem:s7], [sflag:$0x4] =	stream.indirect_vreg.gather [hbm4b:s10+s19], $0x80, v4, vm0, $0xb8;
	[tilespmem:$0x1C100] =	vst v63  }
0x1bc: {  	s8 =	simm.s32 $0xD900  }
0x1bd: {  	[tilespmem:s8], [sflag:$0x4] =	stream.indirect_vreg.gather [hbm4b:s11+s19], $0x80, v4, vm0, $0xb8;
	[tilespmem:$0x1C100] =	vst v63  }
0x1be: {  	s13 =	simm.s32 $0xE100  }
0x1bf: {  	[tilespmem:s13], [sflag:$0x4] =	stream.indirect_vreg.gather [hbm4b:s1+s19], $0x80, v3, vm0, $0xb8;
	[tilespmem:$0x1C100] =	vst v63  }
0x1c0: {  	s20 =	simm.s32 $0xE900  }
0x1c1: {  	[tilespmem:s20], [sflag:$0x4] =	stream.indirect_vreg.gather [hbm4b:s9+s19], $0x80, v3, vm0, $0xb8;
	[tilespmem:$0x1C100] =	vst v63  }
0x1c2: {  	s7 =	simm.s32 $0xF100;
	s13 =	simm.s32 $0x0  }
0x1c3: {  	[tilespmem:s7], [sflag:$0x4] =	stream.indirect_vreg.gather [hbm4b:s10+s19], $0x80, v3, vm0, $0xb8;
	[tilespmem:$0x1C100] =	vst v63  }
0x1c4: {  	s8 =	simm.s32 $0xF900;
	s6 =	sand.u32 $0x2000, s13  }
0x1c5: {  	[tilespmem:s8], [sflag:$0x4] =	stream.indirect_vreg.gather [hbm4b:s11+s19], $0x80, v3, vm0, $0xb8;
	[tilespmem:$0x1C100] =	vst v63  }
0x1c6: {  	s7 =	sand.u32 $0x1C00, s19;
	s8 =	simm.s32 $0x0;
	_ =	swait.ge [sflag:s29], $0x4000  }
0x1c7: {  	s6 =	sor.u32 s7, s6;
	s20 =	sand.u32 $0x380, s8;
	[sflag:s29] =	ssyncset.done $0x0  }
0x1c8: {  	s20 =	sor.u32 s20, s6;
	[sflag:s29] =	ssyncadd.s32 $0xFFFFC000  }
0x1c9: {  	v3 =	vld [tilespmem:s20+$0x18170]  }
0x1ca: {  	v8 =	vld [tilespmem:s20+$0x18100]  }
0x1cb: {  	v9 =	vld [tilespmem:s20+$0x18110]  }
0x1cc: {  	v7 =	vld [tilespmem:s20+$0x18120]  }
0x1cd: {  	v6 =	vld [tilespmem:s20+$0x18130]  }
0x1ce: {  	v5 =	vld [tilespmem:s20+$0x18140]  }
0x1cf: {  	v4 =	vld [tilespmem:s20+$0x18160]  }
0x1d0: {  	[tilespmem:s20+$0x170] =	vst.add.f32.msk $0xffff, v3  }
0x1d1: {  	v3 =	vld [tilespmem:s20+$0x18150]  }
0x1d2: {  	[tilespmem:s20+$0x100] =	vst.add.f32.msk $0xffff, v8  }
0x1d3: {  	s6 =	simm.s32 $0x0;
	[tilespmem:s20+$0x110] =	vst.add.f32.msk $0xffff, v9  }
.LBB2_12:
0x1d4: {  	s6 =	sadd.s32 $0x8, s6;
	[tilespmem:s20+$0x120] =	vst.add.f32.msk $0xffff, v7  }
0x1d5: {  	s19 =	sadd.s32 $0x400, s19;
	s7 =	sshll.u32 s6, $0x4;
	p0 =	slt.u32 s6, $0x3F8;
	[tilespmem:s20+$0x130] =	vst.add.f32.msk $0xffff, v6  }
0x1d6: {  	s8 =	sand.u32 $0x1C00, s19;
	s13 =	sshll.u32 s6, $0x1;
	s7 =	sand.u32 $0x2000, s7;
	[tilespmem:s20+$0x140] =	vst.add.f32.msk $0xffff, v5  }
0x1d7: {  	s7 =	sor.u32 s8, s7;
	s8 =	sand.u32 $0x380, s13;
	[tilespmem:s20+$0x150] =	vst.add.f32.msk $0xffff, v3  }
0x1d8: {  	[tilespmem:s20+$0x160] =	vst.add.f32.msk $0xffff, v4;
	s20 =	sor.u32 s8, s7  }
0x1d9: {  	v3 =	vld [tilespmem:s20+$0x18170]  }
0x1da: {  	v8 =	vld [tilespmem:s20+$0x18100]  }
0x1db: {  	v9 =	vld [tilespmem:s20+$0x18110]  }
0x1dc: {  	v7 =	vld [tilespmem:s20+$0x18120]  }
0x1dd: {  	v6 =	vld [tilespmem:s20+$0x18130]  }
0x1de: {  	[tilespmem:s20+$0x170] =	vst.add.f32.msk $0xffff, v3  }
.Ltmp5:
0x1df: {  	v5 =	vld [tilespmem:s20+$0x18140];
	(pc) =	sbr.rel @p0 .LBB2_12-.Ltmp5, $4  }
0x1e0: {  	v3 =	vld [tilespmem:s20+$0x18150]  }
0x1e1: {  	v4 =	vld [tilespmem:s20+$0x18160]  }
0x1e2: {  	[tilespmem:s20+$0x100] =	vst.add.f32.msk $0xffff, v8  }
0x1e3: {  	[tilespmem:s20+$0x110] =	vst.add.f32.msk $0xffff, v9  }
0x1e4: {  	[tilespmem:s20+$0x120] =	vst.add.f32.msk $0xffff, v7  }
0x1e5: {  	[tilespmem:s20+$0x130] =	vst.add.f32.msk $0xffff, v6  }
0x1e6: {  	[tilespmem:s20+$0x140] =	vst.add.f32.msk $0xffff, v5  }
0x1e7: {  	[tilespmem:s20+$0x150] =	vst.add.f32.msk $0xffff, v3  }
0x1e8: {  	[tilespmem:s20+$0x160] =	vst.add.f32.msk $0xffff, v4  }
0x1e9: {  	s19 =	simm.s32 $0x0;
	s6 =	rddreg [dreg:$0x10]  }
0x1ea: {  	[hbm4b:s6+s19] =	stream.linear.scatter [tilespmem:s5], [sflag:$0x6], $0x4000, $0x38;
	[tilespmem:$0x1C100] =	vst v63  }
0x1eb: {  	_ =	swait.ge [sflag:s4], $0x4000  }
0x1ec: {  	[sflag:s4] =	ssyncset.done $0x0  }
0x1ed: {  	[sflag:s4] =	ssyncadd.s32 $0xFFFFC000  }
0x1ee: {  	v3 =	vld [tilespmem:$0x60];
	_ =	sdelay $0x4  }
0x1ef: {  	v4 =	vshll.u32 v3, $0x3  }
0x1f0: {  	v3 =	vand.u32 $0x7, v3;
	v4 =	vand.u32 $0xFFFFFFC0, v4  }
0x1f1: {  	v3 =	vor.u32 v3, v4  }
0x1f2: {  	v4 =	vperm.xlane v3, v0;
	_ =	sdelay $0x1  }
0x1f3: {  	v4 =	vadd.s32 v1, v4;
	_ =	sdelay $0x4  }
0x1f4: {  	[tilespmem:s30], [sflag:$0x5] =	stream.indirect_vreg.gather [hbm4b:s1+s19], $0x80, v4, vm0, $0xb8;
	[tilespmem:$0x1C100] =	vst v63  }
0x1f5: {  	s20 =	simm.s32 $0x10900;
	v3 =	vperm.xlane v3, v2  }
0x1f6: {  	[tilespmem:s20], [sflag:$0x5] =	stream.indirect_vreg.gather [hbm4b:s9+s19], $0x80, v4, vm0, $0xb8;
	[tilespmem:$0x1C100] =	vst v63  }
0x1f7: {  	s7 =	simm.s32 $0x11100;
	v3 =	vadd.s32 v1, v3  }
0x1f8: {  	[tilespmem:s7], [sflag:$0x5] =	stream.indirect_vreg.gather [hbm4b:s10+s19], $0x80, v4, vm0, $0xb8;
	[tilespmem:$0x1C100] =	vst v63  }
0x1f9: {  	s8 =	simm.s32 $0x11900  }
0x1fa: {  	[tilespmem:s8], [sflag:$0x5] =	stream.indirect_vreg.gather [hbm4b:s11+s19], $0x80, v4, vm0, $0xb8;
	[tilespmem:$0x1C100] =	vst v63  }
0x1fb: {  	s13 =	simm.s32 $0x12100  }
0x1fc: {  	[tilespmem:s13], [sflag:$0x5] =	stream.indirect_vreg.gather [hbm4b:s1+s19], $0x80, v3, vm0, $0xb8;
	[tilespmem:$0x1C100] =	vst v63  }
0x1fd: {  	s20 =	simm.s32 $0x12900  }
0x1fe: {  	[tilespmem:s20], [sflag:$0x5] =	stream.indirect_vreg.gather [hbm4b:s9+s19], $0x80, v3, vm0, $0xb8;
	[tilespmem:$0x1C100] =	vst v63  }
0x1ff: {  	s7 =	simm.s32 $0x13100;
	s13 =	simm.s32 $0x0  }
0x200: {  	[tilespmem:s7], [sflag:$0x5] =	stream.indirect_vreg.gather [hbm4b:s10+s19], $0x80, v3, vm0, $0xb8;
	[tilespmem:$0x1C100] =	vst v63  }
0x201: {  	s8 =	simm.s32 $0x13900;
	s6 =	sand.u32 $0x2000, s13  }
0x202: {  	[tilespmem:s8], [sflag:$0x5] =	stream.indirect_vreg.gather [hbm4b:s11+s19], $0x80, v3, vm0, $0xb8;
	[tilespmem:$0x1C100] =	vst v63  }
0x203: {  	s7 =	sand.u32 $0x1C00, s19;
	s8 =	simm.s32 $0x0;
	_ =	swait.ge [sflag:s21], $0x4000  }
0x204: {  	s6 =	sor.u32 s7, s6;
	s20 =	sand.u32 $0x380, s8;
	[sflag:s21] =	ssyncset.done $0x0  }
0x205: {  	s20 =	sor.u32 s20, s6;
	[sflag:s21] =	ssyncadd.s32 $0xFFFFC000  }
0x206: {  	v3 =	vld [tilespmem:s20+$0x18170]  }
0x207: {  	v8 =	vld [tilespmem:s20+$0x18100]  }
0x208: {  	v9 =	vld [tilespmem:s20+$0x18110]  }
0x209: {  	v7 =	vld [tilespmem:s20+$0x18120]  }
0x20a: {  	v6 =	vld [tilespmem:s20+$0x18130]  }
0x20b: {  	v5 =	vld [tilespmem:s20+$0x18140]  }
0x20c: {  	v4 =	vld [tilespmem:s20+$0x18160]  }
0x20d: {  	[tilespmem:s20+$0x4170] =	vst.add.f32.msk $0xffff, v3  }
0x20e: {  	v3 =	vld [tilespmem:s20+$0x18150]  }
0x20f: {  	[tilespmem:s20+$0x4100] =	vst.add.f32.msk $0xffff, v8  }
0x210: {  	s6 =	simm.s32 $0x0;
	[tilespmem:s20+$0x4110] =	vst.add.f32.msk $0xffff, v9  }
.LBB2_14:
0x211: {  	s6 =	sadd.s32 $0x8, s6;
	[tilespmem:s20+$0x4120] =	vst.add.f32.msk $0xffff, v7  }
0x212: {  	s19 =	sadd.s32 $0x400, s19;
	s7 =	sshll.u32 s6, $0x4;
	p0 =	slt.u32 s6, $0x3F8;
	[tilespmem:s20+$0x4130] =	vst.add.f32.msk $0xffff, v6  }
0x213: {  	s8 =	sand.u32 $0x1C00, s19;
	s13 =	sshll.u32 s6, $0x1;
	s7 =	sand.u32 $0x2000, s7;
	[tilespmem:s20+$0x4140] =	vst.add.f32.msk $0xffff, v5  }
0x214: {  	s7 =	sor.u32 s8, s7;
	s8 =	sand.u32 $0x380, s13;
	[tilespmem:s20+$0x4150] =	vst.add.f32.msk $0xffff, v3  }
0x215: {  	[tilespmem:s20+$0x4160] =	vst.add.f32.msk $0xffff, v4;
	s20 =	sor.u32 s8, s7  }
0x216: {  	v3 =	vld [tilespmem:s20+$0x18170]  }
0x217: {  	v8 =	vld [tilespmem:s20+$0x18100]  }
0x218: {  	v9 =	vld [tilespmem:s20+$0x18110]  }
0x219: {  	v7 =	vld [tilespmem:s20+$0x18120]  }
0x21a: {  	v6 =	vld [tilespmem:s20+$0x18130]  }
0x21b: {  	[tilespmem:s20+$0x4170] =	vst.add.f32.msk $0xffff, v3  }
.Ltmp6:
0x21c: {  	v5 =	vld [tilespmem:s20+$0x18140];
	(pc) =	sbr.rel @p0 .LBB2_14-.Ltmp6, $4  }
0x21d: {  	v3 =	vld [tilespmem:s20+$0x18150]  }
0x21e: {  	v4 =	vld [tilespmem:s20+$0x18160]  }
0x21f: {  	[tilespmem:s20+$0x4100] =	vst.add.f32.msk $0xffff, v8  }
0x220: {  	[tilespmem:s20+$0x4110] =	vst.add.f32.msk $0xffff, v9  }
0x221: {  	[tilespmem:s20+$0x4120] =	vst.add.f32.msk $0xffff, v7  }
0x222: {  	[tilespmem:s20+$0x4130] =	vst.add.f32.msk $0xffff, v6  }
0x223: {  	[tilespmem:s20+$0x4140] =	vst.add.f32.msk $0xffff, v5  }
0x224: {  	[tilespmem:s20+$0x4150] =	vst.add.f32.msk $0xffff, v3  }
0x225: {  	[tilespmem:s20+$0x4160] =	vst.add.f32.msk $0xffff, v4  }
0x226: {  	s19 =	simm.s32 $0x0;
	s6 =	rddreg [dreg:$0x11]  }
0x227: {  	[hbm4b:s6+s19] =	stream.linear.scatter [tilespmem:s17], [sflag:$0x7], $0x4000, $0x38;
	[tilespmem:$0x1C100] =	vst v63  }
0x228: {  	_ =	swait.ge [sflag:s22], $0x4000  }
0x229: {  	[sflag:s22] =	ssyncset.done $0x0  }
0x22a: {  	[sflag:s22] =	ssyncadd.s32 $0xFFFFC000  }
0x22b: {  	v3 =	vld [tilespmem:$0xA0];
	_ =	sdelay $0x4  }
0x22c: {  	v4 =	vshll.u32 v3, $0x3  }
0x22d: {  	v3 =	vand.u32 $0x7, v3;
	v4 =	vand.u32 $0xFFFFFFC0, v4  }
0x22e: {  	v3 =	vor.u32 v3, v4  }
0x22f: {  	v4 =	vperm.xlane v3, v0;
	_ =	sdelay $0x1  }
0x230: {  	v4 =	vadd.s32 v1, v4;
	_ =	sdelay $0x4  }
0x231: {  	[tilespmem:s5], [sflag:$0x1] =	stream.indirect_vreg.gather [hbm4b:s1+s19], $0x80, v4, vm0, $0xb8;
	[tilespmem:$0x1C100] =	vst v63  }
0x232: {  	s13 =	simm.s32 $0x900;
	v3 =	vperm.xlane v3, v2  }
0x233: {  	[tilespmem:s13], [sflag:$0x1] =	stream.indirect_vreg.gather [hbm4b:s9+s19], $0x80, v4, vm0, $0xb8;
	[tilespmem:$0x1C100] =	vst v63  }
0x234: {  	s20 =	simm.s32 $0x1100;
	v3 =	vadd.s32 v1, v3  }
0x235: {  	[tilespmem:s20], [sflag:$0x1] =	stream.indirect_vreg.gather [hbm4b:s10+s19], $0x80, v4, vm0, $0xb8;
	[tilespmem:$0x1C100] =	vst v63  }
0x236: {  	s7 =	simm.s32 $0x1900  }
0x237: {  	[tilespmem:s7], [sflag:$0x1] =	stream.indirect_vreg.gather [hbm4b:s11+s19], $0x80, v4, vm0, $0xb8;
	[tilespmem:$0x1C100] =	vst v63  }
0x238: {  	s8 =	simm.s32 $0x2100  }
0x239: {  	[tilespmem:s8], [sflag:$0x1] =	stream.indirect_vreg.gather [hbm4b:s1+s19], $0x80, v3, vm0, $0xb8;
	[tilespmem:$0x1C100] =	vst v63  }
0x23a: {  	_ = 	snop  }
0x23b: {  	[tilespmem:s2], [sflag:$0x1] =	stream.indirect_vreg.gather [hbm4b:s9+s19], $0x80, v3, vm0, $0xb8;
	[tilespmem:$0x1C100] =	vst v63  }
0x23c: {  	s13 =	simm.s32 $0x0  }
0x23d: {  	[tilespmem:s14], [sflag:$0x1] =	stream.indirect_vreg.gather [hbm4b:s10+s19], $0x80, v3, vm0, $0xb8;
	[tilespmem:$0x1C100] =	vst v63  }
0x23e: {  	s6 =	sand.u32 $0x2000, s13  }
0x23f: {  	[tilespmem:s15], [sflag:$0x1] =	stream.indirect_vreg.gather [hbm4b:s11+s19], $0x80, v3, vm0, $0xb8;
	[tilespmem:$0x1C100] =	vst v63  }
0x240: {  	s7 =	sand.u32 $0x1C00, s19;
	s8 =	simm.s32 $0x0;
	_ =	swait.ge [sflag:s23], $0x4000  }
0x241: {  	s6 =	sor.u32 s7, s6;
	s20 =	sand.u32 $0x380, s8;
	[sflag:s23] =	ssyncset.done $0x0  }
0x242: {  	s20 =	sor.u32 s20, s6;
	[sflag:s23] =	ssyncadd.s32 $0xFFFFC000  }
0x243: {  	v3 =	vld [tilespmem:s20+$0x18170]  }
0x244: {  	v8 =	vld [tilespmem:s20+$0x18100]  }
0x245: {  	v9 =	vld [tilespmem:s20+$0x18110]  }
0x246: {  	v7 =	vld [tilespmem:s20+$0x18120]  }
0x247: {  	v6 =	vld [tilespmem:s20+$0x18130]  }
0x248: {  	v5 =	vld [tilespmem:s20+$0x18140]  }
0x249: {  	v4 =	vld [tilespmem:s20+$0x18160]  }
0x24a: {  	[tilespmem:s20+$0x8170] =	vst.add.f32.msk $0xffff, v3  }
0x24b: {  	v3 =	vld [tilespmem:s20+$0x18150]  }
0x24c: {  	[tilespmem:s20+$0x8100] =	vst.add.f32.msk $0xffff, v8  }
0x24d: {  	s6 =	simm.s32 $0x0;
	[tilespmem:s20+$0x8110] =	vst.add.f32.msk $0xffff, v9  }
.LBB2_16:
0x24e: {  	s6 =	sadd.s32 $0x8, s6;
	[tilespmem:s20+$0x8120] =	vst.add.f32.msk $0xffff, v7  }
0x24f: {  	s19 =	sadd.s32 $0x400, s19;
	s7 =	sshll.u32 s6, $0x4;
	p0 =	slt.u32 s6, $0x3F8;
	[tilespmem:s20+$0x8130] =	vst.add.f32.msk $0xffff, v6  }
0x250: {  	s8 =	sand.u32 $0x1C00, s19;
	s13 =	sshll.u32 s6, $0x1;
	s7 =	sand.u32 $0x2000, s7;
	[tilespmem:s20+$0x8140] =	vst.add.f32.msk $0xffff, v5  }
0x251: {  	s7 =	sor.u32 s8, s7;
	s8 =	sand.u32 $0x380, s13;
	[tilespmem:s20+$0x8150] =	vst.add.f32.msk $0xffff, v3  }
0x252: {  	[tilespmem:s20+$0x8160] =	vst.add.f32.msk $0xffff, v4;
	s20 =	sor.u32 s8, s7  }
0x253: {  	v3 =	vld [tilespmem:s20+$0x18170]  }
0x254: {  	v8 =	vld [tilespmem:s20+$0x18100]  }
0x255: {  	v9 =	vld [tilespmem:s20+$0x18110]  }
0x256: {  	v7 =	vld [tilespmem:s20+$0x18120]  }
0x257: {  	v6 =	vld [tilespmem:s20+$0x18130]  }
0x258: {  	[tilespmem:s20+$0x8170] =	vst.add.f32.msk $0xffff, v3  }
.Ltmp7:
0x259: {  	v5 =	vld [tilespmem:s20+$0x18140];
	(pc) =	sbr.rel @p0 .LBB2_16-.Ltmp7, $4  }
0x25a: {  	v3 =	vld [tilespmem:s20+$0x18150]  }
0x25b: {  	v4 =	vld [tilespmem:s20+$0x18160]  }
0x25c: {  	[tilespmem:s20+$0x8100] =	vst.add.f32.msk $0xffff, v8  }
0x25d: {  	[tilespmem:s20+$0x8110] =	vst.add.f32.msk $0xffff, v9  }
0x25e: {  	[tilespmem:s20+$0x8120] =	vst.add.f32.msk $0xffff, v7  }
0x25f: {  	[tilespmem:s20+$0x8130] =	vst.add.f32.msk $0xffff, v6  }
0x260: {  	[tilespmem:s20+$0x8140] =	vst.add.f32.msk $0xffff, v5  }
0x261: {  	[tilespmem:s20+$0x8150] =	vst.add.f32.msk $0xffff, v3  }
0x262: {  	[tilespmem:s20+$0x8160] =	vst.add.f32.msk $0xffff, v4  }
0x263: {  	s19 =	simm.s32 $0x0;
	s6 =	rddreg [dreg:$0x16]  }
0x264: {  	[hbm4b:s6+s19] =	stream.linear.scatter [tilespmem:s26], [sflag:$0x8], $0x4000, $0x38;
	[tilespmem:$0x1C100] =	vst v63  }
0x265: {  	s7 =	simm.s32 $0x14100;
	s8 =	rddreg [dreg:$0x12]  }
0x266: {  	[tilespmem:s7], [sflag:$0xB] =	stream.linear.gather [hbm4b:s8+s19], $0x4000, $0x38;
	[tilespmem:$0x1C100] =	vst v63  }
0x267: {  	_ =	swait.ge [sflag:s24], $0x4000  }
0x268: {  	[sflag:s24] =	ssyncset.done $0x0  }
0x269: {  	[sflag:s24] =	ssyncadd.s32 $0xFFFFC000  }
0x26a: {  	v3 =	vld [tilespmem:$0xE0];
	_ =	sdelay $0x4  }
0x26b: {  	v4 =	vshll.u32 v3, $0x3  }
0x26c: {  	v3 =	vand.u32 $0x7, v3;
	v4 =	vand.u32 $0xFFFFFFC0, v4  }
0x26d: {  	v3 =	vor.u32 v3, v4  }
0x26e: {  	v4 =	vperm.xlane v3, v0;
	_ =	sdelay $0x1  }
0x26f: {  	v4 =	vadd.s32 v1, v4;
	_ =	sdelay $0x4  }
0x270: {  	[tilespmem:s17], [sflag:$0x2] =	stream.indirect_vreg.gather [hbm4b:s1+s19], $0x80, v4, vm0, $0xb8;
	[tilespmem:$0x1C100] =	vst v63  }
0x271: {  	s13 =	simm.s32 $0x4900;
	v3 =	vperm.xlane v3, v2  }
0x272: {  	[tilespmem:s13], [sflag:$0x2] =	stream.indirect_vreg.gather [hbm4b:s9+s19], $0x80, v4, vm0, $0xb8;
	[tilespmem:$0x1C100] =	vst v63  }
0x273: {  	s20 =	simm.s32 $0x5100;
	v3 =	vadd.s32 v1, v3  }
0x274: {  	[tilespmem:s20], [sflag:$0x2] =	stream.indirect_vreg.gather [hbm4b:s10+s19], $0x80, v4, vm0, $0xb8;
	[tilespmem:$0x1C100] =	vst v63  }
0x275: {  	s7 =	simm.s32 $0x5900  }
0x276: {  	[tilespmem:s7], [sflag:$0x2] =	stream.indirect_vreg.gather [hbm4b:s11+s19], $0x80, v4, vm0, $0xb8;
	[tilespmem:$0x1C100] =	vst v63  }
0x277: {  	s8 =	simm.s32 $0x6100  }
0x278: {  	[tilespmem:s8], [sflag:$0x2] =	stream.indirect_vreg.gather [hbm4b:s1+s19], $0x80, v3, vm0, $0xb8;
	[tilespmem:$0x1C100] =	vst v63  }
0x279: {  	s13 =	simm.s32 $0x6900  }
0x27a: {  	[tilespmem:s13], [sflag:$0x2] =	stream.indirect_vreg.gather [hbm4b:s9+s19], $0x80, v3, vm0, $0xb8;
	[tilespmem:$0x1C100] =	vst v63  }
0x27b: {  	s20 =	simm.s32 $0x7100  }
0x27c: {  	[tilespmem:s20], [sflag:$0x2] =	stream.indirect_vreg.gather [hbm4b:s10+s19], $0x80, v3, vm0, $0xb8;
	[tilespmem:$0x1C100] =	vst v63  }
0x27d: {  	s7 =	simm.s32 $0x7900  }
0x27e: {  	[tilespmem:s7], [sflag:$0x2] =	stream.indirect_vreg.gather [hbm4b:s11+s19], $0x80, v3, vm0, $0xb8;
	[tilespmem:$0x1C100] =	vst v63  }
0x27f: {  	_ =	swait.ge [sflag:s28], $0x4000  }
0x280: {  	s8 =	simm.s32 $0x0;
	[sflag:s28] =	ssyncset.done $0x0  }
0x281: {  	s6 =	sand.u32 $0x2000, s8;
	[sflag:s28] =	ssyncadd.s32 $0xFFFFC000  }
0x282: {  	s8 =	simm.s32 $0x0;
	s13 =	sand.u32 $0x1C00, s19;
	_ =	swait.ge [sflag:s25], $0x4000  }
0x283: {  	s6 =	sor.u32 s13, s6;
	s20 =	sand.u32 $0x380, s8;
	[sflag:s25] =	ssyncset.done $0x0  }
0x284: {  	s20 =	sor.u32 s20, s6;
	[sflag:s25] =	ssyncadd.s32 $0xFFFFC000  }
0x285: {  	v3 =	vld [tilespmem:s20+$0x14170]  }
0x286: {  	v8 =	vld [tilespmem:s20+$0x14100]  }
0x287: {  	v9 =	vld [tilespmem:s20+$0x14110]  }
0x288: {  	v7 =	vld [tilespmem:s20+$0x14120]  }
0x289: {  	v6 =	vld [tilespmem:s20+$0x14130]  }
0x28a: {  	v5 =	vld [tilespmem:s20+$0x14140]  }
0x28b: {  	v4 =	vld [tilespmem:s20+$0x14160]  }
0x28c: {  	[tilespmem:s20+$0xC170] =	vst.add.f32.msk $0xffff, v3  }
0x28d: {  	v3 =	vld [tilespmem:s20+$0x14150]  }
0x28e: {  	[tilespmem:s20+$0xC100] =	vst.add.f32.msk $0xffff, v8  }
0x28f: {  	s6 =	simm.s32 $0x0;
	[tilespmem:s20+$0xC110] =	vst.add.f32.msk $0xffff, v9  }
.LBB2_18:
0x290: {  	s6 =	sadd.s32 $0x8, s6;
	[tilespmem:s20+$0xC120] =	vst.add.f32.msk $0xffff, v7  }
0x291: {  	s19 =	sadd.s32 $0x400, s19;
	s7 =	sshll.u32 s6, $0x4;
	p0 =	slt.u32 s6, $0x3F8;
	[tilespmem:s20+$0xC130] =	vst.add.f32.msk $0xffff, v6  }
0x292: {  	s8 =	sand.u32 $0x1C00, s19;
	s13 =	sshll.u32 s6, $0x1;
	s7 =	sand.u32 $0x2000, s7;
	[tilespmem:s20+$0xC140] =	vst.add.f32.msk $0xffff, v5  }
0x293: {  	s7 =	sor.u32 s8, s7;
	s8 =	sand.u32 $0x380, s13;
	[tilespmem:s20+$0xC150] =	vst.add.f32.msk $0xffff, v3  }
0x294: {  	[tilespmem:s20+$0xC160] =	vst.add.f32.msk $0xffff, v4;
	s20 =	sor.u32 s8, s7  }
0x295: {  	v3 =	vld [tilespmem:s20+$0x14170]  }
0x296: {  	v8 =	vld [tilespmem:s20+$0x14100]  }
0x297: {  	v9 =	vld [tilespmem:s20+$0x14110]  }
0x298: {  	v7 =	vld [tilespmem:s20+$0x14120]  }
0x299: {  	v6 =	vld [tilespmem:s20+$0x14130]  }
0x29a: {  	[tilespmem:s20+$0xC170] =	vst.add.f32.msk $0xffff, v3  }
.Ltmp8:
0x29b: {  	v5 =	vld [tilespmem:s20+$0x14140];
	(pc) =	sbr.rel @p0 .LBB2_18-.Ltmp8, $4  }
0x29c: {  	v3 =	vld [tilespmem:s20+$0x14150]  }
0x29d: {  	v4 =	vld [tilespmem:s20+$0x14160]  }
0x29e: {  	[tilespmem:s20+$0xC100] =	vst.add.f32.msk $0xffff, v8  }
0x29f: {  	[tilespmem:s20+$0xC110] =	vst.add.f32.msk $0xffff, v9  }
0x2a0: {  	[tilespmem:s20+$0xC120] =	vst.add.f32.msk $0xffff, v7  }
0x2a1: {  	[tilespmem:s20+$0xC130] =	vst.add.f32.msk $0xffff, v6  }
0x2a2: {  	[tilespmem:s20+$0xC140] =	vst.add.f32.msk $0xffff, v5  }
0x2a3: {  	[tilespmem:s20+$0xC150] =	vst.add.f32.msk $0xffff, v3  }
0x2a4: {  	[tilespmem:s20+$0xC160] =	vst.add.f32.msk $0xffff, v4  }
0x2a5: {  	s19 =	simm.s32 $0x0;
	s6 =	rddreg [dreg:$0x13]  }
0x2a6: {  	[hbm4b:s6+s19] =	stream.linear.scatter [tilespmem:s18], [sflag:$0x9], $0x4000, $0x38;
	[tilespmem:$0x1C100] =	vst v63  }
0x2a7: {  	_ =	swait.ge [sflag:s31], $0x4000  }
0x2a8: {  	[sflag:s31] =	ssyncset.done $0x0  }
0x2a9: {  	[sflag:s31] =	ssyncadd.s32 $0xFFFFC000  }
0x2aa: {  	v3 =	vld [tilespmem:$0x30];
	_ =	sdelay $0x4  }
0x2ab: {  	v4 =	vshll.u32 v3, $0x3  }
0x2ac: {  	v3 =	vand.u32 $0x7, v3;
	v4 =	vand.u32 $0xFFFFFFC0, v4  }
0x2ad: {  	v3 =	vor.u32 v3, v4  }
0x2ae: {  	v4 =	vperm.xlane v3, v0;
	_ =	sdelay $0x1  }
0x2af: {  	v4 =	vadd.s32 v1, v4;
	_ =	sdelay $0x4  }
0x2b0: {  	[tilespmem:s26], [sflag:$0x3] =	stream.indirect_vreg.gather [hbm4b:s1+s19], $0x80, v4, vm0, $0xb8;
	[tilespmem:$0x1C100] =	vst v63  }
0x2b1: {  	s20 =	simm.s32 $0x8900;
	v3 =	vperm.xlane v3, v2  }
0x2b2: {  	[tilespmem:s20], [sflag:$0x3] =	stream.indirect_vreg.gather [hbm4b:s9+s19], $0x80, v4, vm0, $0xb8;
	[tilespmem:$0x1C100] =	vst v63  }
0x2b3: {  	s7 =	simm.s32 $0x9100;
	v3 =	vadd.s32 v1, v3  }
0x2b4: {  	[tilespmem:s7], [sflag:$0x3] =	stream.indirect_vreg.gather [hbm4b:s10+s19], $0x80, v4, vm0, $0xb8;
	[tilespmem:$0x1C100] =	vst v63  }
0x2b5: {  	s8 =	simm.s32 $0x9900  }
0x2b6: {  	[tilespmem:s8], [sflag:$0x3] =	stream.indirect_vreg.gather [hbm4b:s11+s19], $0x80, v4, vm0, $0xb8;
	[tilespmem:$0x1C100] =	vst v63  }
0x2b7: {  	s13 =	simm.s32 $0xA100  }
0x2b8: {  	[tilespmem:s13], [sflag:$0x3] =	stream.indirect_vreg.gather [hbm4b:s1+s19], $0x80, v3, vm0, $0xb8;
	[tilespmem:$0x1C100] =	vst v63  }
0x2b9: {  	s20 =	simm.s32 $0xA900  }
0x2ba: {  	[tilespmem:s20], [sflag:$0x3] =	stream.indirect_vreg.gather [hbm4b:s9+s19], $0x80, v3, vm0, $0xb8;
	[tilespmem:$0x1C100] =	vst v63  }
0x2bb: {  	s7 =	simm.s32 $0xB100;
	s13 =	simm.s32 $0x0  }
0x2bc: {  	[tilespmem:s7], [sflag:$0x3] =	stream.indirect_vreg.gather [hbm4b:s10+s19], $0x80, v3, vm0, $0xb8;
	[tilespmem:$0x1C100] =	vst v63  }
0x2bd: {  	s8 =	simm.s32 $0xB900;
	s6 =	sand.u32 $0x2000, s13  }
0x2be: {  	[tilespmem:s8], [sflag:$0x3] =	stream.indirect_vreg.gather [hbm4b:s11+s19], $0x80, v3, vm0, $0xb8;
	[tilespmem:$0x1C100] =	vst v63  }
0x2bf: {  	s7 =	sand.u32 $0x1C00, s19;
	s8 =	simm.s32 $0x0;
	_ =	swait.ge [sflag:s0], $0x4000  }
0x2c0: {  	s6 =	sor.u32 s7, s6;
	s20 =	sand.u32 $0x380, s8;
	[sflag:s0] =	ssyncset.done $0x0  }
0x2c1: {  	s20 =	sor.u32 s20, s6;
	[sflag:s0] =	ssyncadd.s32 $0xFFFFC000  }
0x2c2: {  	v3 =	vld [tilespmem:s20+$0x14170]  }
0x2c3: {  	v8 =	vld [tilespmem:s20+$0x14100]  }
0x2c4: {  	v9 =	vld [tilespmem:s20+$0x14110]  }
0x2c5: {  	v7 =	vld [tilespmem:s20+$0x14120]  }
0x2c6: {  	v6 =	vld [tilespmem:s20+$0x14130]  }
0x2c7: {  	v5 =	vld [tilespmem:s20+$0x14140]  }
0x2c8: {  	v4 =	vld [tilespmem:s20+$0x14160]  }
0x2c9: {  	[tilespmem:s20+$0x10170] =	vst.add.f32.msk $0xffff, v3  }
0x2ca: {  	v3 =	vld [tilespmem:s20+$0x14150]  }
0x2cb: {  	[tilespmem:s20+$0x10100] =	vst.add.f32.msk $0xffff, v8  }
0x2cc: {  	s6 =	simm.s32 $0x0;
	[tilespmem:s20+$0x10110] =	vst.add.f32.msk $0xffff, v9  }
.LBB2_20:
0x2cd: {  	s6 =	sadd.s32 $0x8, s6;
	[tilespmem:s20+$0x10120] =	vst.add.f32.msk $0xffff, v7  }
0x2ce: {  	s19 =	sadd.s32 $0x400, s19;
	s7 =	sshll.u32 s6, $0x4;
	p0 =	slt.u32 s6, $0x3F8;
	[tilespmem:s20+$0x10130] =	vst.add.f32.msk $0xffff, v6  }
0x2cf: {  	s8 =	sand.u32 $0x1C00, s19;
	s13 =	sshll.u32 s6, $0x1;
	s7 =	sand.u32 $0x2000, s7;
	[tilespmem:s20+$0x10140] =	vst.add.f32.msk $0xffff, v5  }
0x2d0: {  	s7 =	sor.u32 s8, s7;
	s8 =	sand.u32 $0x380, s13;
	[tilespmem:s20+$0x10150] =	vst.add.f32.msk $0xffff, v3  }
0x2d1: {  	[tilespmem:s20+$0x10160] =	vst.add.f32.msk $0xffff, v4;
	s20 =	sor.u32 s8, s7  }
0x2d2: {  	v3 =	vld [tilespmem:s20+$0x14170]  }
0x2d3: {  	v8 =	vld [tilespmem:s20+$0x14100]  }
0x2d4: {  	v9 =	vld [tilespmem:s20+$0x14110]  }
0x2d5: {  	v7 =	vld [tilespmem:s20+$0x14120]  }
0x2d6: {  	v6 =	vld [tilespmem:s20+$0x14130]  }
0x2d7: {  	[tilespmem:s20+$0x10170] =	vst.add.f32.msk $0xffff, v3  }
.Ltmp9:
0x2d8: {  	v5 =	vld [tilespmem:s20+$0x14140];
	(pc) =	sbr.rel @p0 .LBB2_20-.Ltmp9, $4  }
0x2d9: {  	v3 =	vld [tilespmem:s20+$0x14150]  }
0x2da: {  	v4 =	vld [tilespmem:s20+$0x14160]  }
0x2db: {  	[tilespmem:s20+$0x10100] =	vst.add.f32.msk $0xffff, v8  }
0x2dc: {  	[tilespmem:s20+$0x10110] =	vst.add.f32.msk $0xffff, v9  }
0x2dd: {  	[tilespmem:s20+$0x10120] =	vst.add.f32.msk $0xffff, v7  }
0x2de: {  	[tilespmem:s20+$0x10130] =	vst.add.f32.msk $0xffff, v6  }
0x2df: {  	[tilespmem:s20+$0x10140] =	vst.add.f32.msk $0xffff, v5  }
0x2e0: {  	[tilespmem:s20+$0x10150] =	vst.add.f32.msk $0xffff, v3  }
0x2e1: {  	[tilespmem:s20+$0x10160] =	vst.add.f32.msk $0xffff, v4  }
0x2e2: {  	s19 =	simm.s32 $0x0;
	s6 =	rddreg [dreg:$0x18]  }
0x2e3: {  	[hbm4b:s6+s19] =	stream.linear.scatter [tilespmem:s30], [sflag:$0xA], $0x4000, $0x38;
	[tilespmem:$0x1C100] =	vst v63  }
0x2e4: {  	_ =	swait.ge [sflag:s12], $0x4000  }
0x2e5: {  	[sflag:s12] =	ssyncset.done $0x0  }
0x2e6: {  	[sflag:s12] =	ssyncadd.s32 $0xFFFFC000  }
0x2e7: {  	v3 =	vld [tilespmem:$0x70];
	_ =	sdelay $0x4  }
0x2e8: {  	v4 =	vshll.u32 v3, $0x3  }
0x2e9: {  	v3 =	vand.u32 $0x7, v3;
	v4 =	vand.u32 $0xFFFFFFC0, v4  }
0x2ea: {  	v3 =	vor.u32 v3, v4  }
0x2eb: {  	v4 =	vperm.xlane v3, v0;
	_ =	sdelay $0x1  }
0x2ec: {  	v4 =	vadd.s32 v1, v4;
	_ =	sdelay $0x4  }
0x2ed: {  	[tilespmem:s18], [sflag:$0x4] =	stream.indirect_vreg.gather [hbm4b:s1+s19], $0x80, v4, vm0, $0xb8;
	[tilespmem:$0x1C100] =	vst v63  }
0x2ee: {  	s20 =	simm.s32 $0xC900;
	v3 =	vperm.xlane v3, v2  }
0x2ef: {  	[tilespmem:s20], [sflag:$0x4] =	stream.indirect_vreg.gather [hbm4b:s9+s19], $0x80, v4, vm0, $0xb8;
	[tilespmem:$0x1C100] =	vst v63  }
0x2f0: {  	s7 =	simm.s32 $0xD100;
	v3 =	vadd.s32 v1, v3  }
0x2f1: {  	[tilespmem:s7], [sflag:$0x4] =	stream.indirect_vreg.gather [hbm4b:s10+s19], $0x80, v4, vm0, $0xb8;
	[tilespmem:$0x1C100] =	vst v63  }
0x2f2: {  	s8 =	simm.s32 $0xD900  }
0x2f3: {  	[tilespmem:s8], [sflag:$0x4] =	stream.indirect_vreg.gather [hbm4b:s11+s19], $0x80, v4, vm0, $0xb8;
	[tilespmem:$0x1C100] =	vst v63  }
0x2f4: {  	s13 =	simm.s32 $0xE100  }
0x2f5: {  	[tilespmem:s13], [sflag:$0x4] =	stream.indirect_vreg.gather [hbm4b:s1+s19], $0x80, v3, vm0, $0xb8;
	[tilespmem:$0x1C100] =	vst v63  }
0x2f6: {  	s20 =	simm.s32 $0xE900  }
0x2f7: {  	[tilespmem:s20], [sflag:$0x4] =	stream.indirect_vreg.gather [hbm4b:s9+s19], $0x80, v3, vm0, $0xb8;
	[tilespmem:$0x1C100] =	vst v63  }
0x2f8: {  	s7 =	simm.s32 $0xF100;
	s13 =	simm.s32 $0x0  }
0x2f9: {  	[tilespmem:s7], [sflag:$0x4] =	stream.indirect_vreg.gather [hbm4b:s10+s19], $0x80, v3, vm0, $0xb8;
	[tilespmem:$0x1C100] =	vst v63  }
0x2fa: {  	s8 =	simm.s32 $0xF900;
	s6 =	sand.u32 $0x2000, s13  }
0x2fb: {  	[tilespmem:s8], [sflag:$0x4] =	stream.indirect_vreg.gather [hbm4b:s11+s19], $0x80, v3, vm0, $0xb8;
	[tilespmem:$0x1C100] =	vst v63  }
0x2fc: {  	s7 =	sand.u32 $0x1C00, s19;
	s8 =	simm.s32 $0x0;
	_ =	swait.ge [sflag:s29], $0x4000  }
0x2fd: {  	s6 =	sor.u32 s7, s6;
	s20 =	sand.u32 $0x380, s8;
	[sflag:s29] =	ssyncset.done $0x0  }
0x2fe: {  	s20 =	sor.u32 s20, s6;
	[sflag:s29] =	ssyncadd.s32 $0xFFFFC000  }
0x2ff: {  	v3 =	vld [tilespmem:s20+$0x14170]  }
0x300: {  	v8 =	vld [tilespmem:s20+$0x14100]  }
0x301: {  	v9 =	vld [tilespmem:s20+$0x14110]  }
0x302: {  	v7 =	vld [tilespmem:s20+$0x14120]  }
0x303: {  	v6 =	vld [tilespmem:s20+$0x14130]  }
0x304: {  	v5 =	vld [tilespmem:s20+$0x14140]  }
0x305: {  	v4 =	vld [tilespmem:s20+$0x14160]  }
0x306: {  	[tilespmem:s20+$0x170] =	vst.add.f32.msk $0xffff, v3  }
0x307: {  	v3 =	vld [tilespmem:s20+$0x14150]  }
0x308: {  	[tilespmem:s20+$0x100] =	vst.add.f32.msk $0xffff, v8  }
0x309: {  	s6 =	simm.s32 $0x0;
	[tilespmem:s20+$0x110] =	vst.add.f32.msk $0xffff, v9  }
.LBB2_22:
0x30a: {  	s6 =	sadd.s32 $0x8, s6;
	[tilespmem:s20+$0x120] =	vst.add.f32.msk $0xffff, v7  }
0x30b: {  	s19 =	sadd.s32 $0x400, s19;
	s7 =	sshll.u32 s6, $0x4;
	p0 =	slt.u32 s6, $0x3F8;
	[tilespmem:s20+$0x130] =	vst.add.f32.msk $0xffff, v6  }
0x30c: {  	s8 =	sand.u32 $0x1C00, s19;
	s13 =	sshll.u32 s6, $0x1;
	s7 =	sand.u32 $0x2000, s7;
	[tilespmem:s20+$0x140] =	vst.add.f32.msk $0xffff, v5  }
0x30d: {  	s7 =	sor.u32 s8, s7;
	s8 =	sand.u32 $0x380, s13;
	[tilespmem:s20+$0x150] =	vst.add.f32.msk $0xffff, v3  }
0x30e: {  	[tilespmem:s20+$0x160] =	vst.add.f32.msk $0xffff, v4;
	s20 =	sor.u32 s8, s7  }
0x30f: {  	v3 =	vld [tilespmem:s20+$0x14170]  }
0x310: {  	v8 =	vld [tilespmem:s20+$0x14100]  }
0x311: {  	v9 =	vld [tilespmem:s20+$0x14110]  }
0x312: {  	v7 =	vld [tilespmem:s20+$0x14120]  }
0x313: {  	v6 =	vld [tilespmem:s20+$0x14130]  }
0x314: {  	[tilespmem:s20+$0x170] =	vst.add.f32.msk $0xffff, v3  }
.Ltmp10:
0x315: {  	v5 =	vld [tilespmem:s20+$0x14140];
	(pc) =	sbr.rel @p0 .LBB2_22-.Ltmp10, $4  }
0x316: {  	v3 =	vld [tilespmem:s20+$0x14150]  }
0x317: {  	v4 =	vld [tilespmem:s20+$0x14160]  }
0x318: {  	[tilespmem:s20+$0x100] =	vst.add.f32.msk $0xffff, v8  }
0x319: {  	[tilespmem:s20+$0x110] =	vst.add.f32.msk $0xffff, v9  }
0x31a: {  	[tilespmem:s20+$0x120] =	vst.add.f32.msk $0xffff, v7  }
0x31b: {  	[tilespmem:s20+$0x130] =	vst.add.f32.msk $0xffff, v6  }
0x31c: {  	[tilespmem:s20+$0x140] =	vst.add.f32.msk $0xffff, v5  }
0x31d: {  	[tilespmem:s20+$0x150] =	vst.add.f32.msk $0xffff, v3  }
0x31e: {  	[tilespmem:s20+$0x160] =	vst.add.f32.msk $0xffff, v4  }
0x31f: {  	s19 =	simm.s32 $0x0;
	s6 =	rddreg [dreg:$0x19]  }
0x320: {  	[hbm4b:s6+s19] =	stream.linear.scatter [tilespmem:s5], [sflag:$0x6], $0x4000, $0x38;
	[tilespmem:$0x1C100] =	vst v63  }
0x321: {  	_ =	swait.ge [sflag:s4], $0x4000  }
0x322: {  	[sflag:s4] =	ssyncset.done $0x0  }
0x323: {  	[sflag:s4] =	ssyncadd.s32 $0xFFFFC000  }
0x324: {  	v3 =	vld [tilespmem:$0xB0];
	_ =	sdelay $0x4  }
0x325: {  	v4 =	vshll.u32 v3, $0x3  }
0x326: {  	v3 =	vand.u32 $0x7, v3;
	v4 =	vand.u32 $0xFFFFFFC0, v4  }
0x327: {  	v3 =	vor.u32 v3, v4  }
0x328: {  	v4 =	vperm.xlane v3, v0;
	_ =	sdelay $0x1  }
0x329: {  	v4 =	vadd.s32 v1, v4;
	_ =	sdelay $0x4  }
0x32a: {  	[tilespmem:s30], [sflag:$0x5] =	stream.indirect_vreg.gather [hbm4b:s1+s19], $0x80, v4, vm0, $0xb8;
	[tilespmem:$0x1C100] =	vst v63  }
0x32b: {  	s20 =	simm.s32 $0x10900;
	v3 =	vperm.xlane v3, v2  }
0x32c: {  	[tilespmem:s20], [sflag:$0x5] =	stream.indirect_vreg.gather [hbm4b:s9+s19], $0x80, v4, vm0, $0xb8;
	[tilespmem:$0x1C100] =	vst v63  }
0x32d: {  	s7 =	simm.s32 $0x11100;
	v3 =	vadd.s32 v1, v3  }
0x32e: {  	[tilespmem:s7], [sflag:$0x5] =	stream.indirect_vreg.gather [hbm4b:s10+s19], $0x80, v4, vm0, $0xb8;
	[tilespmem:$0x1C100] =	vst v63  }
0x32f: {  	s8 =	simm.s32 $0x11900  }
0x330: {  	[tilespmem:s8], [sflag:$0x5] =	stream.indirect_vreg.gather [hbm4b:s11+s19], $0x80, v4, vm0, $0xb8;
	[tilespmem:$0x1C100] =	vst v63  }
0x331: {  	s13 =	simm.s32 $0x12100  }
0x332: {  	[tilespmem:s13], [sflag:$0x5] =	stream.indirect_vreg.gather [hbm4b:s1+s19], $0x80, v3, vm0, $0xb8;
	[tilespmem:$0x1C100] =	vst v63  }
0x333: {  	s20 =	simm.s32 $0x12900  }
0x334: {  	[tilespmem:s20], [sflag:$0x5] =	stream.indirect_vreg.gather [hbm4b:s9+s19], $0x80, v3, vm0, $0xb8;
	[tilespmem:$0x1C100] =	vst v63  }
0x335: {  	s7 =	simm.s32 $0x13100;
	s13 =	simm.s32 $0x0  }
0x336: {  	[tilespmem:s7], [sflag:$0x5] =	stream.indirect_vreg.gather [hbm4b:s10+s19], $0x80, v3, vm0, $0xb8;
	[tilespmem:$0x1C100] =	vst v63  }
0x337: {  	s8 =	simm.s32 $0x13900;
	s6 =	sand.u32 $0x2000, s13  }
0x338: {  	[tilespmem:s8], [sflag:$0x5] =	stream.indirect_vreg.gather [hbm4b:s11+s19], $0x80, v3, vm0, $0xb8;
	[tilespmem:$0x1C100] =	vst v63  }
0x339: {  	s7 =	sand.u32 $0x1C00, s19;
	s8 =	simm.s32 $0x0;
	_ =	swait.ge [sflag:s21], $0x4000  }
0x33a: {  	s6 =	sor.u32 s7, s6;
	s20 =	sand.u32 $0x380, s8;
	[sflag:s21] =	ssyncset.done $0x0  }
0x33b: {  	s20 =	sor.u32 s20, s6;
	[sflag:s21] =	ssyncadd.s32 $0xFFFFC000  }
0x33c: {  	v3 =	vld [tilespmem:s20+$0x14170]  }
0x33d: {  	v8 =	vld [tilespmem:s20+$0x14100]  }
0x33e: {  	v9 =	vld [tilespmem:s20+$0x14110]  }
0x33f: {  	v7 =	vld [tilespmem:s20+$0x14120]  }
0x340: {  	v6 =	vld [tilespmem:s20+$0x14130]  }
0x341: {  	v5 =	vld [tilespmem:s20+$0x14140]  }
0x342: {  	v4 =	vld [tilespmem:s20+$0x14160]  }
0x343: {  	[tilespmem:s20+$0x4170] =	vst.add.f32.msk $0xffff, v3  }
0x344: {  	v3 =	vld [tilespmem:s20+$0x14150]  }
0x345: {  	[tilespmem:s20+$0x4100] =	vst.add.f32.msk $0xffff, v8  }
0x346: {  	s6 =	simm.s32 $0x0;
	[tilespmem:s20+$0x4110] =	vst.add.f32.msk $0xffff, v9  }
.LBB2_24:
0x347: {  	s6 =	sadd.s32 $0x8, s6;
	[tilespmem:s20+$0x4120] =	vst.add.f32.msk $0xffff, v7  }
0x348: {  	s19 =	sadd.s32 $0x400, s19;
	s7 =	sshll.u32 s6, $0x4;
	p0 =	slt.u32 s6, $0x3F8;
	[tilespmem:s20+$0x4130] =	vst.add.f32.msk $0xffff, v6  }
0x349: {  	s8 =	sand.u32 $0x1C00, s19;
	s13 =	sshll.u32 s6, $0x1;
	s7 =	sand.u32 $0x2000, s7;
	[tilespmem:s20+$0x4140] =	vst.add.f32.msk $0xffff, v5  }
0x34a: {  	s7 =	sor.u32 s8, s7;
	s8 =	sand.u32 $0x380, s13;
	[tilespmem:s20+$0x4150] =	vst.add.f32.msk $0xffff, v3  }
0x34b: {  	[tilespmem:s20+$0x4160] =	vst.add.f32.msk $0xffff, v4;
	s20 =	sor.u32 s8, s7  }
0x34c: {  	v3 =	vld [tilespmem:s20+$0x14170]  }
0x34d: {  	v8 =	vld [tilespmem:s20+$0x14100]  }
0x34e: {  	v9 =	vld [tilespmem:s20+$0x14110]  }
0x34f: {  	v7 =	vld [tilespmem:s20+$0x14120]  }
0x350: {  	v6 =	vld [tilespmem:s20+$0x14130]  }
0x351: {  	[tilespmem:s20+$0x4170] =	vst.add.f32.msk $0xffff, v3  }
.Ltmp11:
0x352: {  	v5 =	vld [tilespmem:s20+$0x14140];
	(pc) =	sbr.rel @p0 .LBB2_24-.Ltmp11, $4  }
0x353: {  	v3 =	vld [tilespmem:s20+$0x14150]  }
0x354: {  	v4 =	vld [tilespmem:s20+$0x14160]  }
0x355: {  	[tilespmem:s20+$0x4100] =	vst.add.f32.msk $0xffff, v8  }
0x356: {  	[tilespmem:s20+$0x4110] =	vst.add.f32.msk $0xffff, v9  }
0x357: {  	[tilespmem:s20+$0x4120] =	vst.add.f32.msk $0xffff, v7  }
0x358: {  	[tilespmem:s20+$0x4130] =	vst.add.f32.msk $0xffff, v6  }
0x359: {  	[tilespmem:s20+$0x4140] =	vst.add.f32.msk $0xffff, v5  }
0x35a: {  	[tilespmem:s20+$0x4150] =	vst.add.f32.msk $0xffff, v3  }
0x35b: {  	[tilespmem:s20+$0x4160] =	vst.add.f32.msk $0xffff, v4  }
0x35c: {  	s19 =	simm.s32 $0x0;
	s6 =	rddreg [dreg:$0x1a]  }
0x35d: {  	[hbm4b:s6+s19] =	stream.linear.scatter [tilespmem:s17], [sflag:$0x7], $0x4000, $0x38;
	[tilespmem:$0x1C100] =	vst v63  }
0x35e: {  	s7 =	simm.s32 $0x18100;
	s20 =	rddreg [dreg:$0x14]  }
0x35f: {  	[tilespmem:s7], [sflag:$0xB] =	stream.linear.gather [hbm4b:s20+s19], $0x4000, $0x38;
	[tilespmem:$0x1C100] =	vst v63  }
0x360: {  	_ =	swait.ge [sflag:s22], $0x4000  }
0x361: {  	[sflag:s22] =	ssyncset.done $0x0  }
0x362: {  	[sflag:s22] =	ssyncadd.s32 $0xFFFFC000  }
0x363: {  	v3 =	vld [tilespmem:$0xF0];
	_ =	sdelay $0x4  }
0x364: {  	v4 =	vshll.u32 v3, $0x3  }
0x365: {  	v3 =	vand.u32 $0x7, v3;
	v4 =	vand.u32 $0xFFFFFFC0, v4  }
0x366: {  	v3 =	vor.u32 v3, v4  }
0x367: {  	v4 =	vperm.xlane v3, v0;
	_ =	sdelay $0x1  }
0x368: {  	v4 =	vadd.s32 v1, v4;
	_ =	sdelay $0x4  }
0x369: {  	[tilespmem:s5], [sflag:$0x1] =	stream.indirect_vreg.gather [hbm4b:s1+s19], $0x80, v4, vm0, $0xb8;
	[tilespmem:$0x1C100] =	vst v63  }
0x36a: {  	s8 =	simm.s32 $0x900;
	v3 =	vperm.xlane v3, v2  }
0x36b: {  	[tilespmem:s8], [sflag:$0x1] =	stream.indirect_vreg.gather [hbm4b:s9+s19], $0x80, v4, vm0, $0xb8;
	[tilespmem:$0x1C100] =	vst v63  }
0x36c: {  	s13 =	simm.s32 $0x1100;
	v3 =	vadd.s32 v1, v3  }
0x36d: {  	[tilespmem:s13], [sflag:$0x1] =	stream.indirect_vreg.gather [hbm4b:s10+s19], $0x80, v4, vm0, $0xb8;
	[tilespmem:$0x1C100] =	vst v63  }
0x36e: {  	s20 =	simm.s32 $0x1900  }
0x36f: {  	[tilespmem:s20], [sflag:$0x1] =	stream.indirect_vreg.gather [hbm4b:s11+s19], $0x80, v4, vm0, $0xb8;
	[tilespmem:$0x1C100] =	vst v63  }
0x370: {  	s7 =	simm.s32 $0x2100  }
0x371: {  	[tilespmem:s7], [sflag:$0x1] =	stream.indirect_vreg.gather [hbm4b:s1+s19], $0x80, v3, vm0, $0xb8;
	[tilespmem:$0x1C100] =	vst v63  }
0x372: {  	_ = 	snop  }
0x373: {  	[tilespmem:s2], [sflag:$0x1] =	stream.indirect_vreg.gather [hbm4b:s9+s19], $0x80, v3, vm0, $0xb8;
	[tilespmem:$0x1C100] =	vst v63  }
0x374: {  	_ = 	snop  }
0x375: {  	[tilespmem:s14], [sflag:$0x1] =	stream.indirect_vreg.gather [hbm4b:s10+s19], $0x80, v3, vm0, $0xb8;
	[tilespmem:$0x1C100] =	vst v63  }
0x376: {  	_ = 	snop  }
0x377: {  	[tilespmem:s15], [sflag:$0x1] =	stream.indirect_vreg.gather [hbm4b:s11+s19], $0x80, v3, vm0, $0xb8;
	[tilespmem:$0x1C100] =	vst v63  }
0x378: {  	_ =	swait.ge [sflag:s28], $0x4000  }
0x379: {  	s8 =	simm.s32 $0x0;
	[sflag:s28] =	ssyncset.done $0x0  }
0x37a: {  	s6 =	sand.u32 $0x2000, s8;
	[sflag:s28] =	ssyncadd.s32 $0xFFFFC000  }
0x37b: {  	s8 =	simm.s32 $0x0;
	s13 =	sand.u32 $0x1C00, s19;
	_ =	swait.ge [sflag:s23], $0x4000  }
0x37c: {  	s6 =	sor.u32 s13, s6;
	s20 =	sand.u32 $0x380, s8;
	[sflag:s23] =	ssyncset.done $0x0  }
0x37d: {  	s20 =	sor.u32 s20, s6;
	[sflag:s23] =	ssyncadd.s32 $0xFFFFC000  }
0x37e: {  	v3 =	vld [tilespmem:s20+$0x18170]  }
0x37f: {  	v8 =	vld [tilespmem:s20+$0x18100]  }
0x380: {  	v9 =	vld [tilespmem:s20+$0x18110]  }
0x381: {  	v7 =	vld [tilespmem:s20+$0x18120]  }
0x382: {  	v6 =	vld [tilespmem:s20+$0x18130]  }
0x383: {  	v5 =	vld [tilespmem:s20+$0x18140]  }
0x384: {  	v4 =	vld [tilespmem:s20+$0x18160]  }
0x385: {  	[tilespmem:s20+$0x8170] =	vst.add.f32.msk $0xffff, v3  }
0x386: {  	v3 =	vld [tilespmem:s20+$0x18150]  }
0x387: {  	[tilespmem:s20+$0x8100] =	vst.add.f32.msk $0xffff, v8  }
0x388: {  	s6 =	simm.s32 $0x0;
	[tilespmem:s20+$0x8110] =	vst.add.f32.msk $0xffff, v9  }
.LBB2_26:
0x389: {  	s6 =	sadd.s32 $0x8, s6;
	[tilespmem:s20+$0x8120] =	vst.add.f32.msk $0xffff, v7  }
0x38a: {  	s19 =	sadd.s32 $0x400, s19;
	s7 =	sshll.u32 s6, $0x4;
	p0 =	slt.u32 s6, $0x3F8;
	[tilespmem:s20+$0x8130] =	vst.add.f32.msk $0xffff, v6  }
0x38b: {  	s8 =	sand.u32 $0x1C00, s19;
	s13 =	sshll.u32 s6, $0x1;
	s7 =	sand.u32 $0x2000, s7;
	[tilespmem:s20+$0x8140] =	vst.add.f32.msk $0xffff, v5  }
0x38c: {  	s7 =	sor.u32 s8, s7;
	s8 =	sand.u32 $0x380, s13;
	[tilespmem:s20+$0x8150] =	vst.add.f32.msk $0xffff, v3  }
0x38d: {  	[tilespmem:s20+$0x8160] =	vst.add.f32.msk $0xffff, v4;
	s20 =	sor.u32 s8, s7  }
0x38e: {  	v3 =	vld [tilespmem:s20+$0x18170]  }
0x38f: {  	v8 =	vld [tilespmem:s20+$0x18100]  }
0x390: {  	v9 =	vld [tilespmem:s20+$0x18110]  }
0x391: {  	v7 =	vld [tilespmem:s20+$0x18120]  }
0x392: {  	v6 =	vld [tilespmem:s20+$0x18130]  }
0x393: {  	[tilespmem:s20+$0x8170] =	vst.add.f32.msk $0xffff, v3  }
.Ltmp12:
0x394: {  	v5 =	vld [tilespmem:s20+$0x18140];
	(pc) =	sbr.rel @p0 .LBB2_26-.Ltmp12, $4  }
0x395: {  	v3 =	vld [tilespmem:s20+$0x18150]  }
0x396: {  	v4 =	vld [tilespmem:s20+$0x18160]  }
0x397: {  	[tilespmem:s20+$0x8100] =	vst.add.f32.msk $0xffff, v8  }
0x398: {  	[tilespmem:s20+$0x8110] =	vst.add.f32.msk $0xffff, v9  }
0x399: {  	[tilespmem:s20+$0x8120] =	vst.add.f32.msk $0xffff, v7  }
0x39a: {  	[tilespmem:s20+$0x8130] =	vst.add.f32.msk $0xffff, v6  }
0x39b: {  	[tilespmem:s20+$0x8140] =	vst.add.f32.msk $0xffff, v5  }
0x39c: {  	[tilespmem:s20+$0x8150] =	vst.add.f32.msk $0xffff, v3  }
0x39d: {  	s19 =	simm.s32 $0x0;
	[tilespmem:s20+$0x8160] =	vst.add.f32.msk $0xffff, v4  }
0x39e: {  	s13 =	simm.s32 $0x0;
	s8 =	simm.s32 $0x0;
	s6 =	rddreg [dreg:$0x15]  }
0x39f: {  	[hbm4b:s6+s19] =	stream.linear.scatter [tilespmem:s26], [sflag:$0x8], $0x4000, $0x38;
	[tilespmem:$0x1C100] =	vst v63  }
0x3a0: {  	s7 =	sand.u32 $0x1C00, s19;
	s6 =	sand.u32 $0x2000, s13;
	_ =	swait.ge [sflag:s25], $0x4000  }
0x3a1: {  	s20 =	sand.u32 $0x380, s8;
	s6 =	sor.u32 s7, s6;
	[sflag:s25] =	ssyncset.done $0x0  }
0x3a2: {  	s20 =	sor.u32 s20, s6;
	[sflag:s25] =	ssyncadd.s32 $0xFFFFC000  }
0x3a3: {  	v3 =	vld [tilespmem:s20+$0x18170]  }
0x3a4: {  	v8 =	vld [tilespmem:s20+$0x18100]  }
0x3a5: {  	v9 =	vld [tilespmem:s20+$0x18110]  }
0x3a6: {  	v7 =	vld [tilespmem:s20+$0x18120]  }
0x3a7: {  	v6 =	vld [tilespmem:s20+$0x18130]  }
0x3a8: {  	v5 =	vld [tilespmem:s20+$0x18140]  }
0x3a9: {  	v4 =	vld [tilespmem:s20+$0x18160]  }
0x3aa: {  	[tilespmem:s20+$0xC170] =	vst.add.f32.msk $0xffff, v3  }
0x3ab: {  	v3 =	vld [tilespmem:s20+$0x18150]  }
0x3ac: {  	[tilespmem:s20+$0xC100] =	vst.add.f32.msk $0xffff, v8  }
0x3ad: {  	s6 =	simm.s32 $0x0;
	[tilespmem:s20+$0xC110] =	vst.add.f32.msk $0xffff, v9  }
.LBB2_28:
0x3ae: {  	s6 =	sadd.s32 $0x8, s6;
	[tilespmem:s20+$0xC120] =	vst.add.f32.msk $0xffff, v7  }
0x3af: {  	s19 =	sadd.s32 $0x400, s19;
	s7 =	sshll.u32 s6, $0x4;
	p0 =	slt.u32 s6, $0x3F8;
	[tilespmem:s20+$0xC130] =	vst.add.f32.msk $0xffff, v6  }
0x3b0: {  	s8 =	sand.u32 $0x1C00, s19;
	s13 =	sshll.u32 s6, $0x1;
	s7 =	sand.u32 $0x2000, s7;
	[tilespmem:s20+$0xC140] =	vst.add.f32.msk $0xffff, v5  }
0x3b1: {  	s7 =	sor.u32 s8, s7;
	s8 =	sand.u32 $0x380, s13;
	[tilespmem:s20+$0xC150] =	vst.add.f32.msk $0xffff, v3  }
0x3b2: {  	[tilespmem:s20+$0xC160] =	vst.add.f32.msk $0xffff, v4;
	s20 =	sor.u32 s8, s7  }
0x3b3: {  	v3 =	vld [tilespmem:s20+$0x18170]  }
0x3b4: {  	v8 =	vld [tilespmem:s20+$0x18100]  }
0x3b5: {  	v9 =	vld [tilespmem:s20+$0x18110]  }
0x3b6: {  	v7 =	vld [tilespmem:s20+$0x18120]  }
0x3b7: {  	v6 =	vld [tilespmem:s20+$0x18130]  }
0x3b8: {  	[tilespmem:s20+$0xC170] =	vst.add.f32.msk $0xffff, v3  }
.Ltmp13:
0x3b9: {  	v5 =	vld [tilespmem:s20+$0x18140];
	(pc) =	sbr.rel @p0 .LBB2_28-.Ltmp13, $4  }
0x3ba: {  	v3 =	vld [tilespmem:s20+$0x18150]  }
0x3bb: {  	v4 =	vld [tilespmem:s20+$0x18160]  }
0x3bc: {  	[tilespmem:s20+$0xC100] =	vst.add.f32.msk $0xffff, v8  }
0x3bd: {  	[tilespmem:s20+$0xC110] =	vst.add.f32.msk $0xffff, v9  }
0x3be: {  	[tilespmem:s20+$0xC120] =	vst.add.f32.msk $0xffff, v7  }
0x3bf: {  	[tilespmem:s20+$0xC130] =	vst.add.f32.msk $0xffff, v6  }
0x3c0: {  	[tilespmem:s20+$0xC140] =	vst.add.f32.msk $0xffff, v5  }
0x3c1: {  	[tilespmem:s20+$0xC150] =	vst.add.f32.msk $0xffff, v3  }
0x3c2: {  	s19 =	simm.s32 $0x0;
	[tilespmem:s20+$0xC160] =	vst.add.f32.msk $0xffff, v4  }
0x3c3: {  	s13 =	simm.s32 $0x0;
	s8 =	simm.s32 $0x0;
	s6 =	rddreg [dreg:$0x1b]  }
0x3c4: {  	[hbm4b:s6+s19] =	stream.linear.scatter [tilespmem:s18], [sflag:$0x9], $0x4000, $0x38;
	[tilespmem:$0x1C100] =	vst v63  }
0x3c5: {  	s7 =	sand.u32 $0x1C00, s19;
	s6 =	sand.u32 $0x2000, s13;
	_ =	swait.ge [sflag:s0], $0x4000  }
0x3c6: {  	s20 =	sand.u32 $0x380, s8;
	s6 =	sor.u32 s7, s6;
	[sflag:s0] =	ssyncset.done $0x0  }
0x3c7: {  	s20 =	sor.u32 s20, s6;
	[sflag:s0] =	ssyncadd.s32 $0xFFFFC000  }
0x3c8: {  	v3 =	vld [tilespmem:s20+$0x18170]  }
0x3c9: {  	v8 =	vld [tilespmem:s20+$0x18100]  }
0x3ca: {  	v9 =	vld [tilespmem:s20+$0x18110]  }
0x3cb: {  	v7 =	vld [tilespmem:s20+$0x18120]  }
0x3cc: {  	v6 =	vld [tilespmem:s20+$0x18130]  }
0x3cd: {  	v5 =	vld [tilespmem:s20+$0x18140]  }
0x3ce: {  	v4 =	vld [tilespmem:s20+$0x18160]  }
0x3cf: {  	[tilespmem:s20+$0x10170] =	vst.add.f32.msk $0xffff, v3  }
0x3d0: {  	v3 =	vld [tilespmem:s20+$0x18150]  }
0x3d1: {  	[tilespmem:s20+$0x10100] =	vst.add.f32.msk $0xffff, v8  }
0x3d2: {  	s6 =	simm.s32 $0x0;
	[tilespmem:s20+$0x10110] =	vst.add.f32.msk $0xffff, v9  }
.LBB2_30:
0x3d3: {  	s6 =	sadd.s32 $0x8, s6;
	[tilespmem:s20+$0x10120] =	vst.add.f32.msk $0xffff, v7  }
0x3d4: {  	s19 =	sadd.s32 $0x400, s19;
	s7 =	sshll.u32 s6, $0x4;
	p0 =	slt.u32 s6, $0x3F8;
	[tilespmem:s20+$0x10130] =	vst.add.f32.msk $0xffff, v6  }
0x3d5: {  	s8 =	sand.u32 $0x1C00, s19;
	s13 =	sshll.u32 s6, $0x1;
	s7 =	sand.u32 $0x2000, s7;
	[tilespmem:s20+$0x10140] =	vst.add.f32.msk $0xffff, v5  }
0x3d6: {  	s7 =	sor.u32 s8, s7;
	s8 =	sand.u32 $0x380, s13;
	[tilespmem:s20+$0x10150] =	vst.add.f32.msk $0xffff, v3  }
0x3d7: {  	[tilespmem:s20+$0x10160] =	vst.add.f32.msk $0xffff, v4;
	s20 =	sor.u32 s8, s7  }
0x3d8: {  	v3 =	vld [tilespmem:s20+$0x18170]  }
0x3d9: {  	v8 =	vld [tilespmem:s20+$0x18100]  }
0x3da: {  	v9 =	vld [tilespmem:s20+$0x18110]  }
0x3db: {  	v7 =	vld [tilespmem:s20+$0x18120]  }
0x3dc: {  	v6 =	vld [tilespmem:s20+$0x18130]  }
0x3dd: {  	[tilespmem:s20+$0x10170] =	vst.add.f32.msk $0xffff, v3  }
.Ltmp14:
0x3de: {  	v5 =	vld [tilespmem:s20+$0x18140];
	(pc) =	sbr.rel @p0 .LBB2_30-.Ltmp14, $4  }
0x3df: {  	v3 =	vld [tilespmem:s20+$0x18150]  }
0x3e0: {  	v4 =	vld [tilespmem:s20+$0x18160]  }
0x3e1: {  	[tilespmem:s20+$0x10100] =	vst.add.f32.msk $0xffff, v8  }
0x3e2: {  	[tilespmem:s20+$0x10110] =	vst.add.f32.msk $0xffff, v9  }
0x3e3: {  	[tilespmem:s20+$0x10120] =	vst.add.f32.msk $0xffff, v7  }
0x3e4: {  	[tilespmem:s20+$0x10130] =	vst.add.f32.msk $0xffff, v6  }
0x3e5: {  	[tilespmem:s20+$0x10140] =	vst.add.f32.msk $0xffff, v5  }
0x3e6: {  	[tilespmem:s20+$0x10150] =	vst.add.f32.msk $0xffff, v3  }
0x3e7: {  	s19 =	simm.s32 $0x0;
	[tilespmem:s20+$0x10160] =	vst.add.f32.msk $0xffff, v4  }
0x3e8: {  	s13 =	simm.s32 $0x0;
	s8 =	simm.s32 $0x0;
	s6 =	rddreg [dreg:$0x1c]  }
0x3e9: {  	[hbm4b:s6+s19] =	stream.linear.scatter [tilespmem:s30], [sflag:$0xA], $0x4000, $0x38;
	[tilespmem:$0x1C100] =	vst v63  }
0x3ea: {  	s7 =	sand.u32 $0x1C00, s19;
	s6 =	sand.u32 $0x2000, s13;
	_ =	swait.ge [sflag:s29], $0x4000  }
0x3eb: {  	s20 =	sand.u32 $0x380, s8;
	s6 =	sor.u32 s7, s6;
	[sflag:s29] =	ssyncset.done $0x0  }
0x3ec: {  	s20 =	sor.u32 s20, s6;
	[sflag:s29] =	ssyncadd.s32 $0xFFFFC000  }
0x3ed: {  	v3 =	vld [tilespmem:s20+$0x18170]  }
0x3ee: {  	v8 =	vld [tilespmem:s20+$0x18100]  }
0x3ef: {  	v9 =	vld [tilespmem:s20+$0x18110]  }
0x3f0: {  	v7 =	vld [tilespmem:s20+$0x18120]  }
0x3f1: {  	v6 =	vld [tilespmem:s20+$0x18130]  }
0x3f2: {  	v5 =	vld [tilespmem:s20+$0x18140]  }
0x3f3: {  	v4 =	vld [tilespmem:s20+$0x18160]  }
0x3f4: {  	[tilespmem:s20+$0x170] =	vst.add.f32.msk $0xffff, v3  }
0x3f5: {  	v3 =	vld [tilespmem:s20+$0x18150]  }
0x3f6: {  	[tilespmem:s20+$0x100] =	vst.add.f32.msk $0xffff, v8  }
0x3f7: {  	s6 =	simm.s32 $0x0;
	[tilespmem:s20+$0x110] =	vst.add.f32.msk $0xffff, v9  }
.LBB2_32:
0x3f8: {  	s6 =	sadd.s32 $0x8, s6;
	[tilespmem:s20+$0x120] =	vst.add.f32.msk $0xffff, v7  }
0x3f9: {  	s19 =	sadd.s32 $0x400, s19;
	s7 =	sshll.u32 s6, $0x4;
	p0 =	slt.u32 s6, $0x3F8;
	[tilespmem:s20+$0x130] =	vst.add.f32.msk $0xffff, v6  }
0x3fa: {  	s8 =	sand.u32 $0x1C00, s19;
	s13 =	sshll.u32 s6, $0x1;
	s7 =	sand.u32 $0x2000, s7;
	[tilespmem:s20+$0x140] =	vst.add.f32.msk $0xffff, v5  }
0x3fb: {  	s7 =	sor.u32 s8, s7;
	s8 =	sand.u32 $0x380, s13;
	[tilespmem:s20+$0x150] =	vst.add.f32.msk $0xffff, v3  }
0x3fc: {  	[tilespmem:s20+$0x160] =	vst.add.f32.msk $0xffff, v4;
	s20 =	sor.u32 s8, s7  }
0x3fd: {  	v3 =	vld [tilespmem:s20+$0x18170]  }
0x3fe: {  	v8 =	vld [tilespmem:s20+$0x18100]  }
0x3ff: {  	v9 =	vld [tilespmem:s20+$0x18110]  }
0x400: {  	v7 =	vld [tilespmem:s20+$0x18120]  }
0x401: {  	v6 =	vld [tilespmem:s20+$0x18130]  }
0x402: {  	[tilespmem:s20+$0x170] =	vst.add.f32.msk $0xffff, v3  }
.Ltmp15:
0x403: {  	v5 =	vld [tilespmem:s20+$0x18140];
	(pc) =	sbr.rel @p0 .LBB2_32-.Ltmp15, $4  }
0x404: {  	v3 =	vld [tilespmem:s20+$0x18150]  }
0x405: {  	v4 =	vld [tilespmem:s20+$0x18160]  }
0x406: {  	[tilespmem:s20+$0x100] =	vst.add.f32.msk $0xffff, v8  }
0x407: {  	[tilespmem:s20+$0x110] =	vst.add.f32.msk $0xffff, v9  }
0x408: {  	[tilespmem:s20+$0x120] =	vst.add.f32.msk $0xffff, v7  }
0x409: {  	[tilespmem:s20+$0x130] =	vst.add.f32.msk $0xffff, v6  }
0x40a: {  	[tilespmem:s20+$0x140] =	vst.add.f32.msk $0xffff, v5  }
0x40b: {  	[tilespmem:s20+$0x150] =	vst.add.f32.msk $0xffff, v3  }
0x40c: {  	[tilespmem:s20+$0x160] =	vst.add.f32.msk $0xffff, v4  }
0x40d: {  	s6 =	rddreg [dreg:$0x1d]  }
0x40e: {  	[hbm4b:s6+s3] =	stream.linear.scatter [tilespmem:s5], [sflag:$0x6], $0x4000, $0x38;
	[tilespmem:$0x1C100] =	vst v63  }
0x40f: {  	_ =	swait.ge [sflag:s24], $0x4000  }
0x410: {  	[sflag:s24] =	ssyncset.done $0x0  }
0x411: {  	[sflag:s24] =	ssyncadd.s32 $0xFFFFC000  }
0x412: {  	_ =	swait.ge [sflag:s31], $0x4000  }
0x413: {  	[sflag:s31] =	ssyncset.done $0x0  }
0x414: {  	[sflag:s31] =	ssyncadd.s32 $0xFFFFC000  }
0x415: {  	_ =	swait.ge [sflag:s12], $0x4000  }
0x416: {  	[sflag:s12] =	ssyncset.done $0x0  }
0x417: {  	[sflag:s12] =	ssyncadd.s32 $0xFFFFC000  }
0x418: {  	_ =	swait.ge [sflag:s4], $0x4000  }
0x419: {  	[sflag:s4] =	ssyncset.done $0x0  }
0x41a: {  	[sflag:s4] =	ssyncadd.s32 $0xFFFFC000  }
0x41b: {  	_ =	swait.ge [sflag:s22], $0x4000  }
0x41c: {  	s16 =	sadd.s32 $0x1, s16;
	s20 =	rddreg [dreg:$0x17]  }
0x41d: {  	p0 =	sne.s32 s16, s20  }
.Ltmp16:
0x41e: {  	_ = 	snop;
	(pc) =	sbr.rel @p0 .LBB2_1-.Ltmp16, $3  }
0x41f: {  	_ =	sdelay $0x1  }
0x420: {  	[sflag:s22] =	ssyncset.done $0x0  }
0x421: {  	[sflag:s22] =	ssyncadd.s32 $0xFFFFC000  }
0x422: {  	_ =	sfence.sel $0x180000  }
0x423: {  	[bflag:$0x0] =	sbarrier.arrive $0xFFFF  }
0x424: {  	_ =	strace $0x90000047  }
0x425: {  	s0 =	stileid.u32;
	[bflag:$0x2] =	sbarrier.arrive $0xFFFF  }
0x426: {  	p0 =	sne.s32 s0, $0x0;
	s0 =	rddreg [dreg:$0x4]  }
0x427: {  	s0 =	sadd.s32 @!p0 $0x100000, s0  }
0x428: {  	[sflag:s0] =	ssyncadd.tile.s32 @!p0 $0x1;
	_ =	shalt  }
.Lfunc_end2:
_tile_overlayer_lowered:
.L_overlay_start_2:
0x429: {  	(tag) =	ssettag $0x2  }
0x42a: {  	s0 =	rddreg [dreg:$0x0];
	s2 =	stileid.u32  }
0x42b: {  	s1 =	rddreg [dreg:$0x1];
	p0 =	sne.s32 s2, $0x0  }
0x42c: {  	s3 =	rddreg [dreg:$0x2];
	[bflag:$0x3] =	sbarrier.arrive $0xFFFF;
	s2 =	simm.s32 @!p0 $0x1C10  }
0x42d: {  	[timem:s3], [sflag:s2] =	dma.local @!p0 [hbm:s0], s1  }
0x42e: {  	s0 =	simm.s32 @!p0 $0x10  }
0x42f: {  	_ =	swait.ge @!p0 [sflag:s0], s1  }
0x430: {  	s1 =	ssub.s32 @!p0 $0x0, s1;
	[sflag:s0] =	ssyncset.done @!p0 $0x0  }
0x431: {  	[sflag:s0] =	ssyncadd.s32 @!p0 s1  }
0x432: {  	[bflag:$0x3] =	sbarrier.arrive $0xFFFF  }
0x433: {  	_ =	shalt  }

</sc_bundles>
